<compile_context>
chip_gen: v7x
topology: tpu7x:2x2x1
jax: 0.10.2.dev20260603
libtpu: 0.0.44.dev20260713+nightly
codegen_flags: <defaults>
</compile_context>

<pallas_src>
import functools

import jax
import jax.numpy as jnp
from jax import lax
from jax.experimental import pallas as pl
from jax.experimental.pallas import tpu as pltpu
from jax.experimental.pallas import tpu_sc as plsc

N = 10000
E = 160000
DIN = 256
H = 4
D = 64
HD = H * D
HHALF = HD // 2
NC = 2
NS = 16
L = 16
ROWW = HHALF + L
EPT = E // NS
CH = 16
NCHUNK = EPT // CH
NBUF = 3
P2R = 8
NEG_SLOPE = 0.2


def _tc_project(x, Wcat, bcat):
    ROWB = 1000

    def body(x_ref, w_ref, b_ref, o_ref):
        acc = jnp.dot(x_ref[...], w_ref[0], preferred_element_type=jnp.float32)
        o_ref[...] = (acc + b_ref[0])[None]

    return pl.pallas_call(
        body,
        grid=(4, N // ROWB),
        in_specs=[
            pl.BlockSpec((ROWB, DIN), lambda j, i: (i, 0)),
            pl.BlockSpec((1, DIN, HHALF), lambda j, i: (j, 0, 0)),
            pl.BlockSpec((1, 1, HHALF), lambda j, i: (j, 0, 0)),
        ],
        out_specs=pl.BlockSpec((1, ROWB, HHALF), lambda j, i: (j, i, 0)),
        out_shape=jax.ShapeDtypeStruct((4, N, HHALF), jnp.float32),
    )(x, Wcat, bcat)


def _sc_edge(table, src_ids, dst_ids, attn_flat):
    mesh = plsc.VectorSubcoreMesh(core_axis_name="c", subcore_axis_name="s")

    @functools.partial(
        pl.kernel,
        out_type=jax.ShapeDtypeStruct((N, HD), jnp.float32),
        mesh=mesh,
        compiler_params=pltpu.CompilerParams(
            needs_layout_passes=False, use_tc_tiling_on_sc=False),
        scratch_types=[
            pltpu.VMEM((EPT,), jnp.int32),
            pltpu.VMEM((EPT,), jnp.int32),
            pltpu.VMEM((NBUF, CH, HHALF), jnp.float32),
            pltpu.VMEM((NBUF, CH, HHALF), jnp.float32),
            pltpu.VMEM((NBUF, CH, ROWW), jnp.float32),
            pltpu.VMEM((HHALF,), jnp.float32),
            pltpu.VMEM_SHARED((N, ROWW), jnp.float32),
            pltpu.SemaphoreType.DMA,
            pltpu.SemaphoreType.DMA,
        ],
    )
    def k(table_hbm, src_hbm, dst_hbm, attn_hbm, out_hbm,
          srcv, dstv, fsb, fdb, outb, attnv,
          acc, gsem, ssem):
        cid = lax.axis_index("c")
        sid = lax.axis_index("s")
        lane = lax.broadcasted_iota(jnp.int32, (L,), 0)

        zv = jnp.zeros((L,), jnp.float32)
        for r in range(CH):
            for kk in range(ROWW // L):
                outb[0, r, pl.ds(kk * L, L)] = zv

        def zbody(t, carry):
            c = sid + NS * t

            @pl.when(c < N // L)
            def _():
                pltpu.sync_copy(outb.at[0], acc.at[pl.ds(c * L, L)])

            return carry

        lax.fori_loop(0, (N // L + NS - 1) // NS, zbody, 0)

        ebase = sid * EPT
        pltpu.sync_copy(src_hbm.at[pl.ds(ebase, EPT)], srcv)
        pltpu.sync_copy(dst_hbm.at[pl.ds(ebase, EPT)], dstv)
        pltpu.sync_copy(attn_hbm.at[pl.ds(cid * HHALF, HHALF)], attnv)
        av = [attnv[pl.ds(kk * L, L)] for kk in range(HHALF // L)]

        plsc.subcore_barrier()

        fs_off = cid * N
        fd_off = cid * N + 2 * N
        dummy16 = jnp.zeros((CH,), jnp.int32)

        def fire_gathers(j, par):
            e0 = j * CH
            s16 = srcv[pl.ds(e0, CH)] + fs_off
            d16 = dstv[pl.ds(e0, CH)] + fd_off
            pltpu.async_copy(table_hbm.at[s16], fsb.at[par], gsem)
            pltpu.async_copy(table_hbm.at[d16], fdb.at[par], gsem)

        def wait_gathers():
            pltpu.make_async_copy(table_hbm.at[dummy16], fsb.at[0],
                                  gsem).wait()
            pltpu.make_async_copy(table_hbm.at[dummy16], fdb.at[0],
                                  gsem).wait()

        def fire_scatter(j, par):
            d16 = dstv[pl.ds(j * CH, CH)]
            pltpu.async_copy(outb.at[par], acc.at[d16], ssem, add=True)

        def wait_scatter():
            pltpu.make_async_copy(outb.at[0], acc.at[dummy16], ssem).wait()

        def compute(par):
            def one_edge(e):
                fs = [fsb[par, e, pl.ds(kk * L, L)] for kk in range(8)]
                t = []
                for kk in range(8):
                    z = fs[kk] + fdb[par, e, pl.ds(kk * L, L)]
                    m = jnp.maximum(z, NEG_SLOPE * z)
                    t.append(m * av[kk])
                l0 = jnp.sum((t[0] + t[1]) + (t[2] + t[3]))
                l1 = jnp.sum((t[4] + t[5]) + (t[6] + t[7]))
                w0v = jnp.exp(jnp.full((L,), l0, jnp.float32))
                w1v = jnp.exp(jnp.full((L,), l1, jnp.float32))
                for kk in range(8):
                    outb[par, e, pl.ds(kk * L, L)] = fs[kk] * (
                        w0v if kk < 4 else w1v)
                dv = jnp.where(lane == 0, w0v,
                               jnp.where(lane == 1, w1v,
                                         jnp.zeros_like(w0v)))
                outb[par, e, pl.ds(HHALF, L)] = dv

            @plsc.parallel_loop(0, CH, 1, unroll=8)
            def _(e):
                one_edge(e)

        for kpre in range(NBUF - 1):
            fire_gathers(kpre, kpre)

        def chunk_body(j, carry):
            par = lax.rem(j, NBUF)

            @pl.when(j + NBUF - 1 < NCHUNK)
            def _():
                fire_gathers(j + NBUF - 1, lax.rem(j + NBUF - 1, NBUF))

            wait_gathers()

            @pl.when(j >= NBUF)
            def _():
                wait_scatter()

            compute(par)
            fire_scatter(j, par)
            return carry

        lax.fori_loop(0, NCHUNK, chunk_body, 0)
        for _ in range(NBUF):
            wait_scatter()

        plsc.subcore_barrier()

        def div_body(t, carry):
            c = sid + NS * t

            @pl.when(c < N // P2R)
            def _():
                r0 = c * P2R
                pltpu.sync_copy(acc.at[pl.ds(r0, P2R)],
                                outb.at[0, pl.ds(0, P2R)])
                for r in range(P2R):
                    dvec = outb[0, r, pl.ds(HHALF, L)]
                    inv = jnp.where(dvec > 0.0, 1.0 / dvec,
                                    jnp.zeros_like(dvec))
                    i0 = inv[0]
                    i1 = inv[1]
                    for kk in range(8):
                        scal = i0 if kk < 4 else i1
                        fsb[0, r, pl.ds(kk * L, L)] = (
                            outb[0, r, pl.ds(kk * L, L)] * scal)
                pltpu.sync_copy(
                    fsb.at[0, pl.ds(0, P2R)],
                    out_hbm.at[pl.ds(r0, P2R), pl.ds(cid * HHALF, HHALF)])

            return carry

        lax.fori_loop(0, (N // P2R + NS - 1) // NS, div_body, 0)

    return k(table, src_ids, dst_ids, attn_flat)


def kernel(x, edge_index, W_src, b_src, W_dst, b_dst, attn):
    WsT = W_src.T
    WdT = W_dst.T
    Wcat = jnp.stack([WsT[:, :HHALF], WsT[:, HHALF:],
                      WdT[:, :HHALF], WdT[:, HHALF:]])
    bcat = jnp.stack([b_src[:HHALF], b_src[HHALF:],
                      b_dst[:HHALF], b_dst[HHALF:]]).reshape(4, 1, HHALF)
    table = _tc_project(x, Wcat, bcat).reshape(4 * N, HHALF)
    out = _sc_edge(table, edge_index[0], edge_index[1], attn.reshape(HD))
    return out.reshape(N, H, D)

# --- scband reference (transcript-rebuilt; emitter-appended) ---
"""Pipeline reference for scband-gatv2-conv-3401614098970 (READ-ONLY COPY).

The authoritative reference and input builder live on the scoring server;
editing this copy changes nothing except your own understanding.
"""

import jax, jax.numpy as jnp
import numpy as np
import math

N = 10000
E = 160000
DIN = 256
H = 4
DOUT = 64

def _glorot(key, shape, fan_in, fan_out, gain):
    std = gain * math.sqrt(2.0 / (fan_in + fan_out))
    return jax.random.normal(key, shape, jnp.float32) * std

def setup_inputs(seed: int = 0) -> dict:
    key = jax.random.key(seed)
    ks = jax.random.split(key, 6)
    gain = math.sqrt(2.0)  # calculate_gain('relu')
    x = jax.random.normal(ks[0], (N, DIN), jnp.float32)
    edge_index = jax.random.randint(ks[1], (2, E), 0, N, dtype=jnp.int32)
    W_src = _glorot(ks[2], (H * DOUT, DIN), DIN, H * DOUT, gain)
    b_src = jnp.zeros((H * DOUT,), jnp.float32)
    W_dst = _glorot(ks[3], (H * DOUT, DIN), DIN, H * DOUT, gain)
    b_dst = jnp.zeros((H * DOUT,), jnp.float32)
    attn = _glorot(ks[4], (1, H, DOUT), DOUT, H, gain)
    return {"x": x, "edge_index": edge_index, "W_src": W_src, "b_src": b_src,
            "W_dst": W_dst, "b_dst": b_dst, "attn": attn}

def reference(x, edge_index, W_src, b_src, W_dst, b_dst, attn):
    # fc projections (dropout is identity at p=0.0)
    feat_src = (x @ W_src.T + b_src).reshape(-1, H, DOUT)
    feat_dst = (x @ W_dst.T + b_dst).reshape(-1, H, DOUT)
    src = edge_index[0]
    dst = edge_index[1]
    # u_add_v then leaky_relu (GATv2 ordering)
    e = jax.nn.leaky_relu(feat_src[src] + feat_dst[dst], negative_slope=0.2)  # [E,H,D]
    logits = jnp.sum(e * attn, axis=-1)  # [E,H]
    # edge softmax grouped by destination node
    seg_max = jax.ops.segment_max(logits, dst, num_segments=N)  # [N,H]
    seg_max = jnp.where(jnp.isfinite(seg_max), seg_max, 0.0)
    ex = jnp.exp(logits - seg_max[dst])  # [E,H]
    denom = jax.ops.segment_sum(ex, dst, num_segments=N)  # [N,H]
    a = ex / (denom[dst] + 1e-9)  # [E,H]
    # message passing: u_mul_e then sum over incoming edges
    msgs = feat_src[src] * a[:, :, None]  # [E,H,D]
    rst = jax.ops.segment_sum(msgs, dst, num_segments=N)  # [N,H,D]
    return rst

if __name__ == "__main__":
    import jax
    _d = setup_inputs()
    print(jax.jit(kernel)(*tuple(_d.values())))

</pallas_src>

<mosaic_0001>
#map = affine_map<(d0, d1) -> (0, 0)>
#map1 = affine_map<(d0, d1) -> (0)>
module attributes {stable_mosaic.version = 14 : i64} {
  func.func @k(%arg0: i32, %arg1: i32, %arg2: memref<40000x128xf32, #tpu.memory_space<hbm>>, %arg3: memref<160000xi32, #tpu.memory_space<hbm>>, %arg4: memref<160000xi32, #tpu.memory_space<hbm>>, %arg5: memref<256xf32, #tpu.memory_space<hbm>>, %arg6: memref<10000x256xf32, #tpu.memory_space<hbm>>, %arg7: memref<10000xi32, #tpu.memory_space<vmem>>, %arg8: memref<10000xi32, #tpu.memory_space<vmem>>, %arg9: memref<3x16x128xf32, #tpu.memory_space<vmem>>, %arg10: memref<3x16x128xf32, #tpu.memory_space<vmem>>, %arg11: memref<3x16x144xf32, #tpu.memory_space<vmem>>, %arg12: memref<128xf32, #tpu.memory_space<vmem>>, %arg13: memref<10000x144xf32, #tpu.memory_space<vmem_shared>>, %arg14: memref<!tpu.dma_semaphore, #tpu.memory_space<semaphore_mem>>, %arg15: memref<!tpu.dma_semaphore, #tpu.memory_space<semaphore_mem>>) attributes {dimension_semantics = [#tpu.dimension_semantics<core_parallel>, #tpu.dimension_semantics<subcore_parallel>], iteration_bounds = array<i64: 2, 16>, scalar_prefetch = 0 : i64, scratch_operands = 9 : i64, tpu.core_type = #tpu.core_type<sc_vector_subcore>, window_params = [{transform_indices = #map}, {transform_indices = #map1}, {transform_indices = #map1}, {transform_indices = #map1}, {transform_indices = #map}]} {
    %iota3A = tpu.iota {dimensions = array<i32: 0>} : vector<16xi32>
    %broadcast_in_dim3A = arith.constant 0.000000e+00 : f32
    %broadcast_in_dim3A_0 = vector.broadcast %broadcast_in_dim3A : f32 to vector<16xf32>
    %swap3A = arith.constant 0 : i32
    %swap3A_1 = arith.constant 0 : i32
    %swap3A_2 = arith.index_cast %swap3A : i32 to index
    %swap3A_3 = arith.index_cast %swap3A_1 : i32 to index
    %swap3A_4 = arith.constant 0 : index
    %swap3A_5 = tpu.vector_load %arg11[%swap3A_2, %swap3A_3, %swap3A_4] {strides = array<i32>} : memref<3x16x144xf32, #tpu.memory_space<vmem>>, vector<16xf32>,
    tpu.vector_store %arg11[%swap3A_2, %swap3A_3, %swap3A_4], %broadcast_in_dim3A_0 {strides = array<i32>} : memref<3x16x144xf32, #tpu.memory_space<vmem>>, vector<16xf32>,
    %swap3A_6 = arith.constant 0 : i32
    %swap3A_7 = arith.constant 0 : i32
    %swap3A_8 = arith.index_cast %swap3A_6 : i32 to index
    %swap3A_9 = arith.index_cast %swap3A_7 : i32 to index
    %swap3A_10 = arith.constant 16 : index
    %swap3A_11 = tpu.vector_load %arg11[%swap3A_8, %swap3A_9, %swap3A_10] {strides = array<i32>} : memref<3x16x144xf32, #tpu.memory_space<vmem>>, vector<16xf32>,
    tpu.vector_store %arg11[%swap3A_8, %swap3A_9, %swap3A_10], %broadcast_in_dim3A_0 {strides = array<i32>} : memref<3x16x144xf32, #tpu.memory_space<vmem>>, vector<16xf32>,
    %swap3A_12 = arith.constant 0 : i32
    %swap3A_13 = arith.constant 0 : i32
    %swap3A_14 = arith.index_cast %swap3A_12 : i32 to index
    %swap3A_15 = arith.index_cast %swap3A_13 : i32 to index
    %swap3A_16 = arith.constant 32 : index
    %swap3A_17 = tpu.vector_load %arg11[%swap3A_14, %swap3A_15, %swap3A_16] {strides = array<i32>} : memref<3x16x144xf32, #tpu.memory_space<vmem>>, vector<16xf32>,
    tpu.vector_store %arg11[%swap3A_14, %swap3A_15, %swap3A_16], %broadcast_in_dim3A_0 {strides = array<i32>} : memref<3x16x144xf32, #tpu.memory_space<vmem>>, vector<16xf32>,
    %swap3A_18 = arith.constant 0 : i32
    %swap3A_19 = arith.constant 0 : i32
    %swap3A_20 = arith.index_cast %swap3A_18 : i32 to index
    %swap3A_21 = arith.index_cast %swap3A_19 : i32 to index
    %swap3A_22 = arith.constant 48 : index
    %swap3A_23 = tpu.vector_load %arg11[%swap3A_20, %swap3A_21, %swap3A_22] {strides = array<i32>} : memref<3x16x144xf32, #tpu.memory_space<vmem>>, vector<16xf32>,
    tpu.vector_store %arg11[%swap3A_20, %swap3A_21, %swap3A_22], %broadcast_in_dim3A_0 {strides = array<i32>} : memref<3x16x144xf32, #tpu.memory_space<vmem>>, vector<16xf32>,
    %swap3A_24 = arith.constant 0 : i32
    %swap3A_25 = arith.constant 0 : i32
    %swap3A_26 = arith.index_cast %swap3A_24 : i32 to index
    %swap3A_27 = arith.index_cast %swap3A_25 : i32 to index
    %swap3A_28 = arith.constant 64 : index
    %swap3A_29 = tpu.vector_load %arg11[%swap3A_26, %swap3A_27, %swap3A_28] {strides = array<i32>} : memref<3x16x144xf32, #tpu.memory_space<vmem>>, vector<16xf32>,
    tpu.vector_store %arg11[%swap3A_26, %swap3A_27, %swap3A_28], %broadcast_in_dim3A_0 {strides = array<i32>} : memref<3x16x144xf32, #tpu.memory_space<vmem>>, vector<16xf32>,
    %swap3A_30 = arith.constant 0 : i32
    %swap3A_31 = arith.constant 0 : i32
    %swap3A_32 = arith.index_cast %swap3A_30 : i32 to index
    %swap3A_33 = arith.index_cast %swap3A_31 : i32 to index
    %swap3A_34 = arith.constant 80 : index
    %swap3A_35 = tpu.vector_load %arg11[%swap3A_32, %swap3A_33, %swap3A_34] {strides = array<i32>} : memref<3x16x144xf32, #tpu.memory_space<vmem>>, vector<16xf32>,
    tpu.vector_store %arg11[%swap3A_32, %swap3A_33, %swap3A_34], %broadcast_in_dim3A_0 {strides = array<i32>} : memref<3x16x144xf32, #tpu.memory_space<vmem>>, vector<16xf32>,
    %swap3A_36 = arith.constant 0 : i32
    %swap3A_37 = arith.constant 0 : i32
    %swap3A_38 = arith.index_cast %swap3A_36 : i32 to index
    %swap3A_39 = arith.index_cast %swap3A_37 : i32 to index
    %swap3A_40 = arith.constant 96 : index
    %swap3A_41 = tpu.vector_load %arg11[%swap3A_38, %swap3A_39, %swap3A_40] {strides = array<i32>} : memref<3x16x144xf32, #tpu.memory_space<vmem>>, vector<16xf32>,
    tpu.vector_store %arg11[%swap3A_38, %swap3A_39, %swap3A_40], %broadcast_in_dim3A_0 {strides = array<i32>} : memref<3x16x144xf32, #tpu.memory_space<vmem>>, vector<16xf32>,
    %swap3A_42 = arith.constant 0 : i32
    %swap3A_43 = arith.constant 0 : i32
    %swap3A_44 = arith.index_cast %swap3A_42 : i32 to index
    %swap3A_45 = arith.index_cast %swap3A_43 : i32 to index
    %swap3A_46 = arith.constant 112 : index
    %swap3A_47 = tpu.vector_load %arg11[%swap3A_44, %swap3A_45, %swap3A_46] {strides = array<i32>} : memref<3x16x144xf32, #tpu.memory_space<vmem>>, vector<16xf32>,
    tpu.vector_store %arg11[%swap3A_44, %swap3A_45, %swap3A_46], %broadcast_in_dim3A_0 {strides = array<i32>} : memref<3x16x144xf32, #tpu.memory_space<vmem>>, vector<16xf32>,
    %swap3A_48 = arith.constant 0 : i32
    %swap3A_49 = arith.constant 0 : i32
    %swap3A_50 = arith.index_cast %swap3A_48 : i32 to index
    %swap3A_51 = arith.index_cast %swap3A_49 : i32 to index
    %swap3A_52 = arith.constant 128 : index
    %swap3A_53 = tpu.vector_load %arg11[%swap3A_50, %swap3A_51, %swap3A_52] {strides = array<i32>} : memref<3x16x144xf32, #tpu.memory_space<vmem>>, vector<16xf32>,
    tpu.vector_store %arg11[%swap3A_50, %swap3A_51, %swap3A_52], %broadcast_in_dim3A_0 {strides = array<i32>} : memref<3x16x144xf32, #tpu.memory_space<vmem>>, vector<16xf32>,
    %swap3A_54 = arith.constant 0 : i32
    %swap3A_55 = arith.constant 1 : i32
    %swap3A_56 = arith.index_cast %swap3A_54 : i32 to index
    %swap3A_57 = arith.index_cast %swap3A_55 : i32 to index
    %swap3A_58 = arith.constant 0 : index
    %swap3A_59 = tpu.vector_load %arg11[%swap3A_56, %swap3A_57, %swap3A_58] {strides = array<i32>} : memref<3x16x144xf32, #tpu.memory_space<vmem>>, vector<16xf32>,
    tpu.vector_store %arg11[%swap3A_56, %swap3A_57, %swap3A_58], %broadcast_in_dim3A_0 {strides = array<i32>} : memref<3x16x144xf32, #tpu.memory_space<vmem>>, vector<16xf32>,
    %swap3A_60 = arith.constant 0 : i32
    %swap3A_61 = arith.constant 1 : i32
    %swap3A_62 = arith.index_cast %swap3A_60 : i32 to index
    %swap3A_63 = arith.index_cast %swap3A_61 : i32 to index
    %swap3A_64 = arith.constant 16 : index
    %swap3A_65 = tpu.vector_load %arg11[%swap3A_62, %swap3A_63, %swap3A_64] {strides = array<i32>} : memref<3x16x144xf32, #tpu.memory_space<vmem>>, vector<16xf32>,
    tpu.vector_store %arg11[%swap3A_62, %swap3A_63, %swap3A_64], %broadcast_in_dim3A_0 {strides = array<i32>} : memref<3x16x144xf32, #tpu.memory_space<vmem>>, vector<16xf32>,
    %swap3A_66 = arith.constant 0 : i32
    %swap3A_67 = arith.constant 1 : i32
    %swap3A_68 = arith.index_cast %swap3A_66 : i32 to index
    %swap3A_69 = arith.index_cast %swap3A_67 : i32 to index
    %swap3A_70 = arith.constant 32 : index
    %swap3A_71 = tpu.vector_load %arg11[%swap3A_68, %swap3A_69, %swap3A_70] {strides = array<i32>} : memref<3x16x144xf32, #tpu.memory_space<vmem>>, vector<16xf32>,
    tpu.vector_store %arg11[%swap3A_68, %swap3A_69, %swap3A_70], %broadcast_in_dim3A_0 {strides = array<i32>} : memref<3x16x144xf32, #tpu.memory_space<vmem>>, vector<16xf32>,
    %swap3A_72 = arith.constant 0 : i32
    %swap3A_73 = arith.constant 1 : i32
    %swap3A_74 = arith.index_cast %swap3A_72 : i32 to index
    %swap3A_75 = arith.index_cast %swap3A_73 : i32 to index
    %swap3A_76 = arith.constant 48 : index
    %swap3A_77 = tpu.vector_load %arg11[%swap3A_74, %swap3A_75, %swap3A_76] {strides = array<i32>} : memref<3x16x144xf32, #tpu.memory_space<vmem>>, vector<16xf32>,
    tpu.vector_store %arg11[%swap3A_74, %swap3A_75, %swap3A_76], %broadcast_in_dim3A_0 {strides = array<i32>} : memref<3x16x144xf32, #tpu.memory_space<vmem>>, vector<16xf32>,
    %swap3A_78 = arith.constant 0 : i32
    %swap3A_79 = arith.constant 1 : i32
    %swap3A_80 = arith.index_cast %swap3A_78 : i32 to index
    %swap3A_81 = arith.index_cast %swap3A_79 : i32 to index
    %swap3A_82 = arith.constant 64 : index
    %swap3A_83 = tpu.vector_load %arg11[%swap3A_80, %swap3A_81, %swap3A_82] {strides = array<i32>} : memref<3x16x144xf32, #tpu.memory_space<vmem>>, vector<16xf32>,
    tpu.vector_store %arg11[%swap3A_80, %swap3A_81, %swap3A_82], %broadcast_in_dim3A_0 {strides = array<i32>} : memref<3x16x144xf32, #tpu.memory_space<vmem>>, vector<16xf32>,
    %swap3A_84 = arith.constant 0 : i32
    %swap3A_85 = arith.constant 1 : i32
    %swap3A_86 = arith.index_cast %swap3A_84 : i32 to index
    %swap3A_87 = arith.index_cast %swap3A_85 : i32 to index
    %swap3A_88 = arith.constant 80 : index
    %swap3A_89 = tpu.vector_load %arg11[%swap3A_86, %swap3A_87, %swap3A_88] {strides = array<i32>} : memref<3x16x144xf32, #tpu.memory_space<vmem>>, vector<16xf32>,
    tpu.vector_store %arg11[%swap3A_86, %swap3A_87, %swap3A_88], %broadcast_in_dim3A_0 {strides = array<i32>} : memref<3x16x144xf32, #tpu.memory_space<vmem>>, vector<16xf32>,
    %swap3A_90 = arith.constant 0 : i32
    %swap3A_91 = arith.constant 1 : i32
    %swap3A_92 = arith.index_cast %swap3A_90 : i32 to index
    %swap3A_93 = arith.index_cast %swap3A_91 : i32 to index
    %swap3A_94 = arith.constant 96 : index
    %swap3A_95 = tpu.vector_load %arg11[%swap3A_92, %swap3A_93, %swap3A_94] {strides = array<i32>} : memref<3x16x144xf32, #tpu.memory_space<vmem>>, vector<16xf32>,
    tpu.vector_store %arg11[%swap3A_92, %swap3A_93, %swap3A_94], %broadcast_in_dim3A_0 {strides = array<i32>} : memref<3x16x144xf32, #tpu.memory_space<vmem>>, vector<16xf32>,
    %swap3A_96 = arith.constant 0 : i32
    %swap3A_97 = arith.constant 1 : i32
    %swap3A_98 = arith.index_cast %swap3A_96 : i32 to index
    %swap3A_99 = arith.index_cast %swap3A_97 : i32 to index
    %swap3A_100 = arith.constant 112 : index
    %swap3A_101 = tpu.vector_load %arg11[%swap3A_98, %swap3A_99, %swap3A_100] {strides = array<i32>} : memref<3x16x144xf32, #tpu.memory_space<vmem>>, vector<16xf32>,
    tpu.vector_store %arg11[%swap3A_98, %swap3A_99, %swap3A_100], %broadcast_in_dim3A_0 {strides = array<i32>} : memref<3x16x144xf32, #tpu.memory_space<vmem>>, vector<16xf32>,
    %swap3A_102 = arith.constant 0 : i32
    %swap3A_103 = arith.constant 1 : i32
    %swap3A_104 = arith.index_cast %swap3A_102 : i32 to index
    %swap3A_105 = arith.index_cast %swap3A_103 : i32 to index
    %swap3A_106 = arith.constant 128 : index
    %swap3A_107 = tpu.vector_load %arg11[%swap3A_104, %swap3A_105, %swap3A_106] {strides = array<i32>} : memref<3x16x144xf32, #tpu.memory_space<vmem>>, vector<16xf32>,
    tpu.vector_store %arg11[%swap3A_104, %swap3A_105, %swap3A_106], %broadcast_in_dim3A_0 {strides = array<i32>} : memref<3x16x144xf32, #tpu.memory_space<vmem>>, vector<16xf32>,
    %swap3A_108 = arith.constant 0 : i32
    %swap3A_109 = arith.constant 2 : i32
    %swap3A_110 = arith.index_cast %swap3A_108 : i32 to index
    %swap3A_111 = arith.index_cast %swap3A_109 : i32 to index
    %swap3A_112 = arith.constant 0 : index
    %swap3A_113 = tpu.vector_load %arg11[%swap3A_110, %swap3A_111, %swap3A_112] {strides = array<i32>} : memref<3x16x144xf32, #tpu.memory_space<vmem>>, vector<16xf32>,
    tpu.vector_store %arg11[%swap3A_110, %swap3A_111, %swap3A_112], %broadcast_in_dim3A_0 {strides = array<i32>} : memref<3x16x144xf32, #tpu.memory_space<vmem>>, vector<16xf32>,
    %swap3A_114 = arith.constant 0 : i32
    %swap3A_115 = arith.constant 2 : i32
    %swap3A_116 = arith.index_cast %swap3A_114 : i32 to index
    %swap3A_117 = arith.index_cast %swap3A_115 : i32 to index
    %swap3A_118 = arith.constant 16 : index
    %swap3A_119 = tpu.vector_load %arg11[%swap3A_116, %swap3A_117, %swap3A_118] {strides = array<i32>} : memref<3x16x144xf32, #tpu.memory_space<vmem>>, vector<16xf32>,
    tpu.vector_store %arg11[%swap3A_116, %swap3A_117, %swap3A_118], %broadcast_in_dim3A_0 {strides = array<i32>} : memref<3x16x144xf32, #tpu.memory_space<vmem>>, vector<16xf32>,
    %swap3A_120 = arith.constant 0 : i32
    %swap3A_121 = arith.constant 2 : i32
    %swap3A_122 = arith.index_cast %swap3A_120 : i32 to index
    %swap3A_123 = arith.index_cast %swap3A_121 : i32 to index
    %swap3A_124 = arith.constant 32 : index
    %swap3A_125 = tpu.vector_load %arg11[%swap3A_122, %swap3A_123, %swap3A_124] {strides = array<i32>} : memref<3x16x144xf32, #tpu.memory_space<vmem>>, vector<16xf32>,
    tpu.vector_store %arg11[%swap3A_122, %swap3A_123, %swap3A_124], %broadcast_in_dim3A_0 {strides = array<i32>} : memref<3x16x144xf32, #tpu.memory_space<vmem>>, vector<16xf32>,
    %swap3A_126 = arith.constant 0 : i32
    %swap3A_127 = arith.constant 2 : i32
    %swap3A_128 = arith.index_cast %swap3A_126 : i32 to index
    %swap3A_129 = arith.index_cast %swap3A_127 : i32 to index
    %swap3A_130 = arith.constant 48 : index
    %swap3A_131 = tpu.vector_load %arg11[%swap3A_128, %swap3A_129, %swap3A_130] {strides = array<i32>} : memref<3x16x144xf32, #tpu.memory_space<vmem>>, vector<16xf32>,
    tpu.vector_store %arg11[%swap3A_128, %swap3A_129, %swap3A_130], %broadcast_in_dim3A_0 {strides = array<i32>} : memref<3x16x144xf32, #tpu.memory_space<vmem>>, vector<16xf32>,
    %swap3A_132 = arith.constant 0 : i32
    %swap3A_133 = arith.constant 2 : i32
    %swap3A_134 = arith.index_cast %swap3A_132 : i32 to index
    %swap3A_135 = arith.index_cast %swap3A_133 : i32 to index
    %swap3A_136 = arith.constant 64 : index
    %swap3A_137 = tpu.vector_load %arg11[%swap3A_134, %swap3A_135, %swap3A_136] {strides = array<i32>} : memref<3x16x144xf32, #tpu.memory_space<vmem>>, vector<16xf32>,
    tpu.vector_store %arg11[%swap3A_134, %swap3A_135, %swap3A_136], %broadcast_in_dim3A_0 {strides = array<i32>} : memref<3x16x144xf32, #tpu.memory_space<vmem>>, vector<16xf32>,
    %swap3A_138 = arith.constant 0 : i32
    %swap3A_139 = arith.constant 2 : i32
    %swap3A_140 = arith.index_cast %swap3A_138 : i32 to index
    %swap3A_141 = arith.index_cast %swap3A_139 : i32 to index
    %swap3A_142 = arith.constant 80 : index
    %swap3A_143 = tpu.vector_load %arg11[%swap3A_140, %swap3A_141, %swap3A_142] {strides = array<i32>} : memref<3x16x144xf32, #tpu.memory_space<vmem>>, vector<16xf32>,
    tpu.vector_store %arg11[%swap3A_140, %swap3A_141, %swap3A_142], %broadcast_in_dim3A_0 {strides = array<i32>} : memref<3x16x144xf32, #tpu.memory_space<vmem>>, vector<16xf32>,
    %swap3A_144 = arith.constant 0 : i32
    %swap3A_145 = arith.constant 2 : i32
    %swap3A_146 = arith.index_cast %swap3A_144 : i32 to index
    %swap3A_147 = arith.index_cast %swap3A_145 : i32 to index
    %swap3A_148 = arith.constant 96 : index
    %swap3A_149 = tpu.vector_load %arg11[%swap3A_146, %swap3A_147, %swap3A_148] {strides = array<i32>} : memref<3x16x144xf32, #tpu.memory_space<vmem>>, vector<16xf32>,
    tpu.vector_store %arg11[%swap3A_146, %swap3A_147, %swap3A_148], %broadcast_in_dim3A_0 {strides = array<i32>} : memref<3x16x144xf32, #tpu.memory_space<vmem>>, vector<16xf32>,
    %swap3A_150 = arith.constant 0 : i32
    %swap3A_151 = arith.constant 2 : i32
    %swap3A_152 = arith.index_cast %swap3A_150 : i32 to index
    %swap3A_153 = arith.index_cast %swap3A_151 : i32 to index
    %swap3A_154 = arith.constant 112 : index
    %swap3A_155 = tpu.vector_load %arg11[%swap3A_152, %swap3A_153, %swap3A_154] {strides = array<i32>} : memref<3x16x144xf32, #tpu.memory_space<vmem>>, vector<16xf32>,
    tpu.vector_store %arg11[%swap3A_152, %swap3A_153, %swap3A_154], %broadcast_in_dim3A_0 {strides = array<i32>} : memref<3x16x144xf32, #tpu.memory_space<vmem>>, vector<16xf32>,
    %swap3A_156 = arith.constant 0 : i32
    %swap3A_157 = arith.constant 2 : i32
    %swap3A_158 = arith.index_cast %swap3A_156 : i32 to index
    %swap3A_159 = arith.index_cast %swap3A_157 : i32 to index
    %swap3A_160 = arith.constant 128 : index
    %swap3A_161 = tpu.vector_load %arg11[%swap3A_158, %swap3A_159, %swap3A_160] {strides = array<i32>} : memref<3x16x144xf32, #tpu.memory_space<vmem>>, vector<16xf32>,
    tpu.vector_store %arg11[%swap3A_158, %swap3A_159, %swap3A_160], %broadcast_in_dim3A_0 {strides = array<i32>} : memref<3x16x144xf32, #tpu.memory_space<vmem>>, vector<16xf32>,
    %swap3A_162 = arith.constant 0 : i32
    %swap3A_163 = arith.constant 3 : i32
    %swap3A_164 = arith.index_cast %swap3A_162 : i32 to index
    %swap3A_165 = arith.index_cast %swap3A_163 : i32 to index
    %swap3A_166 = arith.constant 0 : index
    %swap3A_167 = tpu.vector_load %arg11[%swap3A_164, %swap3A_165, %swap3A_166] {strides = array<i32>} : memref<3x16x144xf32, #tpu.memory_space<vmem>>, vector<16xf32>,
    tpu.vector_store %arg11[%swap3A_164, %swap3A_165, %swap3A_166], %broadcast_in_dim3A_0 {strides = array<i32>} : memref<3x16x144xf32, #tpu.memory_space<vmem>>, vector<16xf32>,
    %swap3A_168 = arith.constant 0 : i32
    %swap3A_169 = arith.constant 3 : i32
    %swap3A_170 = arith.index_cast %swap3A_168 : i32 to index
    %swap3A_171 = arith.index_cast %swap3A_169 : i32 to index
    %swap3A_172 = arith.constant 16 : index
    %swap3A_173 = tpu.vector_load %arg11[%swap3A_170, %swap3A_171, %swap3A_172] {strides = array<i32>} : memref<3x16x144xf32, #tpu.memory_space<vmem>>, vector<16xf32>,
    tpu.vector_store %arg11[%swap3A_170, %swap3A_171, %swap3A_172], %broadcast_in_dim3A_0 {strides = array<i32>} : memref<3x16x144xf32, #tpu.memory_space<vmem>>, vector<16xf32>,
    %swap3A_174 = arith.constant 0 : i32
    %swap3A_175 = arith.constant 3 : i32
    %swap3A_176 = arith.index_cast %swap3A_174 : i32 to index
    %swap3A_177 = arith.index_cast %swap3A_175 : i32 to index
    %swap3A_178 = arith.constant 32 : index
    %swap3A_179 = tpu.vector_load %arg11[%swap3A_176, %swap3A_177, %swap3A_178] {strides = array<i32>} : memref<3x16x144xf32, #tpu.memory_space<vmem>>, vector<16xf32>,
    tpu.vector_store %arg11[%swap3A_176, %swap3A_177, %swap3A_178], %broadcast_in_dim3A_0 {strides = array<i32>} : memref<3x16x144xf32, #tpu.memory_space<vmem>>, vector<16xf32>,
    %swap3A_180 = arith.constant 0 : i32
    %swap3A_181 = arith.constant 3 : i32
    %swap3A_182 = arith.index_cast %swap3A_180 : i32 to index
    %swap3A_183 = arith.index_cast %swap3A_181 : i32 to index
    %swap3A_184 = arith.constant 48 : index
    %swap3A_185 = tpu.vector_load %arg11[%swap3A_182, %swap3A_183, %swap3A_184] {strides = array<i32>} : memref<3x16x144xf32, #tpu.memory_space<vmem>>, vector<16xf32>,
    tpu.vector_store %arg11[%swap3A_182, %swap3A_183, %swap3A_184], %broadcast_in_dim3A_0 {strides = array<i32>} : memref<3x16x144xf32, #tpu.memory_space<vmem>>, vector<16xf32>,
    %swap3A_186 = arith.constant 0 : i32
    %swap3A_187 = arith.constant 3 : i32
    %swap3A_188 = arith.index_cast %swap3A_186 : i32 to index
    %swap3A_189 = arith.index_cast %swap3A_187 : i32 to index
    %swap3A_190 = arith.constant 64 : index
    %swap3A_191 = tpu.vector_load %arg11[%swap3A_188, %swap3A_189, %swap3A_190] {strides = array<i32>} : memref<3x16x144xf32, #tpu.memory_space<vmem>>, vector<16xf32>,
    tpu.vector_store %arg11[%swap3A_188, %swap3A_189, %swap3A_190], %broadcast_in_dim3A_0 {strides = array<i32>} : memref<3x16x144xf32, #tpu.memory_space<vmem>>, vector<16xf32>,
    %swap3A_192 = arith.constant 0 : i32
    %swap3A_193 = arith.constant 3 : i32
    %swap3A_194 = arith.index_cast %swap3A_192 : i32 to index
    %swap3A_195 = arith.index_cast %swap3A_193 : i32 to index
    %swap3A_196 = arith.constant 80 : index
    %swap3A_197 = tpu.vector_load %arg11[%swap3A_194, %swap3A_195, %swap3A_196] {strides = array<i32>} : memref<3x16x144xf32, #tpu.memory_space<vmem>>, vector<16xf32>,
    tpu.vector_store %arg11[%swap3A_194, %swap3A_195, %swap3A_196], %broadcast_in_dim3A_0 {strides = array<i32>} : memref<3x16x144xf32, #tpu.memory_space<vmem>>, vector<16xf32>,
    %swap3A_198 = arith.constant 0 : i32
    %swap3A_199 = arith.constant 3 : i32
    %swap3A_200 = arith.index_cast %swap3A_198 : i32 to index
    %swap3A_201 = arith.index_cast %swap3A_199 : i32 to index
    %swap3A_202 = arith.constant 96 : index
    %swap3A_203 = tpu.vector_load %arg11[%swap3A_200, %swap3A_201, %swap3A_202] {strides = array<i32>} : memref<3x16x144xf32, #tpu.memory_space<vmem>>, vector<16xf32>,
    tpu.vector_store %arg11[%swap3A_200, %swap3A_201, %swap3A_202], %broadcast_in_dim3A_0 {strides = array<i32>} : memref<3x16x144xf32, #tpu.memory_space<vmem>>, vector<16xf32>,
    %swap3A_204 = arith.constant 0 : i32
    %swap3A_205 = arith.constant 3 : i32
    %swap3A_206 = arith.index_cast %swap3A_204 : i32 to index
    %swap3A_207 = arith.index_cast %swap3A_205 : i32 to index
    %swap3A_208 = arith.constant 112 : index
    %swap3A_209 = tpu.vector_load %arg11[%swap3A_206, %swap3A_207, %swap3A_208] {strides = array<i32>} : memref<3x16x144xf32, #tpu.memory_space<vmem>>, vector<16xf32>,
    tpu.vector_store %arg11[%swap3A_206, %swap3A_207, %swap3A_208], %broadcast_in_dim3A_0 {strides = array<i32>} : memref<3x16x144xf32, #tpu.memory_space<vmem>>, vector<16xf32>,
    %swap3A_210 = arith.constant 0 : i32
    %swap3A_211 = arith.constant 3 : i32
    %swap3A_212 = arith.index_cast %swap3A_210 : i32 to index
    %swap3A_213 = arith.index_cast %swap3A_211 : i32 to index
    %swap3A_214 = arith.constant 128 : index
    %swap3A_215 = tpu.vector_load %arg11[%swap3A_212, %swap3A_213, %swap3A_214] {strides = array<i32>} : memref<3x16x144xf32, #tpu.memory_space<vmem>>, vector<16xf32>,
    tpu.vector_store %arg11[%swap3A_212, %swap3A_213, %swap3A_214], %broadcast_in_dim3A_0 {strides = array<i32>} : memref<3x16x144xf32, #tpu.memory_space<vmem>>, vector<16xf32>,
    %swap3A_216 = arith.constant 0 : i32
    %swap3A_217 = arith.constant 4 : i32
    %swap3A_218 = arith.index_cast %swap3A_216 : i32 to index
    %swap3A_219 = arith.index_cast %swap3A_217 : i32 to index
    %swap3A_220 = arith.constant 0 : index
    %swap3A_221 = tpu.vector_load %arg11[%swap3A_218, %swap3A_219, %swap3A_220] {strides = array<i32>} : memref<3x16x144xf32, #tpu.memory_space<vmem>>, vector<16xf32>,
    tpu.vector_store %arg11[%swap3A_218, %swap3A_219, %swap3A_220], %broadcast_in_dim3A_0 {strides = array<i32>} : memref<3x16x144xf32, #tpu.memory_space<vmem>>, vector<16xf32>,
    %swap3A_222 = arith.constant 0 : i32
    %swap3A_223 = arith.constant 4 : i32
    %swap3A_224 = arith.index_cast %swap3A_222 : i32 to index
    %swap3A_225 = arith.index_cast %swap3A_223 : i32 to index
    %swap3A_226 = arith.constant 16 : index
    %swap3A_227 = tpu.vector_load %arg11[%swap3A_224, %swap3A_225, %swap3A_226] {strides = array<i32>} : memref<3x16x144xf32, #tpu.memory_space<vmem>>, vector<16xf32>,
    tpu.vector_store %arg11[%swap3A_224, %swap3A_225, %swap3A_226], %broadcast_in_dim3A_0 {strides = array<i32>} : memref<3x16x144xf32, #tpu.memory_space<vmem>>, vector<16xf32>,
    %swap3A_228 = arith.constant 0 : i32
    %swap3A_229 = arith.constant 4 : i32
    %swap3A_230 = arith.index_cast %swap3A_228 : i32 to index
    %swap3A_231 = arith.index_cast %swap3A_229 : i32 to index
    %swap3A_232 = arith.constant 32 : index
    %swap3A_233 = tpu.vector_load %arg11[%swap3A_230, %swap3A_231, %swap3A_232] {strides = array<i32>} : memref<3x16x144xf32, #tpu.memory_space<vmem>>, vector<16xf32>,
    tpu.vector_store %arg11[%swap3A_230, %swap3A_231, %swap3A_232], %broadcast_in_dim3A_0 {strides = array<i32>} : memref<3x16x144xf32, #tpu.memory_space<vmem>>, vector<16xf32>,
    %swap3A_234 = arith.constant 0 : i32
    %swap3A_235 = arith.constant 4 : i32
    %swap3A_236 = arith.index_cast %swap3A_234 : i32 to index
    %swap3A_237 = arith.index_cast %swap3A_235 : i32 to index
    %swap3A_238 = arith.constant 48 : index
    %swap3A_239 = tpu.vector_load %arg11[%swap3A_236, %swap3A_237, %swap3A_238] {strides = array<i32>} : memref<3x16x144xf32, #tpu.memory_space<vmem>>, vector<16xf32>,
    tpu.vector_store %arg11[%swap3A_236, %swap3A_237, %swap3A_238], %broadcast_in_dim3A_0 {strides = array<i32>} : memref<3x16x144xf32, #tpu.memory_space<vmem>>, vector<16xf32>,
    %swap3A_240 = arith.constant 0 : i32
    %swap3A_241 = arith.constant 4 : i32
    %swap3A_242 = arith.index_cast %swap3A_240 : i32 to index
    %swap3A_243 = arith.index_cast %swap3A_241 : i32 to index
    %swap3A_244 = arith.constant 64 : index
    %swap3A_245 = tpu.vector_load %arg11[%swap3A_242, %swap3A_243, %swap3A_244] {strides = array<i32>} : memref<3x16x144xf32, #tpu.memory_space<vmem>>, vector<16xf32>,
    tpu.vector_store %arg11[%swap3A_242, %swap3A_243, %swap3A_244], %broadcast_in_dim3A_0 {strides = array<i32>} : memref<3x16x144xf32, #tpu.memory_space<vmem>>, vector<16xf32>,
    %swap3A_246 = arith.constant 0 : i32
    %swap3A_247 = arith.constant 4 : i32
    %swap3A_248 = arith.index_cast %swap3A_246 : i32 to index
    %swap3A_249 = arith.index_cast %swap3A_247 : i32 to index
    %swap3A_250 = arith.constant 80 : index
    %swap3A_251 = tpu.vector_load %arg11[%swap3A_248, %swap3A_249, %swap3A_250] {strides = array<i32>} : memref<3x16x144xf32, #tpu.memory_space<vmem>>, vector<16xf32>,
    tpu.vector_store %arg11[%swap3A_248, %swap3A_249, %swap3A_250], %broadcast_in_dim3A_0 {strides = array<i32>} : memref<3x16x144xf32, #tpu.memory_space<vmem>>, vector<16xf32>,
    %swap3A_252 = arith.constant 0 : i32
    %swap3A_253 = arith.constant 4 : i32
    %swap3A_254 = arith.index_cast %swap3A_252 : i32 to index
    %swap3A_255 = arith.index_cast %swap3A_253 : i32 to index
    %swap3A_256 = arith.constant 96 : index
    %swap3A_257 = tpu.vector_load %arg11[%swap3A_254, %swap3A_255, %swap3A_256] {strides = array<i32>} : memref<3x16x144xf32, #tpu.memory_space<vmem>>, vector<16xf32>,
    tpu.vector_store %arg11[%swap3A_254, %swap3A_255, %swap3A_256], %broadcast_in_dim3A_0 {strides = array<i32>} : memref<3x16x144xf32, #tpu.memory_space<vmem>>, vector<16xf32>,
    %swap3A_258 = arith.constant 0 : i32
    %swap3A_259 = arith.constant 4 : i32
    %swap3A_260 = arith.index_cast %swap3A_258 : i32 to index
    %swap3A_261 = arith.index_cast %swap3A_259 : i32 to index
    %swap3A_262 = arith.constant 112 : index
    %swap3A_263 = tpu.vector_load %arg11[%swap3A_260, %swap3A_261, %swap3A_262] {strides = array<i32>} : memref<3x16x144xf32, #tpu.memory_space<vmem>>, vector<16xf32>,
    tpu.vector_store %arg11[%swap3A_260, %swap3A_261, %swap3A_262], %broadcast_in_dim3A_0 {strides = array<i32>} : memref<3x16x144xf32, #tpu.memory_space<vmem>>, vector<16xf32>,
    %swap3A_264 = arith.constant 0 : i32
    %swap3A_265 = arith.constant 4 : i32
    %swap3A_266 = arith.index_cast %swap3A_264 : i32 to index
    %swap3A_267 = arith.index_cast %swap3A_265 : i32 to index
    %swap3A_268 = arith.constant 128 : index
    %swap3A_269 = tpu.vector_load %arg11[%swap3A_266, %swap3A_267, %swap3A_268] {strides = array<i32>} : memref<3x16x144xf32, #tpu.memory_space<vmem>>, vector<16xf32>,
    tpu.vector_store %arg11[%swap3A_266, %swap3A_267, %swap3A_268], %broadcast_in_dim3A_0 {strides = array<i32>} : memref<3x16x144xf32, #tpu.memory_space<vmem>>, vector<16xf32>,
    %swap3A_270 = arith.constant 0 : i32
    %swap3A_271 = arith.constant 5 : i32
    %swap3A_272 = arith.index_cast %swap3A_270 : i32 to index
    %swap3A_273 = arith.index_cast %swap3A_271 : i32 to index
    %swap3A_274 = arith.constant 0 : index
    %swap3A_275 = tpu.vector_load %arg11[%swap3A_272, %swap3A_273, %swap3A_274] {strides = array<i32>} : memref<3x16x144xf32, #tpu.memory_space<vmem>>, vector<16xf32>,
    tpu.vector_store %arg11[%swap3A_272, %swap3A_273, %swap3A_274], %broadcast_in_dim3A_0 {strides = array<i32>} : memref<3x16x144xf32, #tpu.memory_space<vmem>>, vector<16xf32>,
    %swap3A_276 = arith.constant 0 : i32
    %swap3A_277 = arith.constant 5 : i32
    %swap3A_278 = arith.index_cast %swap3A_276 : i32 to index
    %swap3A_279 = arith.index_cast %swap3A_277 : i32 to index
    %swap3A_280 = arith.constant 16 : index
    %swap3A_281 = tpu.vector_load %arg11[%swap3A_278, %swap3A_279, %swap3A_280] {strides = array<i32>} : memref<3x16x144xf32, #tpu.memory_space<vmem>>, vector<16xf32>,
    tpu.vector_store %arg11[%swap3A_278, %swap3A_279, %swap3A_280], %broadcast_in_dim3A_0 {strides = array<i32>} : memref<3x16x144xf32, #tpu.memory_space<vmem>>, vector<16xf32>,
    %swap3A_282 = arith.constant 0 : i32
    %swap3A_283 = arith.constant 5 : i32
    %swap3A_284 = arith.index_cast %swap3A_282 : i32 to index
    %swap3A_285 = arith.index_cast %swap3A_283 : i32 to index
    %swap3A_286 = arith.constant 32 : index
    %swap3A_287 = tpu.vector_load %arg11[%swap3A_284, %swap3A_285, %swap3A_286] {strides = array<i32>} : memref<3x16x144xf32, #tpu.memory_space<vmem>>, vector<16xf32>,
    tpu.vector_store %arg11[%swap3A_284, %swap3A_285, %swap3A_286], %broadcast_in_dim3A_0 {strides = array<i32>} : memref<3x16x144xf32, #tpu.memory_space<vmem>>, vector<16xf32>,
    %swap3A_288 = arith.constant 0 : i32
    %swap3A_289 = arith.constant 5 : i32
    %swap3A_290 = arith.index_cast %swap3A_288 : i32 to index
    %swap3A_291 = arith.index_cast %swap3A_289 : i32 to index
    %swap3A_292 = arith.constant 48 : index
    %swap3A_293 = tpu.vector_load %arg11[%swap3A_290, %swap3A_291, %swap3A_292] {strides = array<i32>} : memref<3x16x144xf32, #tpu.memory_space<vmem>>, vector<16xf32>,
    tpu.vector_store %arg11[%swap3A_290, %swap3A_291, %swap3A_292], %broadcast_in_dim3A_0 {strides = array<i32>} : memref<3x16x144xf32, #tpu.memory_space<vmem>>, vector<16xf32>,
    %swap3A_294 = arith.constant 0 : i32
    %swap3A_295 = arith.constant 5 : i32
    %swap3A_296 = arith.index_cast %swap3A_294 : i32 to index
    %swap3A_297 = arith.index_cast %swap3A_295 : i32 to index
    %swap3A_298 = arith.constant 64 : index
    %swap3A_299 = tpu.vector_load %arg11[%swap3A_296, %swap3A_297, %swap3A_298] {strides = array<i32>} : memref<3x16x144xf32, #tpu.memory_space<vmem>>, vector<16xf32>,
    tpu.vector_store %arg11[%swap3A_296, %swap3A_297, %swap3A_298], %broadcast_in_dim3A_0 {strides = array<i32>} : memref<3x16x144xf32, #tpu.memory_space<vmem>>, vector<16xf32>,
    %swap3A_300 = arith.constant 0 : i32
    %swap3A_301 = arith.constant 5 : i32
    %swap3A_302 = arith.index_cast %swap3A_300 : i32 to index
    %swap3A_303 = arith.index_cast %swap3A_301 : i32 to index
    %swap3A_304 = arith.constant 80 : index
    %swap3A_305 = tpu.vector_load %arg11[%swap3A_302, %swap3A_303, %swap3A_304] {strides = array<i32>} : memref<3x16x144xf32, #tpu.memory_space<vmem>>, vector<16xf32>,
    tpu.vector_store %arg11[%swap3A_302, %swap3A_303, %swap3A_304], %broadcast_in_dim3A_0 {strides = array<i32>} : memref<3x16x144xf32, #tpu.memory_space<vmem>>, vector<16xf32>,
    %swap3A_306 = arith.constant 0 : i32
    %swap3A_307 = arith.constant 5 : i32
    %swap3A_308 = arith.index_cast %swap3A_306 : i32 to index
    %swap3A_309 = arith.index_cast %swap3A_307 : i32 to index
    %swap3A_310 = arith.constant 96 : index
    %swap3A_311 = tpu.vector_load %arg11[%swap3A_308, %swap3A_309, %swap3A_310] {strides = array<i32>} : memref<3x16x144xf32, #tpu.memory_space<vmem>>, vector<16xf32>,
    tpu.vector_store %arg11[%swap3A_308, %swap3A_309, %swap3A_310], %broadcast_in_dim3A_0 {strides = array<i32>} : memref<3x16x144xf32, #tpu.memory_space<vmem>>, vector<16xf32>,
    %swap3A_312 = arith.constant 0 : i32
    %swap3A_313 = arith.constant 5 : i32
    %swap3A_314 = arith.index_cast %swap3A_312 : i32 to index
    %swap3A_315 = arith.index_cast %swap3A_313 : i32 to index
    %swap3A_316 = arith.constant 112 : index
    %swap3A_317 = tpu.vector_load %arg11[%swap3A_314, %swap3A_315, %swap3A_316] {strides = array<i32>} : memref<3x16x144xf32, #tpu.memory_space<vmem>>, vector<16xf32>,
    tpu.vector_store %arg11[%swap3A_314, %swap3A_315, %swap3A_316], %broadcast_in_dim3A_0 {strides = array<i32>} : memref<3x16x144xf32, #tpu.memory_space<vmem>>, vector<16xf32>,
    %swap3A_318 = arith.constant 0 : i32
    %swap3A_319 = arith.constant 5 : i32
    %swap3A_320 = arith.index_cast %swap3A_318 : i32 to index
    %swap3A_321 = arith.index_cast %swap3A_319 : i32 to index
    %swap3A_322 = arith.constant 128 : index
    %swap3A_323 = tpu.vector_load %arg11[%swap3A_320, %swap3A_321, %swap3A_322] {strides = array<i32>} : memref<3x16x144xf32, #tpu.memory_space<vmem>>, vector<16xf32>,
    tpu.vector_store %arg11[%swap3A_320, %swap3A_321, %swap3A_322], %broadcast_in_dim3A_0 {strides = array<i32>} : memref<3x16x144xf32, #tpu.memory_space<vmem>>, vector<16xf32>,
    %swap3A_324 = arith.constant 0 : i32
    %swap3A_325 = arith.constant 6 : i32
    %swap3A_326 = arith.index_cast %swap3A_324 : i32 to index
    %swap3A_327 = arith.index_cast %swap3A_325 : i32 to index
    %swap3A_328 = arith.constant 0 : index
    %swap3A_329 = tpu.vector_load %arg11[%swap3A_326, %swap3A_327, %swap3A_328] {strides = array<i32>} : memref<3x16x144xf32, #tpu.memory_space<vmem>>, vector<16xf32>,
    tpu.vector_store %arg11[%swap3A_326, %swap3A_327, %swap3A_328], %broadcast_in_dim3A_0 {strides = array<i32>} : memref<3x16x144xf32, #tpu.memory_space<vmem>>, vector<16xf32>,
    %swap3A_330 = arith.constant 0 : i32
    %swap3A_331 = arith.constant 6 : i32
    %swap3A_332 = arith.index_cast %swap3A_330 : i32 to index
    %swap3A_333 = arith.index_cast %swap3A_331 : i32 to index
    %swap3A_334 = arith.constant 16 : index
    %swap3A_335 = tpu.vector_load %arg11[%swap3A_332, %swap3A_333, %swap3A_334] {strides = array<i32>} : memref<3x16x144xf32, #tpu.memory_space<vmem>>, vector<16xf32>,
    tpu.vector_store %arg11[%swap3A_332, %swap3A_333, %swap3A_334], %broadcast_in_dim3A_0 {strides = array<i32>} : memref<3x16x144xf32, #tpu.memory_space<vmem>>, vector<16xf32>,
    %swap3A_336 = arith.constant 0 : i32
    %swap3A_337 = arith.constant 6 : i32
    %swap3A_338 = arith.index_cast %swap3A_336 : i32 to index
    %swap3A_339 = arith.index_cast %swap3A_337 : i32 to index
    %swap3A_340 = arith.constant 32 : index
    %swap3A_341 = tpu.vector_load %arg11[%swap3A_338, %swap3A_339, %swap3A_340] {strides = array<i32>} : memref<3x16x144xf32, #tpu.memory_space<vmem>>, vector<16xf32>,
    tpu.vector_store %arg11[%swap3A_338, %swap3A_339, %swap3A_340], %broadcast_in_dim3A_0 {strides = array<i32>} : memref<3x16x144xf32, #tpu.memory_space<vmem>>, vector<16xf32>,
    %swap3A_342 = arith.constant 0 : i32
    %swap3A_343 = arith.constant 6 : i32
    %swap3A_344 = arith.index_cast %swap3A_342 : i32 to index
    %swap3A_345 = arith.index_cast %swap3A_343 : i32 to index
    %swap3A_346 = arith.constant 48 : index
    %swap3A_347 = tpu.vector_load %arg11[%swap3A_344, %swap3A_345, %swap3A_346] {strides = array<i32>} : memref<3x16x144xf32, #tpu.memory_space<vmem>>, vector<16xf32>,
    tpu.vector_store %arg11[%swap3A_344, %swap3A_345, %swap3A_346], %broadcast_in_dim3A_0 {strides = array<i32>} : memref<3x16x144xf32, #tpu.memory_space<vmem>>, vector<16xf32>,
    %swap3A_348 = arith.constant 0 : i32
    %swap3A_349 = arith.constant 6 : i32
    %swap3A_350 = arith.index_cast %swap3A_348 : i32 to index
    %swap3A_351 = arith.index_cast %swap3A_349 : i32 to index
    %swap3A_352 = arith.constant 64 : index
    %swap3A_353 = tpu.vector_load %arg11[%swap3A_350, %swap3A_351, %swap3A_352] {strides = array<i32>} : memref<3x16x144xf32, #tpu.memory_space<vmem>>, vector<16xf32>,
    tpu.vector_store %arg11[%swap3A_350, %swap3A_351, %swap3A_352], %broadcast_in_dim3A_0 {strides = array<i32>} : memref<3x16x144xf32, #tpu.memory_space<vmem>>, vector<16xf32>,
    %swap3A_354 = arith.constant 0 : i32
    %swap3A_355 = arith.constant 6 : i32
    %swap3A_356 = arith.index_cast %swap3A_354 : i32 to index
    %swap3A_357 = arith.index_cast %swap3A_355 : i32 to index
    %swap3A_358 = arith.constant 80 : index
    %swap3A_359 = tpu.vector_load %arg11[%swap3A_356, %swap3A_357, %swap3A_358] {strides = array<i32>} : memref<3x16x144xf32, #tpu.memory_space<vmem>>, vector<16xf32>,
    tpu.vector_store %arg11[%swap3A_356, %swap3A_357, %swap3A_358], %broadcast_in_dim3A_0 {strides = array<i32>} : memref<3x16x144xf32, #tpu.memory_space<vmem>>, vector<16xf32>,
    %swap3A_360 = arith.constant 0 : i32
    %swap3A_361 = arith.constant 6 : i32
    %swap3A_362 = arith.index_cast %swap3A_360 : i32 to index
    %swap3A_363 = arith.index_cast %swap3A_361 : i32 to index
    %swap3A_364 = arith.constant 96 : index
    %swap3A_365 = tpu.vector_load %arg11[%swap3A_362, %swap3A_363, %swap3A_364] {strides = array<i32>} : memref<3x16x144xf32, #tpu.memory_space<vmem>>, vector<16xf32>,
    tpu.vector_store %arg11[%swap3A_362, %swap3A_363, %swap3A_364], %broadcast_in_dim3A_0 {strides = array<i32>} : memref<3x16x144xf32, #tpu.memory_space<vmem>>, vector<16xf32>,
    %swap3A_366 = arith.constant 0 : i32
    %swap3A_367 = arith.constant 6 : i32
    %swap3A_368 = arith.index_cast %swap3A_366 : i32 to index
    %swap3A_369 = arith.index_cast %swap3A_367 : i32 to index
    %swap3A_370 = arith.constant 112 : index
    %swap3A_371 = tpu.vector_load %arg11[%swap3A_368, %swap3A_369, %swap3A_370] {strides = array<i32>} : memref<3x16x144xf32, #tpu.memory_space<vmem>>, vector<16xf32>,
    tpu.vector_store %arg11[%swap3A_368, %swap3A_369, %swap3A_370], %broadcast_in_dim3A_0 {strides = array<i32>} : memref<3x16x144xf32, #tpu.memory_space<vmem>>, vector<16xf32>,
    %swap3A_372 = arith.constant 0 : i32
    %swap3A_373 = arith.constant 6 : i32
    %swap3A_374 = arith.index_cast %swap3A_372 : i32 to index
    %swap3A_375 = arith.index_cast %swap3A_373 : i32 to index
    %swap3A_376 = arith.constant 128 : index
    %swap3A_377 = tpu.vector_load %arg11[%swap3A_374, %swap3A_375, %swap3A_376] {strides = array<i32>} : memref<3x16x144xf32, #tpu.memory_space<vmem>>, vector<16xf32>,
    tpu.vector_store %arg11[%swap3A_374, %swap3A_375, %swap3A_376], %broadcast_in_dim3A_0 {strides = array<i32>} : memref<3x16x144xf32, #tpu.memory_space<vmem>>, vector<16xf32>,
    %swap3A_378 = arith.constant 0 : i32
    %swap3A_379 = arith.constant 7 : i32
    %swap3A_380 = arith.index_cast %swap3A_378 : i32 to index
    %swap3A_381 = arith.index_cast %swap3A_379 : i32 to index
    %swap3A_382 = arith.constant 0 : index
    %swap3A_383 = tpu.vector_load %arg11[%swap3A_380, %swap3A_381, %swap3A_382] {strides = array<i32>} : memref<3x16x144xf32, #tpu.memory_space<vmem>>, vector<16xf32>,
    tpu.vector_store %arg11[%swap3A_380, %swap3A_381, %swap3A_382], %broadcast_in_dim3A_0 {strides = array<i32>} : memref<3x16x144xf32, #tpu.memory_space<vmem>>, vector<16xf32>,
    %swap3A_384 = arith.constant 0 : i32
    %swap3A_385 = arith.constant 7 : i32
    %swap3A_386 = arith.index_cast %swap3A_384 : i32 to index
    %swap3A_387 = arith.index_cast %swap3A_385 : i32 to index
    %swap3A_388 = arith.constant 16 : index
    %swap3A_389 = tpu.vector_load %arg11[%swap3A_386, %swap3A_387, %swap3A_388] {strides = array<i32>} : memref<3x16x144xf32, #tpu.memory_space<vmem>>, vector<16xf32>,
    tpu.vector_store %arg11[%swap3A_386, %swap3A_387, %swap3A_388], %broadcast_in_dim3A_0 {strides = array<i32>} : memref<3x16x144xf32, #tpu.memory_space<vmem>>, vector<16xf32>,
    %swap3A_390 = arith.constant 0 : i32
    %swap3A_391 = arith.constant 7 : i32
    %swap3A_392 = arith.index_cast %swap3A_390 : i32 to index
    %swap3A_393 = arith.index_cast %swap3A_391 : i32 to index
    %swap3A_394 = arith.constant 32 : index
    %swap3A_395 = tpu.vector_load %arg11[%swap3A_392, %swap3A_393, %swap3A_394] {strides = array<i32>} : memref<3x16x144xf32, #tpu.memory_space<vmem>>, vector<16xf32>,
    tpu.vector_store %arg11[%swap3A_392, %swap3A_393, %swap3A_394], %broadcast_in_dim3A_0 {strides = array<i32>} : memref<3x16x144xf32, #tpu.memory_space<vmem>>, vector<16xf32>,
    %swap3A_396 = arith.constant 0 : i32
    %swap3A_397 = arith.constant 7 : i32
    %swap3A_398 = arith.index_cast %swap3A_396 : i32 to index
    %swap3A_399 = arith.index_cast %swap3A_397 : i32 to index
    %swap3A_400 = arith.constant 48 : index
    %swap3A_401 = tpu.vector_load %arg11[%swap3A_398, %swap3A_399, %swap3A_400] {strides = array<i32>} : memref<3x16x144xf32, #tpu.memory_space<vmem>>, vector<16xf32>,
    tpu.vector_store %arg11[%swap3A_398, %swap3A_399, %swap3A_400], %broadcast_in_dim3A_0 {strides = array<i32>} : memref<3x16x144xf32, #tpu.memory_space<vmem>>, vector<16xf32>,
    %swap3A_402 = arith.constant 0 : i32
    %swap3A_403 = arith.constant 7 : i32
    %swap3A_404 = arith.index_cast %swap3A_402 : i32 to index
    %swap3A_405 = arith.index_cast %swap3A_403 : i32 to index
    %swap3A_406 = arith.constant 64 : index
    %swap3A_407 = tpu.vector_load %arg11[%swap3A_404, %swap3A_405, %swap3A_406] {strides = array<i32>} : memref<3x16x144xf32, #tpu.memory_space<vmem>>, vector<16xf32>,
    tpu.vector_store %arg11[%swap3A_404, %swap3A_405, %swap3A_406], %broadcast_in_dim3A_0 {strides = array<i32>} : memref<3x16x144xf32, #tpu.memory_space<vmem>>, vector<16xf32>,
    %swap3A_408 = arith.constant 0 : i32
    %swap3A_409 = arith.constant 7 : i32
    %swap3A_410 = arith.index_cast %swap3A_408 : i32 to index
    %swap3A_411 = arith.index_cast %swap3A_409 : i32 to index
    %swap3A_412 = arith.constant 80 : index
    %swap3A_413 = tpu.vector_load %arg11[%swap3A_410, %swap3A_411, %swap3A_412] {strides = array<i32>} : memref<3x16x144xf32, #tpu.memory_space<vmem>>, vector<16xf32>,
    tpu.vector_store %arg11[%swap3A_410, %swap3A_411, %swap3A_412], %broadcast_in_dim3A_0 {strides = array<i32>} : memref<3x16x144xf32, #tpu.memory_space<vmem>>, vector<16xf32>,
    %swap3A_414 = arith.constant 0 : i32
    %swap3A_415 = arith.constant 7 : i32
    %swap3A_416 = arith.index_cast %swap3A_414 : i32 to index
    %swap3A_417 = arith.index_cast %swap3A_415 : i32 to index
    %swap3A_418 = arith.constant 96 : index
    %swap3A_419 = tpu.vector_load %arg11[%swap3A_416, %swap3A_417, %swap3A_418] {strides = array<i32>} : memref<3x16x144xf32, #tpu.memory_space<vmem>>, vector<16xf32>,
    tpu.vector_store %arg11[%swap3A_416, %swap3A_417, %swap3A_418], %broadcast_in_dim3A_0 {strides = array<i32>} : memref<3x16x144xf32, #tpu.memory_space<vmem>>, vector<16xf32>,
    %swap3A_420 = arith.constant 0 : i32
    %swap3A_421 = arith.constant 7 : i32
    %swap3A_422 = arith.index_cast %swap3A_420 : i32 to index
    %swap3A_423 = arith.index_cast %swap3A_421 : i32 to index
    %swap3A_424 = arith.constant 112 : index
    %swap3A_425 = tpu.vector_load %arg11[%swap3A_422, %swap3A_423, %swap3A_424] {strides = array<i32>} : memref<3x16x144xf32, #tpu.memory_space<vmem>>, vector<16xf32>,
    tpu.vector_store %arg11[%swap3A_422, %swap3A_423, %swap3A_424], %broadcast_in_dim3A_0 {strides = array<i32>} : memref<3x16x144xf32, #tpu.memory_space<vmem>>, vector<16xf32>,
    %swap3A_426 = arith.constant 0 : i32
    %swap3A_427 = arith.constant 7 : i32
    %swap3A_428 = arith.index_cast %swap3A_426 : i32 to index
    %swap3A_429 = arith.index_cast %swap3A_427 : i32 to index
    %swap3A_430 = arith.constant 128 : index
    %swap3A_431 = tpu.vector_load %arg11[%swap3A_428, %swap3A_429, %swap3A_430] {strides = array<i32>} : memref<3x16x144xf32, #tpu.memory_space<vmem>>, vector<16xf32>,
    tpu.vector_store %arg11[%swap3A_428, %swap3A_429, %swap3A_430], %broadcast_in_dim3A_0 {strides = array<i32>} : memref<3x16x144xf32, #tpu.memory_space<vmem>>, vector<16xf32>,
    %swap3A_432 = arith.constant 0 : i32
    %swap3A_433 = arith.constant 8 : i32
    %swap3A_434 = arith.index_cast %swap3A_432 : i32 to index
    %swap3A_435 = arith.index_cast %swap3A_433 : i32 to index
    %swap3A_436 = arith.constant 0 : index
    %swap3A_437 = tpu.vector_load %arg11[%swap3A_434, %swap3A_435, %swap3A_436] {strides = array<i32>} : memref<3x16x144xf32, #tpu.memory_space<vmem>>, vector<16xf32>,
    tpu.vector_store %arg11[%swap3A_434, %swap3A_435, %swap3A_436], %broadcast_in_dim3A_0 {strides = array<i32>} : memref<3x16x144xf32, #tpu.memory_space<vmem>>, vector<16xf32>,
    %swap3A_438 = arith.constant 0 : i32
    %swap3A_439 = arith.constant 8 : i32
    %swap3A_440 = arith.index_cast %swap3A_438 : i32 to index
    %swap3A_441 = arith.index_cast %swap3A_439 : i32 to index
    %swap3A_442 = arith.constant 16 : index
    %swap3A_443 = tpu.vector_load %arg11[%swap3A_440, %swap3A_441, %swap3A_442] {strides = array<i32>} : memref<3x16x144xf32, #tpu.memory_space<vmem>>, vector<16xf32>,
    tpu.vector_store %arg11[%swap3A_440, %swap3A_441, %swap3A_442], %broadcast_in_dim3A_0 {strides = array<i32>} : memref<3x16x144xf32, #tpu.memory_space<vmem>>, vector<16xf32>,
    %swap3A_444 = arith.constant 0 : i32
    %swap3A_445 = arith.constant 8 : i32
    %swap3A_446 = arith.index_cast %swap3A_444 : i32 to index
    %swap3A_447 = arith.index_cast %swap3A_445 : i32 to index
    %swap3A_448 = arith.constant 32 : index
    %swap3A_449 = tpu.vector_load %arg11[%swap3A_446, %swap3A_447, %swap3A_448] {strides = array<i32>} : memref<3x16x144xf32, #tpu.memory_space<vmem>>, vector<16xf32>,
    tpu.vector_store %arg11[%swap3A_446, %swap3A_447, %swap3A_448], %broadcast_in_dim3A_0 {strides = array<i32>} : memref<3x16x144xf32, #tpu.memory_space<vmem>>, vector<16xf32>,
    %swap3A_450 = arith.constant 0 : i32
    %swap3A_451 = arith.constant 8 : i32
    %swap3A_452 = arith.index_cast %swap3A_450 : i32 to index
    %swap3A_453 = arith.index_cast %swap3A_451 : i32 to index
    %swap3A_454 = arith.constant 48 : index
    %swap3A_455 = tpu.vector_load %arg11[%swap3A_452, %swap3A_453, %swap3A_454] {strides = array<i32>} : memref<3x16x144xf32, #tpu.memory_space<vmem>>, vector<16xf32>,
    tpu.vector_store %arg11[%swap3A_452, %swap3A_453, %swap3A_454], %broadcast_in_dim3A_0 {strides = array<i32>} : memref<3x16x144xf32, #tpu.memory_space<vmem>>, vector<16xf32>,
    %swap3A_456 = arith.constant 0 : i32
    %swap3A_457 = arith.constant 8 : i32
    %swap3A_458 = arith.index_cast %swap3A_456 : i32 to index
    %swap3A_459 = arith.index_cast %swap3A_457 : i32 to index
    %swap3A_460 = arith.constant 64 : index
    %swap3A_461 = tpu.vector_load %arg11[%swap3A_458, %swap3A_459, %swap3A_460] {strides = array<i32>} : memref<3x16x144xf32, #tpu.memory_space<vmem>>, vector<16xf32>,
    tpu.vector_store %arg11[%swap3A_458, %swap3A_459, %swap3A_460], %broadcast_in_dim3A_0 {strides = array<i32>} : memref<3x16x144xf32, #tpu.memory_space<vmem>>, vector<16xf32>,
    %swap3A_462 = arith.constant 0 : i32
    %swap3A_463 = arith.constant 8 : i32
    %swap3A_464 = arith.index_cast %swap3A_462 : i32 to index
    %swap3A_465 = arith.index_cast %swap3A_463 : i32 to index
    %swap3A_466 = arith.constant 80 : index
    %swap3A_467 = tpu.vector_load %arg11[%swap3A_464, %swap3A_465, %swap3A_466] {strides = array<i32>} : memref<3x16x144xf32, #tpu.memory_space<vmem>>, vector<16xf32>,
    tpu.vector_store %arg11[%swap3A_464, %swap3A_465, %swap3A_466], %broadcast_in_dim3A_0 {strides = array<i32>} : memref<3x16x144xf32, #tpu.memory_space<vmem>>, vector<16xf32>,
    %swap3A_468 = arith.constant 0 : i32
    %swap3A_469 = arith.constant 8 : i32
    %swap3A_470 = arith.index_cast %swap3A_468 : i32 to index
    %swap3A_471 = arith.index_cast %swap3A_469 : i32 to index
    %swap3A_472 = arith.constant 96 : index
    %swap3A_473 = tpu.vector_load %arg11[%swap3A_470, %swap3A_471, %swap3A_472] {strides = array<i32>} : memref<3x16x144xf32, #tpu.memory_space<vmem>>, vector<16xf32>,
    tpu.vector_store %arg11[%swap3A_470, %swap3A_471, %swap3A_472], %broadcast_in_dim3A_0 {strides = array<i32>} : memref<3x16x144xf32, #tpu.memory_space<vmem>>, vector<16xf32>,
    %swap3A_474 = arith.constant 0 : i32
    %swap3A_475 = arith.constant 8 : i32
    %swap3A_476 = arith.index_cast %swap3A_474 : i32 to index
    %swap3A_477 = arith.index_cast %swap3A_475 : i32 to index
    %swap3A_478 = arith.constant 112 : index
    %swap3A_479 = tpu.vector_load %arg11[%swap3A_476, %swap3A_477, %swap3A_478] {strides = array<i32>} : memref<3x16x144xf32, #tpu.memory_space<vmem>>, vector<16xf32>,
    tpu.vector_store %arg11[%swap3A_476, %swap3A_477, %swap3A_478], %broadcast_in_dim3A_0 {strides = array<i32>} : memref<3x16x144xf32, #tpu.memory_space<vmem>>, vector<16xf32>,
    %swap3A_480 = arith.constant 0 : i32
    %swap3A_481 = arith.constant 8 : i32
    %swap3A_482 = arith.index_cast %swap3A_480 : i32 to index
    %swap3A_483 = arith.index_cast %swap3A_481 : i32 to index
    %swap3A_484 = arith.constant 128 : index
    %swap3A_485 = tpu.vector_load %arg11[%swap3A_482, %swap3A_483, %swap3A_484] {strides = array<i32>} : memref<3x16x144xf32, #tpu.memory_space<vmem>>, vector<16xf32>,
    tpu.vector_store %arg11[%swap3A_482, %swap3A_483, %swap3A_484], %broadcast_in_dim3A_0 {strides = array<i32>} : memref<3x16x144xf32, #tpu.memory_space<vmem>>, vector<16xf32>,
    %swap3A_486 = arith.constant 0 : i32
    %swap3A_487 = arith.constant 9 : i32
    %swap3A_488 = arith.index_cast %swap3A_486 : i32 to index
    %swap3A_489 = arith.index_cast %swap3A_487 : i32 to index
    %swap3A_490 = arith.constant 0 : index
    %swap3A_491 = tpu.vector_load %arg11[%swap3A_488, %swap3A_489, %swap3A_490] {strides = array<i32>} : memref<3x16x144xf32, #tpu.memory_space<vmem>>, vector<16xf32>,
    tpu.vector_store %arg11[%swap3A_488, %swap3A_489, %swap3A_490], %broadcast_in_dim3A_0 {strides = array<i32>} : memref<3x16x144xf32, #tpu.memory_space<vmem>>, vector<16xf32>,
    %swap3A_492 = arith.constant 0 : i32
    %swap3A_493 = arith.constant 9 : i32
    %swap3A_494 = arith.index_cast %swap3A_492 : i32 to index
    %swap3A_495 = arith.index_cast %swap3A_493 : i32 to index
    %swap3A_496 = arith.constant 16 : index
    %swap3A_497 = tpu.vector_load %arg11[%swap3A_494, %swap3A_495, %swap3A_496] {strides = array<i32>} : memref<3x16x144xf32, #tpu.memory_space<vmem>>, vector<16xf32>,
    tpu.vector_store %arg11[%swap3A_494, %swap3A_495, %swap3A_496], %broadcast_in_dim3A_0 {strides = array<i32>} : memref<3x16x144xf32, #tpu.memory_space<vmem>>, vector<16xf32>,
    %swap3A_498 = arith.constant 0 : i32
    %swap3A_499 = arith.constant 9 : i32
    %swap3A_500 = arith.index_cast %swap3A_498 : i32 to index
    %swap3A_501 = arith.index_cast %swap3A_499 : i32 to index
    %swap3A_502 = arith.constant 32 : index
    %swap3A_503 = tpu.vector_load %arg11[%swap3A_500, %swap3A_501, %swap3A_502] {strides = array<i32>} : memref<3x16x144xf32, #tpu.memory_space<vmem>>, vector<16xf32>,
    tpu.vector_store %arg11[%swap3A_500, %swap3A_501, %swap3A_502], %broadcast_in_dim3A_0 {strides = array<i32>} : memref<3x16x144xf32, #tpu.memory_space<vmem>>, vector<16xf32>,
    %swap3A_504 = arith.constant 0 : i32
    %swap3A_505 = arith.constant 9 : i32
    %swap3A_506 = arith.index_cast %swap3A_504 : i32 to index
    %swap3A_507 = arith.index_cast %swap3A_505 : i32 to index
    %swap3A_508 = arith.constant 48 : index
    %swap3A_509 = tpu.vector_load %arg11[%swap3A_506, %swap3A_507, %swap3A_508] {strides = array<i32>} : memref<3x16x144xf32, #tpu.memory_space<vmem>>, vector<16xf32>,
    tpu.vector_store %arg11[%swap3A_506, %swap3A_507, %swap3A_508], %broadcast_in_dim3A_0 {strides = array<i32>} : memref<3x16x144xf32, #tpu.memory_space<vmem>>, vector<16xf32>,
    %swap3A_510 = arith.constant 0 : i32
    %swap3A_511 = arith.constant 9 : i32
    %swap3A_512 = arith.index_cast %swap3A_510 : i32 to index
    %swap3A_513 = arith.index_cast %swap3A_511 : i32 to index
    %swap3A_514 = arith.constant 64 : index
    %swap3A_515 = tpu.vector_load %arg11[%swap3A_512, %swap3A_513, %swap3A_514] {strides = array<i32>} : memref<3x16x144xf32, #tpu.memory_space<vmem>>, vector<16xf32>,
    tpu.vector_store %arg11[%swap3A_512, %swap3A_513, %swap3A_514], %broadcast_in_dim3A_0 {strides = array<i32>} : memref<3x16x144xf32, #tpu.memory_space<vmem>>, vector<16xf32>,
    %swap3A_516 = arith.constant 0 : i32
    %swap3A_517 = arith.constant 9 : i32
    %swap3A_518 = arith.index_cast %swap3A_516 : i32 to index
    %swap3A_519 = arith.index_cast %swap3A_517 : i32 to index
    %swap3A_520 = arith.constant 80 : index
    %swap3A_521 = tpu.vector_load %arg11[%swap3A_518, %swap3A_519, %swap3A_520] {strides = array<i32>} : memref<3x16x144xf32, #tpu.memory_space<vmem>>, vector<16xf32>,
    tpu.vector_store %arg11[%swap3A_518, %swap3A_519, %swap3A_520], %broadcast_in_dim3A_0 {strides = array<i32>} : memref<3x16x144xf32, #tpu.memory_space<vmem>>, vector<16xf32>,
    %swap3A_522 = arith.constant 0 : i32
    %swap3A_523 = arith.constant 9 : i32
    %swap3A_524 = arith.index_cast %swap3A_522 : i32 to index
    %swap3A_525 = arith.index_cast %swap3A_523 : i32 to index
    %swap3A_526 = arith.constant 96 : index
    %swap3A_527 = tpu.vector_load %arg11[%swap3A_524, %swap3A_525, %swap3A_526] {strides = array<i32>} : memref<3x16x144xf32, #tpu.memory_space<vmem>>, vector<16xf32>,
    tpu.vector_store %arg11[%swap3A_524, %swap3A_525, %swap3A_526], %broadcast_in_dim3A_0 {strides = array<i32>} : memref<3x16x144xf32, #tpu.memory_space<vmem>>, vector<16xf32>,
    %swap3A_528 = arith.constant 0 : i32
    %swap3A_529 = arith.constant 9 : i32
    %swap3A_530 = arith.index_cast %swap3A_528 : i32 to index
    %swap3A_531 = arith.index_cast %swap3A_529 : i32 to index
    %swap3A_532 = arith.constant 112 : index
    %swap3A_533 = tpu.vector_load %arg11[%swap3A_530, %swap3A_531, %swap3A_532] {strides = array<i32>} : memref<3x16x144xf32, #tpu.memory_space<vmem>>, vector<16xf32>,
    tpu.vector_store %arg11[%swap3A_530, %swap3A_531, %swap3A_532], %broadcast_in_dim3A_0 {strides = array<i32>} : memref<3x16x144xf32, #tpu.memory_space<vmem>>, vector<16xf32>,
    %swap3A_534 = arith.constant 0 : i32
    %swap3A_535 = arith.constant 9 : i32
    %swap3A_536 = arith.index_cast %swap3A_534 : i32 to index
    %swap3A_537 = arith.index_cast %swap3A_535 : i32 to index
    %swap3A_538 = arith.constant 128 : index
    %swap3A_539 = tpu.vector_load %arg11[%swap3A_536, %swap3A_537, %swap3A_538] {strides = array<i32>} : memref<3x16x144xf32, #tpu.memory_space<vmem>>, vector<16xf32>,
    tpu.vector_store %arg11[%swap3A_536, %swap3A_537, %swap3A_538], %broadcast_in_dim3A_0 {strides = array<i32>} : memref<3x16x144xf32, #tpu.memory_space<vmem>>, vector<16xf32>,
    %swap3A_540 = arith.constant 0 : i32
    %swap3A_541 = arith.constant 10 : i32
    %swap3A_542 = arith.index_cast %swap3A_540 : i32 to index
    %swap3A_543 = arith.index_cast %swap3A_541 : i32 to index
    %swap3A_544 = arith.constant 0 : index
    %swap3A_545 = tpu.vector_load %arg11[%swap3A_542, %swap3A_543, %swap3A_544] {strides = array<i32>} : memref<3x16x144xf32, #tpu.memory_space<vmem>>, vector<16xf32>,
    tpu.vector_store %arg11[%swap3A_542, %swap3A_543, %swap3A_544], %broadcast_in_dim3A_0 {strides = array<i32>} : memref<3x16x144xf32, #tpu.memory_space<vmem>>, vector<16xf32>,
    %swap3A_546 = arith.constant 0 : i32
    %swap3A_547 = arith.constant 10 : i32
    %swap3A_548 = arith.index_cast %swap3A_546 : i32 to index
    %swap3A_549 = arith.index_cast %swap3A_547 : i32 to index
    %swap3A_550 = arith.constant 16 : index
    %swap3A_551 = tpu.vector_load %arg11[%swap3A_548, %swap3A_549, %swap3A_550] {strides = array<i32>} : memref<3x16x144xf32, #tpu.memory_space<vmem>>, vector<16xf32>,
    tpu.vector_store %arg11[%swap3A_548, %swap3A_549, %swap3A_550], %broadcast_in_dim3A_0 {strides = array<i32>} : memref<3x16x144xf32, #tpu.memory_space<vmem>>, vector<16xf32>,
    %swap3A_552 = arith.constant 0 : i32
    %swap3A_553 = arith.constant 10 : i32
    %swap3A_554 = arith.index_cast %swap3A_552 : i32 to index
    %swap3A_555 = arith.index_cast %swap3A_553 : i32 to index
    %swap3A_556 = arith.constant 32 : index
    %swap3A_557 = tpu.vector_load %arg11[%swap3A_554, %swap3A_555, %swap3A_556] {strides = array<i32>} : memref<3x16x144xf32, #tpu.memory_space<vmem>>, vector<16xf32>,
    tpu.vector_store %arg11[%swap3A_554, %swap3A_555, %swap3A_556], %broadcast_in_dim3A_0 {strides = array<i32>} : memref<3x16x144xf32, #tpu.memory_space<vmem>>, vector<16xf32>,
    %swap3A_558 = arith.constant 0 : i32
    %swap3A_559 = arith.constant 10 : i32
    %swap3A_560 = arith.index_cast %swap3A_558 : i32 to index
    %swap3A_561 = arith.index_cast %swap3A_559 : i32 to index
    %swap3A_562 = arith.constant 48 : index
    %swap3A_563 = tpu.vector_load %arg11[%swap3A_560, %swap3A_561, %swap3A_562] {strides = array<i32>} : memref<3x16x144xf32, #tpu.memory_space<vmem>>, vector<16xf32>,
    tpu.vector_store %arg11[%swap3A_560, %swap3A_561, %swap3A_562], %broadcast_in_dim3A_0 {strides = array<i32>} : memref<3x16x144xf32, #tpu.memory_space<vmem>>, vector<16xf32>,
    %swap3A_564 = arith.constant 0 : i32
    %swap3A_565 = arith.constant 10 : i32
    %swap3A_566 = arith.index_cast %swap3A_564 : i32 to index
    %swap3A_567 = arith.index_cast %swap3A_565 : i32 to index
    %swap3A_568 = arith.constant 64 : index
    %swap3A_569 = tpu.vector_load %arg11[%swap3A_566, %swap3A_567, %swap3A_568] {strides = array<i32>} : memref<3x16x144xf32, #tpu.memory_space<vmem>>, vector<16xf32>,
    tpu.vector_store %arg11[%swap3A_566, %swap3A_567, %swap3A_568], %broadcast_in_dim3A_0 {strides = array<i32>} : memref<3x16x144xf32, #tpu.memory_space<vmem>>, vector<16xf32>,
    %swap3A_570 = arith.constant 0 : i32
    %swap3A_571 = arith.constant 10 : i32
    %swap3A_572 = arith.index_cast %swap3A_570 : i32 to index
    %swap3A_573 = arith.index_cast %swap3A_571 : i32 to index
    %swap3A_574 = arith.constant 80 : index
    %swap3A_575 = tpu.vector_load %arg11[%swap3A_572, %swap3A_573, %swap3A_574] {strides = array<i32>} : memref<3x16x144xf32, #tpu.memory_space<vmem>>, vector<16xf32>,
    tpu.vector_store %arg11[%swap3A_572, %swap3A_573, %swap3A_574], %broadcast_in_dim3A_0 {strides = array<i32>} : memref<3x16x144xf32, #tpu.memory_space<vmem>>, vector<16xf32>,
    %swap3A_576 = arith.constant 0 : i32
    %swap3A_577 = arith.constant 10 : i32
    %swap3A_578 = arith.index_cast %swap3A_576 : i32 to index
    %swap3A_579 = arith.index_cast %swap3A_577 : i32 to index
    %swap3A_580 = arith.constant 96 : index
    %swap3A_581 = tpu.vector_load %arg11[%swap3A_578, %swap3A_579, %swap3A_580] {strides = array<i32>} : memref<3x16x144xf32, #tpu.memory_space<vmem>>, vector<16xf32>,
    tpu.vector_store %arg11[%swap3A_578, %swap3A_579, %swap3A_580], %broadcast_in_dim3A_0 {strides = array<i32>} : memref<3x16x144xf32, #tpu.memory_space<vmem>>, vector<16xf32>,
    %swap3A_582 = arith.constant 0 : i32
    %swap3A_583 = arith.constant 10 : i32
    %swap3A_584 = arith.index_cast %swap3A_582 : i32 to index
    %swap3A_585 = arith.index_cast %swap3A_583 : i32 to index
    %swap3A_586 = arith.constant 112 : index
    %swap3A_587 = tpu.vector_load %arg11[%swap3A_584, %swap3A_585, %swap3A_586] {strides = array<i32>} : memref<3x16x144xf32, #tpu.memory_space<vmem>>, vector<16xf32>,
    tpu.vector_store %arg11[%swap3A_584, %swap3A_585, %swap3A_586], %broadcast_in_dim3A_0 {strides = array<i32>} : memref<3x16x144xf32, #tpu.memory_space<vmem>>, vector<16xf32>,
    %swap3A_588 = arith.constant 0 : i32
    %swap3A_589 = arith.constant 10 : i32
    %swap3A_590 = arith.index_cast %swap3A_588 : i32 to index
    %swap3A_591 = arith.index_cast %swap3A_589 : i32 to index
    %swap3A_592 = arith.constant 128 : index
    %swap3A_593 = tpu.vector_load %arg11[%swap3A_590, %swap3A_591, %swap3A_592] {strides = array<i32>} : memref<3x16x144xf32, #tpu.memory_space<vmem>>, vector<16xf32>,
    tpu.vector_store %arg11[%swap3A_590, %swap3A_591, %swap3A_592], %broadcast_in_dim3A_0 {strides = array<i32>} : memref<3x16x144xf32, #tpu.memory_space<vmem>>, vector<16xf32>,
    %swap3A_594 = arith.constant 0 : i32
    %swap3A_595 = arith.constant 11 : i32
    %swap3A_596 = arith.index_cast %swap3A_594 : i32 to index
    %swap3A_597 = arith.index_cast %swap3A_595 : i32 to index
    %swap3A_598 = arith.constant 0 : index
    %swap3A_599 = tpu.vector_load %arg11[%swap3A_596, %swap3A_597, %swap3A_598] {strides = array<i32>} : memref<3x16x144xf32, #tpu.memory_space<vmem>>, vector<16xf32>,
    tpu.vector_store %arg11[%swap3A_596, %swap3A_597, %swap3A_598], %broadcast_in_dim3A_0 {strides = array<i32>} : memref<3x16x144xf32, #tpu.memory_space<vmem>>, vector<16xf32>,
    %swap3A_600 = arith.constant 0 : i32
    %swap3A_601 = arith.constant 11 : i32
    %swap3A_602 = arith.index_cast %swap3A_600 : i32 to index
    %swap3A_603 = arith.index_cast %swap3A_601 : i32 to index
    %swap3A_604 = arith.constant 16 : index
    %swap3A_605 = tpu.vector_load %arg11[%swap3A_602, %swap3A_603, %swap3A_604] {strides = array<i32>} : memref<3x16x144xf32, #tpu.memory_space<vmem>>, vector<16xf32>,
    tpu.vector_store %arg11[%swap3A_602, %swap3A_603, %swap3A_604], %broadcast_in_dim3A_0 {strides = array<i32>} : memref<3x16x144xf32, #tpu.memory_space<vmem>>, vector<16xf32>,
    %swap3A_606 = arith.constant 0 : i32
    %swap3A_607 = arith.constant 11 : i32
    %swap3A_608 = arith.index_cast %swap3A_606 : i32 to index
    %swap3A_609 = arith.index_cast %swap3A_607 : i32 to index
    %swap3A_610 = arith.constant 32 : index
    %swap3A_611 = tpu.vector_load %arg11[%swap3A_608, %swap3A_609, %swap3A_610] {strides = array<i32>} : memref<3x16x144xf32, #tpu.memory_space<vmem>>, vector<16xf32>,
    tpu.vector_store %arg11[%swap3A_608, %swap3A_609, %swap3A_610], %broadcast_in_dim3A_0 {strides = array<i32>} : memref<3x16x144xf32, #tpu.memory_space<vmem>>, vector<16xf32>,
    %swap3A_612 = arith.constant 0 : i32
    %swap3A_613 = arith.constant 11 : i32
    %swap3A_614 = arith.index_cast %swap3A_612 : i32 to index
    %swap3A_615 = arith.index_cast %swap3A_613 : i32 to index
    %swap3A_616 = arith.constant 48 : index
    %swap3A_617 = tpu.vector_load %arg11[%swap3A_614, %swap3A_615, %swap3A_616] {strides = array<i32>} : memref<3x16x144xf32, #tpu.memory_space<vmem>>, vector<16xf32>,
    tpu.vector_store %arg11[%swap3A_614, %swap3A_615, %swap3A_616], %broadcast_in_dim3A_0 {strides = array<i32>} : memref<3x16x144xf32, #tpu.memory_space<vmem>>, vector<16xf32>,
    %swap3A_618 = arith.constant 0 : i32
    %swap3A_619 = arith.constant 11 : i32
    %swap3A_620 = arith.index_cast %swap3A_618 : i32 to index
    %swap3A_621 = arith.index_cast %swap3A_619 : i32 to index
    %swap3A_622 = arith.constant 64 : index
    %swap3A_623 = tpu.vector_load %arg11[%swap3A_620, %swap3A_621, %swap3A_622] {strides = array<i32>} : memref<3x16x144xf32, #tpu.memory_space<vmem>>, vector<16xf32>,
    tpu.vector_store %arg11[%swap3A_620, %swap3A_621, %swap3A_622], %broadcast_in_dim3A_0 {strides = array<i32>} : memref<3x16x144xf32, #tpu.memory_space<vmem>>, vector<16xf32>,
    %swap3A_624 = arith.constant 0 : i32
    %swap3A_625 = arith.constant 11 : i32
    %swap3A_626 = arith.index_cast %swap3A_624 : i32 to index
    %swap3A_627 = arith.index_cast %swap3A_625 : i32 to index
    %swap3A_628 = arith.constant 80 : index
    %swap3A_629 = tpu.vector_load %arg11[%swap3A_626, %swap3A_627, %swap3A_628] {strides = array<i32>} : memref<3x16x144xf32, #tpu.memory_space<vmem>>, vector<16xf32>,
    tpu.vector_store %arg11[%swap3A_626, %swap3A_627, %swap3A_628], %broadcast_in_dim3A_0 {strides = array<i32>} : memref<3x16x144xf32, #tpu.memory_space<vmem>>, vector<16xf32>,
    %swap3A_630 = arith.constant 0 : i32
    %swap3A_631 = arith.constant 11 : i32
    %swap3A_632 = arith.index_cast %swap3A_630 : i32 to index
    %swap3A_633 = arith.index_cast %swap3A_631 : i32 to index
    %swap3A_634 = arith.constant 96 : index
    %swap3A_635 = tpu.vector_load %arg11[%swap3A_632, %swap3A_633, %swap3A_634] {strides = array<i32>} : memref<3x16x144xf32, #tpu.memory_space<vmem>>, vector<16xf32>,
    tpu.vector_store %arg11[%swap3A_632, %swap3A_633, %swap3A_634], %broadcast_in_dim3A_0 {strides = array<i32>} : memref<3x16x144xf32, #tpu.memory_space<vmem>>, vector<16xf32>,
    %swap3A_636 = arith.constant 0 : i32
    %swap3A_637 = arith.constant 11 : i32
    %swap3A_638 = arith.index_cast %swap3A_636 : i32 to index
    %swap3A_639 = arith.index_cast %swap3A_637 : i32 to index
    %swap3A_640 = arith.constant 112 : index
    %swap3A_641 = tpu.vector_load %arg11[%swap3A_638, %swap3A_639, %swap3A_640] {strides = array<i32>} : memref<3x16x144xf32, #tpu.memory_space<vmem>>, vector<16xf32>,
    tpu.vector_store %arg11[%swap3A_638, %swap3A_639, %swap3A_640], %broadcast_in_dim3A_0 {strides = array<i32>} : memref<3x16x144xf32, #tpu.memory_space<vmem>>, vector<16xf32>,
    %swap3A_642 = arith.constant 0 : i32
    %swap3A_643 = arith.constant 11 : i32
    %swap3A_644 = arith.index_cast %swap3A_642 : i32 to index
    %swap3A_645 = arith.index_cast %swap3A_643 : i32 to index
    %swap3A_646 = arith.constant 128 : index
    %swap3A_647 = tpu.vector_load %arg11[%swap3A_644, %swap3A_645, %swap3A_646] {strides = array<i32>} : memref<3x16x144xf32, #tpu.memory_space<vmem>>, vector<16xf32>,
    tpu.vector_store %arg11[%swap3A_644, %swap3A_645, %swap3A_646], %broadcast_in_dim3A_0 {strides = array<i32>} : memref<3x16x144xf32, #tpu.memory_space<vmem>>, vector<16xf32>,
    %swap3A_648 = arith.constant 0 : i32
    %swap3A_649 = arith.constant 12 : i32
    %swap3A_650 = arith.index_cast %swap3A_648 : i32 to index
    %swap3A_651 = arith.index_cast %swap3A_649 : i32 to index
    %swap3A_652 = arith.constant 0 : index
    %swap3A_653 = tpu.vector_load %arg11[%swap3A_650, %swap3A_651, %swap3A_652] {strides = array<i32>} : memref<3x16x144xf32, #tpu.memory_space<vmem>>, vector<16xf32>,
    tpu.vector_store %arg11[%swap3A_650, %swap3A_651, %swap3A_652], %broadcast_in_dim3A_0 {strides = array<i32>} : memref<3x16x144xf32, #tpu.memory_space<vmem>>, vector<16xf32>,
    %swap3A_654 = arith.constant 0 : i32
    %swap3A_655 = arith.constant 12 : i32
    %swap3A_656 = arith.index_cast %swap3A_654 : i32 to index
    %swap3A_657 = arith.index_cast %swap3A_655 : i32 to index
    %swap3A_658 = arith.constant 16 : index
    %swap3A_659 = tpu.vector_load %arg11[%swap3A_656, %swap3A_657, %swap3A_658] {strides = array<i32>} : memref<3x16x144xf32, #tpu.memory_space<vmem>>, vector<16xf32>,
    tpu.vector_store %arg11[%swap3A_656, %swap3A_657, %swap3A_658], %broadcast_in_dim3A_0 {strides = array<i32>} : memref<3x16x144xf32, #tpu.memory_space<vmem>>, vector<16xf32>,
    %swap3A_660 = arith.constant 0 : i32
    %swap3A_661 = arith.constant 12 : i32
    %swap3A_662 = arith.index_cast %swap3A_660 : i32 to index
    %swap3A_663 = arith.index_cast %swap3A_661 : i32 to index
    %swap3A_664 = arith.constant 32 : index
    %swap3A_665 = tpu.vector_load %arg11[%swap3A_662, %swap3A_663, %swap3A_664] {strides = array<i32>} : memref<3x16x144xf32, #tpu.memory_space<vmem>>, vector<16xf32>,
    tpu.vector_store %arg11[%swap3A_662, %swap3A_663, %swap3A_664], %broadcast_in_dim3A_0 {strides = array<i32>} : memref<3x16x144xf32, #tpu.memory_space<vmem>>, vector<16xf32>,
    %swap3A_666 = arith.constant 0 : i32
    %swap3A_667 = arith.constant 12 : i32
    %swap3A_668 = arith.index_cast %swap3A_666 : i32 to index
    %swap3A_669 = arith.index_cast %swap3A_667 : i32 to index
    %swap3A_670 = arith.constant 48 : index
    %swap3A_671 = tpu.vector_load %arg11[%swap3A_668, %swap3A_669, %swap3A_670] {strides = array<i32>} : memref<3x16x144xf32, #tpu.memory_space<vmem>>, vector<16xf32>,
    tpu.vector_store %arg11[%swap3A_668, %swap3A_669, %swap3A_670], %broadcast_in_dim3A_0 {strides = array<i32>} : memref<3x16x144xf32, #tpu.memory_space<vmem>>, vector<16xf32>,
    %swap3A_672 = arith.constant 0 : i32
    %swap3A_673 = arith.constant 12 : i32
    %swap3A_674 = arith.index_cast %swap3A_672 : i32 to index
    %swap3A_675 = arith.index_cast %swap3A_673 : i32 to index
    %swap3A_676 = arith.constant 64 : index
    %swap3A_677 = tpu.vector_load %arg11[%swap3A_674, %swap3A_675, %swap3A_676] {strides = array<i32>} : memref<3x16x144xf32, #tpu.memory_space<vmem>>, vector<16xf32>,
    tpu.vector_store %arg11[%swap3A_674, %swap3A_675, %swap3A_676], %broadcast_in_dim3A_0 {strides = array<i32>} : memref<3x16x144xf32, #tpu.memory_space<vmem>>, vector<16xf32>,
    %swap3A_678 = arith.constant 0 : i32
    %swap3A_679 = arith.constant 12 : i32
    %swap3A_680 = arith.index_cast %swap3A_678 : i32 to index
    %swap3A_681 = arith.index_cast %swap3A_679 : i32 to index
    %swap3A_682 = arith.constant 80 : index
    %swap3A_683 = tpu.vector_load %arg11[%swap3A_680, %swap3A_681, %swap3A_682] {strides = array<i32>} : memref<3x16x144xf32, #tpu.memory_space<vmem>>, vector<16xf32>,
    tpu.vector_store %arg11[%swap3A_680, %swap3A_681, %swap3A_682], %broadcast_in_dim3A_0 {strides = array<i32>} : memref<3x16x144xf32, #tpu.memory_space<vmem>>, vector<16xf32>,
    %swap3A_684 = arith.constant 0 : i32
    %swap3A_685 = arith.constant 12 : i32
    %swap3A_686 = arith.index_cast %swap3A_684 : i32 to index
    %swap3A_687 = arith.index_cast %swap3A_685 : i32 to index
    %swap3A_688 = arith.constant 96 : index
    %swap3A_689 = tpu.vector_load %arg11[%swap3A_686, %swap3A_687, %swap3A_688] {strides = array<i32>} : memref<3x16x144xf32, #tpu.memory_space<vmem>>, vector<16xf32>,
    tpu.vector_store %arg11[%swap3A_686, %swap3A_687, %swap3A_688], %broadcast_in_dim3A_0 {strides = array<i32>} : memref<3x16x144xf32, #tpu.memory_space<vmem>>, vector<16xf32>,
    %swap3A_690 = arith.constant 0 : i32
    %swap3A_691 = arith.constant 12 : i32
    %swap3A_692 = arith.index_cast %swap3A_690 : i32 to index
    %swap3A_693 = arith.index_cast %swap3A_691 : i32 to index
    %swap3A_694 = arith.constant 112 : index
    %swap3A_695 = tpu.vector_load %arg11[%swap3A_692, %swap3A_693, %swap3A_694] {strides = array<i32>} : memref<3x16x144xf32, #tpu.memory_space<vmem>>, vector<16xf32>,
    tpu.vector_store %arg11[%swap3A_692, %swap3A_693, %swap3A_694], %broadcast_in_dim3A_0 {strides = array<i32>} : memref<3x16x144xf32, #tpu.memory_space<vmem>>, vector<16xf32>,
    %swap3A_696 = arith.constant 0 : i32
    %swap3A_697 = arith.constant 12 : i32
    %swap3A_698 = arith.index_cast %swap3A_696 : i32 to index
    %swap3A_699 = arith.index_cast %swap3A_697 : i32 to index
    %swap3A_700 = arith.constant 128 : index
    %swap3A_701 = tpu.vector_load %arg11[%swap3A_698, %swap3A_699, %swap3A_700] {strides = array<i32>} : memref<3x16x144xf32, #tpu.memory_space<vmem>>, vector<16xf32>,
    tpu.vector_store %arg11[%swap3A_698, %swap3A_699, %swap3A_700], %broadcast_in_dim3A_0 {strides = array<i32>} : memref<3x16x144xf32, #tpu.memory_space<vmem>>, vector<16xf32>,
    %swap3A_702 = arith.constant 0 : i32
    %swap3A_703 = arith.constant 13 : i32
    %swap3A_704 = arith.index_cast %swap3A_702 : i32 to index
    %swap3A_705 = arith.index_cast %swap3A_703 : i32 to index
    %swap3A_706 = arith.constant 0 : index
    %swap3A_707 = tpu.vector_load %arg11[%swap3A_704, %swap3A_705, %swap3A_706] {strides = array<i32>} : memref<3x16x144xf32, #tpu.memory_space<vmem>>, vector<16xf32>,
    tpu.vector_store %arg11[%swap3A_704, %swap3A_705, %swap3A_706], %broadcast_in_dim3A_0 {strides = array<i32>} : memref<3x16x144xf32, #tpu.memory_space<vmem>>, vector<16xf32>,
    %swap3A_708 = arith.constant 0 : i32
    %swap3A_709 = arith.constant 13 : i32
    %swap3A_710 = arith.index_cast %swap3A_708 : i32 to index
    %swap3A_711 = arith.index_cast %swap3A_709 : i32 to index
    %swap3A_712 = arith.constant 16 : index
    %swap3A_713 = tpu.vector_load %arg11[%swap3A_710, %swap3A_711, %swap3A_712] {strides = array<i32>} : memref<3x16x144xf32, #tpu.memory_space<vmem>>, vector<16xf32>,
    tpu.vector_store %arg11[%swap3A_710, %swap3A_711, %swap3A_712], %broadcast_in_dim3A_0 {strides = array<i32>} : memref<3x16x144xf32, #tpu.memory_space<vmem>>, vector<16xf32>,
    %swap3A_714 = arith.constant 0 : i32
    %swap3A_715 = arith.constant 13 : i32
    %swap3A_716 = arith.index_cast %swap3A_714 : i32 to index
    %swap3A_717 = arith.index_cast %swap3A_715 : i32 to index
    %swap3A_718 = arith.constant 32 : index
    %swap3A_719 = tpu.vector_load %arg11[%swap3A_716, %swap3A_717, %swap3A_718] {strides = array<i32>} : memref<3x16x144xf32, #tpu.memory_space<vmem>>, vector<16xf32>,
    tpu.vector_store %arg11[%swap3A_716, %swap3A_717, %swap3A_718], %broadcast_in_dim3A_0 {strides = array<i32>} : memref<3x16x144xf32, #tpu.memory_space<vmem>>, vector<16xf32>,
    %swap3A_720 = arith.constant 0 : i32
    %swap3A_721 = arith.constant 13 : i32
    %swap3A_722 = arith.index_cast %swap3A_720 : i32 to index
    %swap3A_723 = arith.index_cast %swap3A_721 : i32 to index
    %swap3A_724 = arith.constant 48 : index
    %swap3A_725 = tpu.vector_load %arg11[%swap3A_722, %swap3A_723, %swap3A_724] {strides = array<i32>} : memref<3x16x144xf32, #tpu.memory_space<vmem>>, vector<16xf32>,
    tpu.vector_store %arg11[%swap3A_722, %swap3A_723, %swap3A_724], %broadcast_in_dim3A_0 {strides = array<i32>} : memref<3x16x144xf32, #tpu.memory_space<vmem>>, vector<16xf32>,
    %swap3A_726 = arith.constant 0 : i32
    %swap3A_727 = arith.constant 13 : i32
    %swap3A_728 = arith.index_cast %swap3A_726 : i32 to index
    %swap3A_729 = arith.index_cast %swap3A_727 : i32 to index
    %swap3A_730 = arith.constant 64 : index
    %swap3A_731 = tpu.vector_load %arg11[%swap3A_728, %swap3A_729, %swap3A_730] {strides = array<i32>} : memref<3x16x144xf32, #tpu.memory_space<vmem>>, vector<16xf32>,
    tpu.vector_store %arg11[%swap3A_728, %swap3A_729, %swap3A_730], %broadcast_in_dim3A_0 {strides = array<i32>} : memref<3x16x144xf32, #tpu.memory_space<vmem>>, vector<16xf32>,
    %swap3A_732 = arith.constant 0 : i32
    %swap3A_733 = arith.constant 13 : i32
    %swap3A_734 = arith.index_cast %swap3A_732 : i32 to index
    %swap3A_735 = arith.index_cast %swap3A_733 : i32 to index
    %swap3A_736 = arith.constant 80 : index
    %swap3A_737 = tpu.vector_load %arg11[%swap3A_734, %swap3A_735, %swap3A_736] {strides = array<i32>} : memref<3x16x144xf32, #tpu.memory_space<vmem>>, vector<16xf32>,
    tpu.vector_store %arg11[%swap3A_734, %swap3A_735, %swap3A_736], %broadcast_in_dim3A_0 {strides = array<i32>} : memref<3x16x144xf32, #tpu.memory_space<vmem>>, vector<16xf32>,
    %swap3A_738 = arith.constant 0 : i32
    %swap3A_739 = arith.constant 13 : i32
    %swap3A_740 = arith.index_cast %swap3A_738 : i32 to index
    %swap3A_741 = arith.index_cast %swap3A_739 : i32 to index
    %swap3A_742 = arith.constant 96 : index
    %swap3A_743 = tpu.vector_load %arg11[%swap3A_740, %swap3A_741, %swap3A_742] {strides = array<i32>} : memref<3x16x144xf32, #tpu.memory_space<vmem>>, vector<16xf32>,
    tpu.vector_store %arg11[%swap3A_740, %swap3A_741, %swap3A_742], %broadcast_in_dim3A_0 {strides = array<i32>} : memref<3x16x144xf32, #tpu.memory_space<vmem>>, vector<16xf32>,
    %swap3A_744 = arith.constant 0 : i32
    %swap3A_745 = arith.constant 13 : i32
    %swap3A_746 = arith.index_cast %swap3A_744 : i32 to index
    %swap3A_747 = arith.index_cast %swap3A_745 : i32 to index
    %swap3A_748 = arith.constant 112 : index
    %swap3A_749 = tpu.vector_load %arg11[%swap3A_746, %swap3A_747, %swap3A_748] {strides = array<i32>} : memref<3x16x144xf32, #tpu.memory_space<vmem>>, vector<16xf32>,
    tpu.vector_store %arg11[%swap3A_746, %swap3A_747, %swap3A_748], %broadcast_in_dim3A_0 {strides = array<i32>} : memref<3x16x144xf32, #tpu.memory_space<vmem>>, vector<16xf32>,
    %swap3A_750 = arith.constant 0 : i32
    %swap3A_751 = arith.constant 13 : i32
    %swap3A_752 = arith.index_cast %swap3A_750 : i32 to index
    %swap3A_753 = arith.index_cast %swap3A_751 : i32 to index
    %swap3A_754 = arith.constant 128 : index
    %swap3A_755 = tpu.vector_load %arg11[%swap3A_752, %swap3A_753, %swap3A_754] {strides = array<i32>} : memref<3x16x144xf32, #tpu.memory_space<vmem>>, vector<16xf32>,
    tpu.vector_store %arg11[%swap3A_752, %swap3A_753, %swap3A_754], %broadcast_in_dim3A_0 {strides = array<i32>} : memref<3x16x144xf32, #tpu.memory_space<vmem>>, vector<16xf32>,
    %swap3A_756 = arith.constant 0 : i32
    %swap3A_757 = arith.constant 14 : i32
    %swap3A_758 = arith.index_cast %swap3A_756 : i32 to index
    %swap3A_759 = arith.index_cast %swap3A_757 : i32 to index
    %swap3A_760 = arith.constant 0 : index
    %swap3A_761 = tpu.vector_load %arg11[%swap3A_758, %swap3A_759, %swap3A_760] {strides = array<i32>} : memref<3x16x144xf32, #tpu.memory_space<vmem>>, vector<16xf32>,
    tpu.vector_store %arg11[%swap3A_758, %swap3A_759, %swap3A_760], %broadcast_in_dim3A_0 {strides = array<i32>} : memref<3x16x144xf32, #tpu.memory_space<vmem>>, vector<16xf32>,
    %swap3A_762 = arith.constant 0 : i32
    %swap3A_763 = arith.constant 14 : i32
    %swap3A_764 = arith.index_cast %swap3A_762 : i32 to index
    %swap3A_765 = arith.index_cast %swap3A_763 : i32 to index
    %swap3A_766 = arith.constant 16 : index
    %swap3A_767 = tpu.vector_load %arg11[%swap3A_764, %swap3A_765, %swap3A_766] {strides = array<i32>} : memref<3x16x144xf32, #tpu.memory_space<vmem>>, vector<16xf32>,
    tpu.vector_store %arg11[%swap3A_764, %swap3A_765, %swap3A_766], %broadcast_in_dim3A_0 {strides = array<i32>} : memref<3x16x144xf32, #tpu.memory_space<vmem>>, vector<16xf32>,
    %swap3A_768 = arith.constant 0 : i32
    %swap3A_769 = arith.constant 14 : i32
    %swap3A_770 = arith.index_cast %swap3A_768 : i32 to index
    %swap3A_771 = arith.index_cast %swap3A_769 : i32 to index
    %swap3A_772 = arith.constant 32 : index
    %swap3A_773 = tpu.vector_load %arg11[%swap3A_770, %swap3A_771, %swap3A_772] {strides = array<i32>} : memref<3x16x144xf32, #tpu.memory_space<vmem>>, vector<16xf32>,
    tpu.vector_store %arg11[%swap3A_770, %swap3A_771, %swap3A_772], %broadcast_in_dim3A_0 {strides = array<i32>} : memref<3x16x144xf32, #tpu.memory_space<vmem>>, vector<16xf32>,
    %swap3A_774 = arith.constant 0 : i32
    %swap3A_775 = arith.constant 14 : i32
    %swap3A_776 = arith.index_cast %swap3A_774 : i32 to index
    %swap3A_777 = arith.index_cast %swap3A_775 : i32 to index
    %swap3A_778 = arith.constant 48 : index
    %swap3A_779 = tpu.vector_load %arg11[%swap3A_776, %swap3A_777, %swap3A_778] {strides = array<i32>} : memref<3x16x144xf32, #tpu.memory_space<vmem>>, vector<16xf32>,
    tpu.vector_store %arg11[%swap3A_776, %swap3A_777, %swap3A_778], %broadcast_in_dim3A_0 {strides = array<i32>} : memref<3x16x144xf32, #tpu.memory_space<vmem>>, vector<16xf32>,
    %swap3A_780 = arith.constant 0 : i32
    %swap3A_781 = arith.constant 14 : i32
    %swap3A_782 = arith.index_cast %swap3A_780 : i32 to index
    %swap3A_783 = arith.index_cast %swap3A_781 : i32 to index
    %swap3A_784 = arith.constant 64 : index
    %swap3A_785 = tpu.vector_load %arg11[%swap3A_782, %swap3A_783, %swap3A_784] {strides = array<i32>} : memref<3x16x144xf32, #tpu.memory_space<vmem>>, vector<16xf32>,
    tpu.vector_store %arg11[%swap3A_782, %swap3A_783, %swap3A_784], %broadcast_in_dim3A_0 {strides = array<i32>} : memref<3x16x144xf32, #tpu.memory_space<vmem>>, vector<16xf32>,
    %swap3A_786 = arith.constant 0 : i32
    %swap3A_787 = arith.constant 14 : i32
    %swap3A_788 = arith.index_cast %swap3A_786 : i32 to index
    %swap3A_789 = arith.index_cast %swap3A_787 : i32 to index
    %swap3A_790 = arith.constant 80 : index
    %swap3A_791 = tpu.vector_load %arg11[%swap3A_788, %swap3A_789, %swap3A_790] {strides = array<i32>} : memref<3x16x144xf32, #tpu.memory_space<vmem>>, vector<16xf32>,
    tpu.vector_store %arg11[%swap3A_788, %swap3A_789, %swap3A_790], %broadcast_in_dim3A_0 {strides = array<i32>} : memref<3x16x144xf32, #tpu.memory_space<vmem>>, vector<16xf32>,
    %swap3A_792 = arith.constant 0 : i32
    %swap3A_793 = arith.constant 14 : i32
    %swap3A_794 = arith.index_cast %swap3A_792 : i32 to index
    %swap3A_795 = arith.index_cast %swap3A_793 : i32 to index
    %swap3A_796 = arith.constant 96 : index
    %swap3A_797 = tpu.vector_load %arg11[%swap3A_794, %swap3A_795, %swap3A_796] {strides = array<i32>} : memref<3x16x144xf32, #tpu.memory_space<vmem>>, vector<16xf32>,
    tpu.vector_store %arg11[%swap3A_794, %swap3A_795, %swap3A_796], %broadcast_in_dim3A_0 {strides = array<i32>} : memref<3x16x144xf32, #tpu.memory_space<vmem>>, vector<16xf32>,
    %swap3A_798 = arith.constant 0 : i32
    %swap3A_799 = arith.constant 14 : i32
    %swap3A_800 = arith.index_cast %swap3A_798 : i32 to index
    %swap3A_801 = arith.index_cast %swap3A_799 : i32 to index
    %swap3A_802 = arith.constant 112 : index
    %swap3A_803 = tpu.vector_load %arg11[%swap3A_800, %swap3A_801, %swap3A_802] {strides = array<i32>} : memref<3x16x144xf32, #tpu.memory_space<vmem>>, vector<16xf32>,
    tpu.vector_store %arg11[%swap3A_800, %swap3A_801, %swap3A_802], %broadcast_in_dim3A_0 {strides = array<i32>} : memref<3x16x144xf32, #tpu.memory_space<vmem>>, vector<16xf32>,
    %swap3A_804 = arith.constant 0 : i32
    %swap3A_805 = arith.constant 14 : i32
    %swap3A_806 = arith.index_cast %swap3A_804 : i32 to index
    %swap3A_807 = arith.index_cast %swap3A_805 : i32 to index
    %swap3A_808 = arith.constant 128 : index
    %swap3A_809 = tpu.vector_load %arg11[%swap3A_806, %swap3A_807, %swap3A_808] {strides = array<i32>} : memref<3x16x144xf32, #tpu.memory_space<vmem>>, vector<16xf32>,
    tpu.vector_store %arg11[%swap3A_806, %swap3A_807, %swap3A_808], %broadcast_in_dim3A_0 {strides = array<i32>} : memref<3x16x144xf32, #tpu.memory_space<vmem>>, vector<16xf32>,
    %swap3A_810 = arith.constant 0 : i32
    %swap3A_811 = arith.constant 15 : i32
    %swap3A_812 = arith.index_cast %swap3A_810 : i32 to index
    %swap3A_813 = arith.index_cast %swap3A_811 : i32 to index
    %swap3A_814 = arith.constant 0 : index
    %swap3A_815 = tpu.vector_load %arg11[%swap3A_812, %swap3A_813, %swap3A_814] {strides = array<i32>} : memref<3x16x144xf32, #tpu.memory_space<vmem>>, vector<16xf32>,
    tpu.vector_store %arg11[%swap3A_812, %swap3A_813, %swap3A_814], %broadcast_in_dim3A_0 {strides = array<i32>} : memref<3x16x144xf32, #tpu.memory_space<vmem>>, vector<16xf32>,
    %swap3A_816 = arith.constant 0 : i32
    %swap3A_817 = arith.constant 15 : i32
    %swap3A_818 = arith.index_cast %swap3A_816 : i32 to index
    %swap3A_819 = arith.index_cast %swap3A_817 : i32 to index
    %swap3A_820 = arith.constant 16 : index
    %swap3A_821 = tpu.vector_load %arg11[%swap3A_818, %swap3A_819, %swap3A_820] {strides = array<i32>} : memref<3x16x144xf32, #tpu.memory_space<vmem>>, vector<16xf32>,
    tpu.vector_store %arg11[%swap3A_818, %swap3A_819, %swap3A_820], %broadcast_in_dim3A_0 {strides = array<i32>} : memref<3x16x144xf32, #tpu.memory_space<vmem>>, vector<16xf32>,
    %swap3A_822 = arith.constant 0 : i32
    %swap3A_823 = arith.constant 15 : i32
    %swap3A_824 = arith.index_cast %swap3A_822 : i32 to index
    %swap3A_825 = arith.index_cast %swap3A_823 : i32 to index
    %swap3A_826 = arith.constant 32 : index
    %swap3A_827 = tpu.vector_load %arg11[%swap3A_824, %swap3A_825, %swap3A_826] {strides = array<i32>} : memref<3x16x144xf32, #tpu.memory_space<vmem>>, vector<16xf32>,
    tpu.vector_store %arg11[%swap3A_824, %swap3A_825, %swap3A_826], %broadcast_in_dim3A_0 {strides = array<i32>} : memref<3x16x144xf32, #tpu.memory_space<vmem>>, vector<16xf32>,
    %swap3A_828 = arith.constant 0 : i32
    %swap3A_829 = arith.constant 15 : i32
    %swap3A_830 = arith.index_cast %swap3A_828 : i32 to index
    %swap3A_831 = arith.index_cast %swap3A_829 : i32 to index
    %swap3A_832 = arith.constant 48 : index
    %swap3A_833 = tpu.vector_load %arg11[%swap3A_830, %swap3A_831, %swap3A_832] {strides = array<i32>} : memref<3x16x144xf32, #tpu.memory_space<vmem>>, vector<16xf32>,
    tpu.vector_store %arg11[%swap3A_830, %swap3A_831, %swap3A_832], %broadcast_in_dim3A_0 {strides = array<i32>} : memref<3x16x144xf32, #tpu.memory_space<vmem>>, vector<16xf32>,
    %swap3A_834 = arith.constant 0 : i32
    %swap3A_835 = arith.constant 15 : i32
    %swap3A_836 = arith.index_cast %swap3A_834 : i32 to index
    %swap3A_837 = arith.index_cast %swap3A_835 : i32 to index
    %swap3A_838 = arith.constant 64 : index
    %swap3A_839 = tpu.vector_load %arg11[%swap3A_836, %swap3A_837, %swap3A_838] {strides = array<i32>} : memref<3x16x144xf32, #tpu.memory_space<vmem>>, vector<16xf32>,
    tpu.vector_store %arg11[%swap3A_836, %swap3A_837, %swap3A_838], %broadcast_in_dim3A_0 {strides = array<i32>} : memref<3x16x144xf32, #tpu.memory_space<vmem>>, vector<16xf32>,
    %swap3A_840 = arith.constant 0 : i32
    %swap3A_841 = arith.constant 15 : i32
    %swap3A_842 = arith.index_cast %swap3A_840 : i32 to index
    %swap3A_843 = arith.index_cast %swap3A_841 : i32 to index
    %swap3A_844 = arith.constant 80 : index
    %swap3A_845 = tpu.vector_load %arg11[%swap3A_842, %swap3A_843, %swap3A_844] {strides = array<i32>} : memref<3x16x144xf32, #tpu.memory_space<vmem>>, vector<16xf32>,
    tpu.vector_store %arg11[%swap3A_842, %swap3A_843, %swap3A_844], %broadcast_in_dim3A_0 {strides = array<i32>} : memref<3x16x144xf32, #tpu.memory_space<vmem>>, vector<16xf32>,
    %swap3A_846 = arith.constant 0 : i32
    %swap3A_847 = arith.constant 15 : i32
    %swap3A_848 = arith.index_cast %swap3A_846 : i32 to index
    %swap3A_849 = arith.index_cast %swap3A_847 : i32 to index
    %swap3A_850 = arith.constant 96 : index
    %swap3A_851 = tpu.vector_load %arg11[%swap3A_848, %swap3A_849, %swap3A_850] {strides = array<i32>} : memref<3x16x144xf32, #tpu.memory_space<vmem>>, vector<16xf32>,
    tpu.vector_store %arg11[%swap3A_848, %swap3A_849, %swap3A_850], %broadcast_in_dim3A_0 {strides = array<i32>} : memref<3x16x144xf32, #tpu.memory_space<vmem>>, vector<16xf32>,
    %swap3A_852 = arith.constant 0 : i32
    %swap3A_853 = arith.constant 15 : i32
    %swap3A_854 = arith.index_cast %swap3A_852 : i32 to index
    %swap3A_855 = arith.index_cast %swap3A_853 : i32 to index
    %swap3A_856 = arith.constant 112 : index
    %swap3A_857 = tpu.vector_load %arg11[%swap3A_854, %swap3A_855, %swap3A_856] {strides = array<i32>} : memref<3x16x144xf32, #tpu.memory_space<vmem>>, vector<16xf32>,
    tpu.vector_store %arg11[%swap3A_854, %swap3A_855, %swap3A_856], %broadcast_in_dim3A_0 {strides = array<i32>} : memref<3x16x144xf32, #tpu.memory_space<vmem>>, vector<16xf32>,
    %swap3A_858 = arith.constant 0 : i32
    %swap3A_859 = arith.constant 15 : i32
    %swap3A_860 = arith.index_cast %swap3A_858 : i32 to index
    %swap3A_861 = arith.index_cast %swap3A_859 : i32 to index
    %swap3A_862 = arith.constant 128 : index
    %swap3A_863 = tpu.vector_load %arg11[%swap3A_860, %swap3A_861, %swap3A_862] {strides = array<i32>} : memref<3x16x144xf32, #tpu.memory_space<vmem>>, vector<16xf32>,
    tpu.vector_store %arg11[%swap3A_860, %swap3A_861, %swap3A_862], %broadcast_in_dim3A_0 {strides = array<i32>} : memref<3x16x144xf32, #tpu.memory_space<vmem>>, vector<16xf32>,
    %scan3A = arith.constant 0 : i32
    %scan3A_864 = arith.constant 0 : i32
    %scan3A_865 = arith.constant 40 : i32
    %scan3A_866 = arith.addi %scan3A_864, %scan3A_865 : i32
    %scan3A_867 = arith.constant 1 : i32
    scf.for %scan3A_977 = %scan3A_864 to %scan3A_866 step %scan3A_867  : i32 {
      %mul3A_978 = arith.constant 16 : i32
      %mul3A_979 = arith.muli %mul3A_978, %scan3A_977 : i32
      %add3A_980 = arith.addi %arg1, %mul3A_979 : i32
      %lt3A = arith.constant 625 : i32
      %lt3A_981 = arith.cmpi slt, %add3A_980, %lt3A : i32
      %convert_element_type3A = arith.extui %lt3A_981 : i1 to i32
      %cond3A = arith.constant 0 : i32
      %cond3A_982 = arith.cmpi ne, %convert_element_type3A, %cond3A : i32
      scf.if %cond3A_982 {
        %mul3A_983 = arith.constant 16 : i32
        %mul3A_984 = arith.muli %add3A_980, %mul3A_983 : i32
        %run_scoped3A = arith.constant 0 : i32
        "tpu.region"() ({
          %run_scoped3A_985 = tpu.sem_alloc : memref<!tpu.dma_semaphore, #tpu.memory_space<semaphore_mem>>
          %dma_start3A_986 = arith.constant 0 : i32
          %dma_start3A_987 = arith.constant 0 : i32
          %dma_start3A_988 = tpu.memref_slice %arg11[%run_scoped3A, %dma_start3A_986, %dma_start3A_987] : memref<3x16x144xf32, #tpu.memory_space<vmem>> -> memref<1x16x144xf32, #tpu.memory_space<vmem>>
          %dma_start3A_989 = tpu.memref_squeeze %dma_start3A_988 : memref<1x16x144xf32, #tpu.memory_space<vmem>> -> memref<16x144xf32, #tpu.memory_space<vmem>>
          %dma_start3A_990 = arith.constant 0 : i32
          %dma_start3A_991 = tpu.memref_slice %arg13[%mul3A_984, %dma_start3A_990] : memref<10000x144xf32, #tpu.memory_space<vmem_shared>> -> memref<16x144xf32, #tpu.memory_space<vmem_shared>>
          %dma_start3A_992 = arith.constant 0 : i32
          %dma_start3A_993 = tpu.memref_slice %arg13[%mul3A_984, %dma_start3A_992] : memref<10000x144xf32, #tpu.memory_space<vmem_shared>> -> memref<16x144xf32, #tpu.memory_space<vmem_shared>>
          %dma_start3A_994 = arith.constant 0 : i32
          %dma_start3A_995 = arith.constant 0 : i32
          %dma_start3A_996 = tpu.memref_slice %arg11[%run_scoped3A, %dma_start3A_994, %dma_start3A_995] : memref<3x16x144xf32, #tpu.memory_space<vmem>> -> memref<1x16x144xf32, #tpu.memory_space<vmem>>
          %dma_start3A_997 = tpu.memref_squeeze %dma_start3A_996 : memref<1x16x144xf32, #tpu.memory_space<vmem>> -> memref<16x144xf32, #tpu.memory_space<vmem>>
          tpu.enqueue_dma source(%dma_start3A_997 : memref<16x144xf32, #tpu.memory_space<vmem>>) target(%dma_start3A_993 : memref<16x144xf32, #tpu.memory_space<vmem_shared>>) target_semaphore(%run_scoped3A_985 : memref<!tpu.dma_semaphore, #tpu.memory_space<semaphore_mem>>)
          %dma_wait3A_998 = arith.constant 0 : i32
          %dma_wait3A_999 = arith.constant 0 : i32
          %dma_wait3A_1000 = tpu.memref_slice %arg11[%run_scoped3A, %dma_wait3A_998, %dma_wait3A_999] : memref<3x16x144xf32, #tpu.memory_space<vmem>> -> memref<1x16x144xf32, #tpu.memory_space<vmem>>
          %dma_wait3A_1001 = tpu.memref_squeeze %dma_wait3A_1000 : memref<1x16x144xf32, #tpu.memory_space<vmem>> -> memref<16x144xf32, #tpu.memory_space<vmem>>
          %dma_wait3A_1002 = arith.constant 0 : i32
          %dma_wait3A_1003 = tpu.memref_slice %arg13[%mul3A_984, %dma_wait3A_1002] : memref<10000x144xf32, #tpu.memory_space<vmem_shared>> -> memref<16x144xf32, #tpu.memory_space<vmem_shared>>
          %dma_wait3A_1004 = arith.constant 0 : i32
          %dma_wait3A_1005 = tpu.memref_slice %arg13[%mul3A_984, %dma_wait3A_1004] : memref<10000x144xf32, #tpu.memory_space<vmem_shared>> -> memref<16x144xf32, #tpu.memory_space<vmem_shared>>
          %dma_wait3A_1006 = arith.constant 0 : i32
          %dma_wait3A_1007 = arith.constant 0 : i32
          %dma_wait3A_1008 = tpu.memref_slice %arg11[%run_scoped3A, %dma_wait3A_1006, %dma_wait3A_1007] : memref<3x16x144xf32, #tpu.memory_space<vmem>> -> memref<1x16x144xf32, #tpu.memory_space<vmem>>
          %dma_wait3A_1009 = tpu.memref_squeeze %dma_wait3A_1008 : memref<1x16x144xf32, #tpu.memory_space<vmem>> -> memref<16x144xf32, #tpu.memory_space<vmem>>
          tpu.wait_dma2 semaphore(%run_scoped3A_985 : memref<!tpu.dma_semaphore, #tpu.memory_space<semaphore_mem>>) src(%dma_wait3A_1009 : memref<16x144xf32, #tpu.memory_space<vmem>>) dst(%dma_wait3A_1005 : memref<16x144xf32, #tpu.memory_space<vmem_shared>>)
          tpu.yield
        }) : () -> ()
      } else {
      }
    }
    %scan3A_868 = arith.constant 40 : i32
    %mul3A = arith.constant 10000 : i32
    %mul3A_869 = arith.muli %arg1, %mul3A : i32
    "tpu.region"() ({
      %run_scoped3A = tpu.sem_alloc : memref<!tpu.dma_semaphore, #tpu.memory_space<semaphore_mem>>
      %dma_start3A_977 = tpu.memref_slice %arg3[%mul3A_869] : memref<160000xi32, #tpu.memory_space<hbm>> -> memref<10000xi32, #tpu.memory_space<hbm>>
      %dma_start3A_978 = tpu.memref_slice %arg3[%mul3A_869] : memref<160000xi32, #tpu.memory_space<hbm>> -> memref<10000xi32, #tpu.memory_space<hbm>>
      tpu.enqueue_dma source(%dma_start3A_978 : memref<10000xi32, #tpu.memory_space<hbm>>) target(%arg7 : memref<10000xi32, #tpu.memory_space<vmem>>) target_semaphore(%run_scoped3A : memref<!tpu.dma_semaphore, #tpu.memory_space<semaphore_mem>>)
      %dma_wait3A_979 = tpu.memref_slice %arg3[%mul3A_869] : memref<160000xi32, #tpu.memory_space<hbm>> -> memref<10000xi32, #tpu.memory_space<hbm>>
      %dma_wait3A_980 = tpu.memref_slice %arg3[%mul3A_869] : memref<160000xi32, #tpu.memory_space<hbm>> -> memref<10000xi32, #tpu.memory_space<hbm>>
      tpu.wait_dma2 semaphore(%run_scoped3A : memref<!tpu.dma_semaphore, #tpu.memory_space<semaphore_mem>>) src(%dma_wait3A_980 : memref<10000xi32, #tpu.memory_space<hbm>>) dst(%arg7 : memref<10000xi32, #tpu.memory_space<vmem>>)
      tpu.yield
    }) : () -> ()
    "tpu.region"() ({
      %run_scoped3A = tpu.sem_alloc : memref<!tpu.dma_semaphore, #tpu.memory_space<semaphore_mem>>
      %dma_start3A_977 = tpu.memref_slice %arg4[%mul3A_869] : memref<160000xi32, #tpu.memory_space<hbm>> -> memref<10000xi32, #tpu.memory_space<hbm>>
      %dma_start3A_978 = tpu.memref_slice %arg4[%mul3A_869] : memref<160000xi32, #tpu.memory_space<hbm>> -> memref<10000xi32, #tpu.memory_space<hbm>>
      tpu.enqueue_dma source(%dma_start3A_978 : memref<10000xi32, #tpu.memory_space<hbm>>) target(%arg8 : memref<10000xi32, #tpu.memory_space<vmem>>) target_semaphore(%run_scoped3A : memref<!tpu.dma_semaphore, #tpu.memory_space<semaphore_mem>>)
      %dma_wait3A_979 = tpu.memref_slice %arg4[%mul3A_869] : memref<160000xi32, #tpu.memory_space<hbm>> -> memref<10000xi32, #tpu.memory_space<hbm>>
      %dma_wait3A_980 = tpu.memref_slice %arg4[%mul3A_869] : memref<160000xi32, #tpu.memory_space<hbm>> -> memref<10000xi32, #tpu.memory_space<hbm>>
      tpu.wait_dma2 semaphore(%run_scoped3A : memref<!tpu.dma_semaphore, #tpu.memory_space<semaphore_mem>>) src(%dma_wait3A_980 : memref<10000xi32, #tpu.memory_space<hbm>>) dst(%arg8 : memref<10000xi32, #tpu.memory_space<vmem>>)
      tpu.yield
    }) : () -> ()
    %mul3A_870 = arith.constant 128 : i32
    %mul3A_871 = arith.muli %arg0, %mul3A_870 : i32
    "tpu.region"() ({
      %run_scoped3A = tpu.sem_alloc : memref<!tpu.dma_semaphore, #tpu.memory_space<semaphore_mem>>
      %dma_start3A_977 = tpu.memref_slice %arg5[%mul3A_871] : memref<256xf32, #tpu.memory_space<hbm>> -> memref<128xf32, #tpu.memory_space<hbm>>
      %dma_start3A_978 = tpu.memref_slice %arg5[%mul3A_871] : memref<256xf32, #tpu.memory_space<hbm>> -> memref<128xf32, #tpu.memory_space<hbm>>
      tpu.enqueue_dma source(%dma_start3A_978 : memref<128xf32, #tpu.memory_space<hbm>>) target(%arg12 : memref<128xf32, #tpu.memory_space<vmem>>) target_semaphore(%run_scoped3A : memref<!tpu.dma_semaphore, #tpu.memory_space<semaphore_mem>>)
      %dma_wait3A_979 = tpu.memref_slice %arg5[%mul3A_871] : memref<256xf32, #tpu.memory_space<hbm>> -> memref<128xf32, #tpu.memory_space<hbm>>
      %dma_wait3A_980 = tpu.memref_slice %arg5[%mul3A_871] : memref<256xf32, #tpu.memory_space<hbm>> -> memref<128xf32, #tpu.memory_space<hbm>>
      tpu.wait_dma2 semaphore(%run_scoped3A : memref<!tpu.dma_semaphore, #tpu.memory_space<semaphore_mem>>) src(%dma_wait3A_980 : memref<128xf32, #tpu.memory_space<hbm>>) dst(%arg12 : memref<128xf32, #tpu.memory_space<vmem>>)
      tpu.yield
    }) : () -> ()
    %get3A = arith.constant 0 : index
    %get3A_872 = tpu.vector_load %arg12[%get3A] {strides = array<i32>} : memref<128xf32, #tpu.memory_space<vmem>>, vector<16xf32>,
    %get3A_873 = arith.constant 16 : index
    %get3A_874 = tpu.vector_load %arg12[%get3A_873] {strides = array<i32>} : memref<128xf32, #tpu.memory_space<vmem>>, vector<16xf32>,
    %get3A_875 = arith.constant 32 : index
    %get3A_876 = tpu.vector_load %arg12[%get3A_875] {strides = array<i32>} : memref<128xf32, #tpu.memory_space<vmem>>, vector<16xf32>,
    %get3A_877 = arith.constant 48 : index
    %get3A_878 = tpu.vector_load %arg12[%get3A_877] {strides = array<i32>} : memref<128xf32, #tpu.memory_space<vmem>>, vector<16xf32>,
    %get3A_879 = arith.constant 64 : index
    %get3A_880 = tpu.vector_load %arg12[%get3A_879] {strides = array<i32>} : memref<128xf32, #tpu.memory_space<vmem>>, vector<16xf32>,
    %get3A_881 = arith.constant 80 : index
    %get3A_882 = tpu.vector_load %arg12[%get3A_881] {strides = array<i32>} : memref<128xf32, #tpu.memory_space<vmem>>, vector<16xf32>,
    %get3A_883 = arith.constant 96 : index
    %get3A_884 = tpu.vector_load %arg12[%get3A_883] {strides = array<i32>} : memref<128xf32, #tpu.memory_space<vmem>>, vector<16xf32>,
    %get3A_885 = arith.constant 112 : index
    %get3A_886 = tpu.vector_load %arg12[%get3A_885] {strides = array<i32>} : memref<128xf32, #tpu.memory_space<vmem>>, vector<16xf32>,
    %barrier3A = arith.constant 0 : index
    tpu.barrier barrier_id(%barrier3A)
    %mul3A_887 = arith.constant 10000 : i32
    %mul3A_888 = arith.muli %arg0, %mul3A_887 : i32
    %mul3A_889 = arith.constant 10000 : i32
    %mul3A_890 = arith.muli %arg0, %mul3A_889 : i32
    %add3A = arith.constant 20000 : i32
    %add3A_891 = arith.addi %mul3A_890, %add3A : i32
    %broadcast_in_dim3A_892 = arith.constant 0 : i32
    %broadcast_in_dim3A_893 = vector.broadcast %broadcast_in_dim3A_892 : i32 to vector<16xi32>
    %get3A_894 = arith.constant 0 : index
    %get3A_895 = tpu.vector_load %arg7[%get3A_894] {strides = array<i32>} : memref<10000xi32, #tpu.memory_space<vmem>>, vector<16xi32>,
    %add3A_896 = vector.broadcast %mul3A_888 : i32 to vector<16xi32>
    %add3A_897 = arith.addi %get3A_895, %add3A_896 : vector<16xi32>
    %get3A_898 = arith.constant 0 : index
    %get3A_899 = tpu.vector_load %arg8[%get3A_898] {strides = array<i32>} : memref<10000xi32, #tpu.memory_space<vmem>>, vector<16xi32>,
    %add3A_900 = vector.broadcast %add3A_891 : i32 to vector<16xi32>
    %add3A_901 = arith.addi %get3A_899, %add3A_900 : vector<16xi32>
    %dma_start3A = arith.constant 0 : i32
    %dma_start3A_902 = arith.constant 0 : i32
    %dma_start3A_903 = arith.constant 0 : i32
    %dma_start3A_904 = tpu.memref_slice %arg9[%dma_start3A, %dma_start3A_902, %dma_start3A_903] : memref<3x16x128xf32, #tpu.memory_space<vmem>> -> memref<1x16x128xf32, #tpu.memory_space<vmem>>
    %dma_start3A_905 = tpu.memref_squeeze %dma_start3A_904 : memref<1x16x128xf32, #tpu.memory_space<vmem>> -> memref<16x128xf32, #tpu.memory_space<vmem>>
    %dma_start3A_906 = arith.constant 0 : i32
    %dma_start3A_907 = arith.constant 0 : i32
    %dma_start3A_908 = tpu.memref_slice %arg2[%dma_start3A_906, %dma_start3A_907] : memref<40000x128xf32, #tpu.memory_space<hbm>> -> memref<40000x128xf32, #tpu.memory_space<hbm>>
    tpu.enqueue_indirect_dma source(%dma_start3A_908 : memref<40000x128xf32, #tpu.memory_space<hbm>>) target(%dma_start3A_905 : memref<16x128xf32, #tpu.memory_space<vmem>>) offsets(%add3A_897 : vector<16xi32>) semaphore(%arg14 : memref<!tpu.dma_semaphore, #tpu.memory_space<semaphore_mem>>)
    %dma_start3A_909 = arith.constant 0 : i32
    %dma_start3A_910 = arith.constant 0 : i32
    %dma_start3A_911 = arith.constant 0 : i32
    %dma_start3A_912 = tpu.memref_slice %arg10[%dma_start3A_909, %dma_start3A_910, %dma_start3A_911] : memref<3x16x128xf32, #tpu.memory_space<vmem>> -> memref<1x16x128xf32, #tpu.memory_space<vmem>>
    %dma_start3A_913 = tpu.memref_squeeze %dma_start3A_912 : memref<1x16x128xf32, #tpu.memory_space<vmem>> -> memref<16x128xf32, #tpu.memory_space<vmem>>
    %dma_start3A_914 = arith.constant 0 : i32
    %dma_start3A_915 = arith.constant 0 : i32
    %dma_start3A_916 = tpu.memref_slice %arg2[%dma_start3A_914, %dma_start3A_915] : memref<40000x128xf32, #tpu.memory_space<hbm>> -> memref<40000x128xf32, #tpu.memory_space<hbm>>
    tpu.enqueue_indirect_dma source(%dma_start3A_916 : memref<40000x128xf32, #tpu.memory_space<hbm>>) target(%dma_start3A_913 : memref<16x128xf32, #tpu.memory_space<vmem>>) offsets(%add3A_901 : vector<16xi32>) semaphore(%arg14 : memref<!tpu.dma_semaphore, #tpu.memory_space<semaphore_mem>>)
    %get3A_917 = arith.constant 16 : index
    %get3A_918 = tpu.vector_load %arg7[%get3A_917] {strides = array<i32>} : memref<10000xi32, #tpu.memory_space<vmem>>, vector<16xi32>,
    %add3A_919 = vector.broadcast %mul3A_888 : i32 to vector<16xi32>
    %add3A_920 = arith.addi %get3A_918, %add3A_919 : vector<16xi32>
    %get3A_921 = arith.constant 16 : index
    %get3A_922 = tpu.vector_load %arg8[%get3A_921] {strides = array<i32>} : memref<10000xi32, #tpu.memory_space<vmem>>, vector<16xi32>,
    %add3A_923 = vector.broadcast %add3A_891 : i32 to vector<16xi32>
    %add3A_924 = arith.addi %get3A_922, %add3A_923 : vector<16xi32>
    %dma_start3A_925 = arith.constant 1 : i32
    %dma_start3A_926 = arith.constant 0 : i32
    %dma_start3A_927 = arith.constant 0 : i32
    %dma_start3A_928 = tpu.memref_slice %arg9[%dma_start3A_925, %dma_start3A_926, %dma_start3A_927] : memref<3x16x128xf32, #tpu.memory_space<vmem>> -> memref<1x16x128xf32, #tpu.memory_space<vmem>>
    %dma_start3A_929 = tpu.memref_squeeze %dma_start3A_928 : memref<1x16x128xf32, #tpu.memory_space<vmem>> -> memref<16x128xf32, #tpu.memory_space<vmem>>
    %dma_start3A_930 = arith.constant 0 : i32
    %dma_start3A_931 = arith.constant 0 : i32
    %dma_start3A_932 = tpu.memref_slice %arg2[%dma_start3A_930, %dma_start3A_931] : memref<40000x128xf32, #tpu.memory_space<hbm>> -> memref<40000x128xf32, #tpu.memory_space<hbm>>
    tpu.enqueue_indirect_dma source(%dma_start3A_932 : memref<40000x128xf32, #tpu.memory_space<hbm>>) target(%dma_start3A_929 : memref<16x128xf32, #tpu.memory_space<vmem>>) offsets(%add3A_920 : vector<16xi32>) semaphore(%arg14 : memref<!tpu.dma_semaphore, #tpu.memory_space<semaphore_mem>>)
    %dma_start3A_933 = arith.constant 1 : i32
    %dma_start3A_934 = arith.constant 0 : i32
    %dma_start3A_935 = arith.constant 0 : i32
    %dma_start3A_936 = tpu.memref_slice %arg10[%dma_start3A_933, %dma_start3A_934, %dma_start3A_935] : memref<3x16x128xf32, #tpu.memory_space<vmem>> -> memref<1x16x128xf32, #tpu.memory_space<vmem>>
    %dma_start3A_937 = tpu.memref_squeeze %dma_start3A_936 : memref<1x16x128xf32, #tpu.memory_space<vmem>> -> memref<16x128xf32, #tpu.memory_space<vmem>>
    %dma_start3A_938 = arith.constant 0 : i32
    %dma_start3A_939 = arith.constant 0 : i32
    %dma_start3A_940 = tpu.memref_slice %arg2[%dma_start3A_938, %dma_start3A_939] : memref<40000x128xf32, #tpu.memory_space<hbm>> -> memref<40000x128xf32, #tpu.memory_space<hbm>>
    tpu.enqueue_indirect_dma source(%dma_start3A_940 : memref<40000x128xf32, #tpu.memory_space<hbm>>) target(%dma_start3A_937 : memref<16x128xf32, #tpu.memory_space<vmem>>) offsets(%add3A_924 : vector<16xi32>) semaphore(%arg14 : memref<!tpu.dma_semaphore, #tpu.memory_space<semaphore_mem>>)
    %scan3A_941 = arith.constant 0 : i32
    %scan3A_942 = arith.constant 0 : i32
    %scan3A_943 = arith.constant 625 : i32
    %scan3A_944 = arith.addi %scan3A_942, %scan3A_943 : i32
    %scan3A_945 = arith.constant 1 : i32
    scf.for %scan3A_977 = %scan3A_942 to %scan3A_944 step %scan3A_945  : i32 {
      %rem3A = arith.constant 3 : i32
      %rem3A_978 = arith.remsi %scan3A_977, %rem3A : i32
      %add3A_979 = arith.constant 3 : i32
      %add3A_980 = arith.addi %scan3A_977, %add3A_979 : i32
      %sub3A = arith.constant 1 : i32
      %sub3A_981 = arith.subi %add3A_980, %sub3A : i32
      %lt3A = arith.constant 625 : i32
      %lt3A_982 = arith.cmpi slt, %sub3A_981, %lt3A : i32
      %convert_element_type3A = arith.extui %lt3A_982 : i1 to i32
      %cond3A = arith.constant 0 : i32
      %cond3A_983 = arith.cmpi ne, %convert_element_type3A, %cond3A : i32
      scf.if %cond3A_983 {
        %add3A_1017 = arith.constant 3 : i32
        %add3A_1018 = arith.addi %scan3A_977, %add3A_1017 : i32
        %sub3A_1019 = arith.constant 1 : i32
        %sub3A_1020 = arith.subi %add3A_1018, %sub3A_1019 : i32
        %add3A_1021 = arith.constant 3 : i32
        %add3A_1022 = arith.addi %scan3A_977, %add3A_1021 : i32
        %sub3A_1023 = arith.constant 1 : i32
        %sub3A_1024 = arith.subi %add3A_1022, %sub3A_1023 : i32
        %rem3A_1025 = arith.constant 3 : i32
        %rem3A_1026 = arith.remsi %sub3A_1024, %rem3A_1025 : i32
        %mul3A_1027 = arith.constant 16 : i32
        %mul3A_1028 = arith.muli %sub3A_1020, %mul3A_1027 : i32
        %get3A_1029 = arith.index_cast %mul3A_1028 : i32 to index
        %get3A_1030 = tpu.vector_load %arg7[%get3A_1029] {strides = array<i32>} : memref<10000xi32, #tpu.memory_space<vmem>>, vector<16xi32>,
        %add3A_1031 = vector.broadcast %mul3A_888 : i32 to vector<16xi32>
        %add3A_1032 = arith.addi %get3A_1030, %add3A_1031 : vector<16xi32>
        %get3A_1033 = arith.index_cast %mul3A_1028 : i32 to index
        %get3A_1034 = tpu.vector_load %arg8[%get3A_1033] {strides = array<i32>} : memref<10000xi32, #tpu.memory_space<vmem>>, vector<16xi32>,
        %add3A_1035 = vector.broadcast %add3A_891 : i32 to vector<16xi32>
        %add3A_1036 = arith.addi %get3A_1034, %add3A_1035 : vector<16xi32>
        %dma_start3A_1037 = arith.constant 0 : i32
        %dma_start3A_1038 = arith.constant 0 : i32
        %dma_start3A_1039 = tpu.memref_slice %arg9[%rem3A_1026, %dma_start3A_1037, %dma_start3A_1038] : memref<3x16x128xf32, #tpu.memory_space<vmem>> -> memref<1x16x128xf32, #tpu.memory_space<vmem>>
        %dma_start3A_1040 = tpu.memref_squeeze %dma_start3A_1039 : memref<1x16x128xf32, #tpu.memory_space<vmem>> -> memref<16x128xf32, #tpu.memory_space<vmem>>
        %dma_start3A_1041 = arith.constant 0 : i32
        %dma_start3A_1042 = arith.constant 0 : i32
        %dma_start3A_1043 = tpu.memref_slice %arg2[%dma_start3A_1041, %dma_start3A_1042] : memref<40000x128xf32, #tpu.memory_space<hbm>> -> memref<40000x128xf32, #tpu.memory_space<hbm>>
        tpu.enqueue_indirect_dma source(%dma_start3A_1043 : memref<40000x128xf32, #tpu.memory_space<hbm>>) target(%dma_start3A_1040 : memref<16x128xf32, #tpu.memory_space<vmem>>) offsets(%add3A_1032 : vector<16xi32>) semaphore(%arg14 : memref<!tpu.dma_semaphore, #tpu.memory_space<semaphore_mem>>)
        %dma_start3A_1044 = arith.constant 0 : i32
        %dma_start3A_1045 = arith.constant 0 : i32
        %dma_start3A_1046 = tpu.memref_slice %arg10[%rem3A_1026, %dma_start3A_1044, %dma_start3A_1045] : memref<3x16x128xf32, #tpu.memory_space<vmem>> -> memref<1x16x128xf32, #tpu.memory_space<vmem>>
        %dma_start3A_1047 = tpu.memref_squeeze %dma_start3A_1046 : memref<1x16x128xf32, #tpu.memory_space<vmem>> -> memref<16x128xf32, #tpu.memory_space<vmem>>
        %dma_start3A_1048 = arith.constant 0 : i32
        %dma_start3A_1049 = arith.constant 0 : i32
        %dma_start3A_1050 = tpu.memref_slice %arg2[%dma_start3A_1048, %dma_start3A_1049] : memref<40000x128xf32, #tpu.memory_space<hbm>> -> memref<40000x128xf32, #tpu.memory_space<hbm>>
        tpu.enqueue_indirect_dma source(%dma_start3A_1050 : memref<40000x128xf32, #tpu.memory_space<hbm>>) target(%dma_start3A_1047 : memref<16x128xf32, #tpu.memory_space<vmem>>) offsets(%add3A_1036 : vector<16xi32>) semaphore(%arg14 : memref<!tpu.dma_semaphore, #tpu.memory_space<semaphore_mem>>)
      } else {
      }
      %dma_wait3A_984 = arith.constant 0 : i32
      %dma_wait3A_985 = arith.constant 0 : i32
      %dma_wait3A_986 = arith.constant 0 : i32
      %dma_wait3A_987 = tpu.memref_slice %arg9[%dma_wait3A_984, %dma_wait3A_985, %dma_wait3A_986] : memref<3x16x128xf32, #tpu.memory_space<vmem>> -> memref<1x16x128xf32, #tpu.memory_space<vmem>>
      %dma_wait3A_988 = tpu.memref_squeeze %dma_wait3A_987 : memref<1x16x128xf32, #tpu.memory_space<vmem>> -> memref<16x128xf32, #tpu.memory_space<vmem>>
      %dma_wait3A_989 = arith.constant 0 : i32
      %dma_wait3A_990 = arith.constant 0 : i32
      %dma_wait3A_991 = tpu.memref_slice %arg2[%dma_wait3A_989, %dma_wait3A_990] : memref<40000x128xf32, #tpu.memory_space<hbm>> -> memref<40000x128xf32, #tpu.memory_space<hbm>>
      tpu.wait_indirect_dma semaphore(%arg14 : memref<!tpu.dma_semaphore, #tpu.memory_space<semaphore_mem>>) src(%dma_wait3A_991 : memref<40000x128xf32, #tpu.memory_space<hbm>>) dst(%dma_wait3A_988 : memref<16x128xf32, #tpu.memory_space<vmem>>)
      %dma_wait3A_992 = arith.constant 0 : i32
      %dma_wait3A_993 = arith.constant 0 : i32
      %dma_wait3A_994 = arith.constant 0 : i32
      %dma_wait3A_995 = tpu.memref_slice %arg10[%dma_wait3A_992, %dma_wait3A_993, %dma_wait3A_994] : memref<3x16x128xf32, #tpu.memory_space<vmem>> -> memref<1x16x128xf32, #tpu.memory_space<vmem>>
      %dma_wait3A_996 = tpu.memref_squeeze %dma_wait3A_995 : memref<1x16x128xf32, #tpu.memory_space<vmem>> -> memref<16x128xf32, #tpu.memory_space<vmem>>
      %dma_wait3A_997 = arith.constant 0 : i32
      %dma_wait3A_998 = arith.constant 0 : i32
      %dma_wait3A_999 = tpu.memref_slice %arg2[%dma_wait3A_997, %dma_wait3A_998] : memref<40000x128xf32, #tpu.memory_space<hbm>> -> memref<40000x128xf32, #tpu.memory_space<hbm>>
      tpu.wait_indirect_dma semaphore(%arg14 : memref<!tpu.dma_semaphore, #tpu.memory_space<semaphore_mem>>) src(%dma_wait3A_999 : memref<40000x128xf32, #tpu.memory_space<hbm>>) dst(%dma_wait3A_996 : memref<16x128xf32, #tpu.memory_space<vmem>>)
      %ge3A = arith.constant 3 : i32
      %ge3A_1000 = arith.cmpi sge, %scan3A_977, %ge3A : i32
      %convert_element_type3A_1001 = arith.extui %ge3A_1000 : i1 to i32
      %cond3A_1002 = arith.constant 0 : i32
      %cond3A_1003 = arith.cmpi ne, %convert_element_type3A_1001, %cond3A_1002 : i32
      scf.if %cond3A_1003 {
        %dma_wait3A_1017 = arith.constant 0 : i32
        %dma_wait3A_1018 = arith.constant 0 : i32
        %dma_wait3A_1019 = arith.constant 0 : i32
        %dma_wait3A_1020 = tpu.memref_slice %arg11[%dma_wait3A_1017, %dma_wait3A_1018, %dma_wait3A_1019] : memref<3x16x144xf32, #tpu.memory_space<vmem>> -> memref<1x16x144xf32, #tpu.memory_space<vmem>>
        %dma_wait3A_1021 = tpu.memref_squeeze %dma_wait3A_1020 : memref<1x16x144xf32, #tpu.memory_space<vmem>> -> memref<16x144xf32, #tpu.memory_space<vmem>>
        %dma_wait3A_1022 = arith.constant 0 : i32
        %dma_wait3A_1023 = arith.constant 0 : i32
        %dma_wait3A_1024 = tpu.memref_slice %arg13[%dma_wait3A_1022, %dma_wait3A_1023] : memref<10000x144xf32, #tpu.memory_space<vmem_shared>> -> memref<10000x144xf32, #tpu.memory_space<vmem_shared>>
        tpu.wait_indirect_dma semaphore(%arg15 : memref<!tpu.dma_semaphore, #tpu.memory_space<semaphore_mem>>) src(%dma_wait3A_1021 : memref<16x144xf32, #tpu.memory_space<vmem>>) dst(%dma_wait3A_1024 : memref<10000x144xf32, #tpu.memory_space<vmem_shared>>)
      } else {
      }
      %parallel_loop3A = arith.constant 0 : i32
      %parallel_loop3A_1004 = arith.constant 16 : i32
      %parallel_loop3A_1005 = arith.constant 1 : i32
      scf.for %parallel_loop3A_1017 = %parallel_loop3A to %parallel_loop3A_1004 step %parallel_loop3A_1005  : i32 {
        %parallel_loop3A_1018 = arith.index_cast %rem3A_978 : i32 to index
        %parallel_loop3A_1019 = arith.index_cast %parallel_loop3A_1017 : i32 to index
        %parallel_loop3A_1020 = arith.constant 0 : index
        %parallel_loop3A_1021 = tpu.vector_load %arg9[%parallel_loop3A_1018, %parallel_loop3A_1019, %parallel_loop3A_1020] {strides = array<i32>} : memref<3x16x128xf32, #tpu.memory_space<vmem>>, vector<16xf32>,
        %parallel_loop3A_1022 = arith.index_cast %rem3A_978 : i32 to index
        %parallel_loop3A_1023 = arith.index_cast %parallel_loop3A_1017 : i32 to index
        %parallel_loop3A_1024 = arith.constant 16 : index
        %parallel_loop3A_1025 = tpu.vector_load %arg9[%parallel_loop3A_1022, %parallel_loop3A_1023, %parallel_loop3A_1024] {strides = array<i32>} : memref<3x16x128xf32, #tpu.memory_space<vmem>>, vector<16xf32>,
        %parallel_loop3A_1026 = arith.index_cast %rem3A_978 : i32 to index
        %parallel_loop3A_1027 = arith.index_cast %parallel_loop3A_1017 : i32 to index
        %parallel_loop3A_1028 = arith.constant 32 : index
        %parallel_loop3A_1029 = tpu.vector_load %arg9[%parallel_loop3A_1026, %parallel_loop3A_1027, %parallel_loop3A_1028] {strides = array<i32>} : memref<3x16x128xf32, #tpu.memory_space<vmem>>, vector<16xf32>,
        %parallel_loop3A_1030 = arith.index_cast %rem3A_978 : i32 to index
        %parallel_loop3A_1031 = arith.index_cast %parallel_loop3A_1017 : i32 to index
        %parallel_loop3A_1032 = arith.constant 48 : index
        %parallel_loop3A_1033 = tpu.vector_load %arg9[%parallel_loop3A_1030, %parallel_loop3A_1031, %parallel_loop3A_1032] {strides = array<i32>} : memref<3x16x128xf32, #tpu.memory_space<vmem>>, vector<16xf32>,
        %parallel_loop3A_1034 = arith.index_cast %rem3A_978 : i32 to index
        %parallel_loop3A_1035 = arith.index_cast %parallel_loop3A_1017 : i32 to index
        %parallel_loop3A_1036 = arith.constant 64 : index
        %parallel_loop3A_1037 = tpu.vector_load %arg9[%parallel_loop3A_1034, %parallel_loop3A_1035, %parallel_loop3A_1036] {strides = array<i32>} : memref<3x16x128xf32, #tpu.memory_space<vmem>>, vector<16xf32>,
        %parallel_loop3A_1038 = arith.index_cast %rem3A_978 : i32 to index
        %parallel_loop3A_1039 = arith.index_cast %parallel_loop3A_1017 : i32 to index
        %parallel_loop3A_1040 = arith.constant 80 : index
        %parallel_loop3A_1041 = tpu.vector_load %arg9[%parallel_loop3A_1038, %parallel_loop3A_1039, %parallel_loop3A_1040] {strides = array<i32>} : memref<3x16x128xf32, #tpu.memory_space<vmem>>, vector<16xf32>,
        %parallel_loop3A_1042 = arith.index_cast %rem3A_978 : i32 to index
        %parallel_loop3A_1043 = arith.index_cast %parallel_loop3A_1017 : i32 to index
        %parallel_loop3A_1044 = arith.constant 96 : index
        %parallel_loop3A_1045 = tpu.vector_load %arg9[%parallel_loop3A_1042, %parallel_loop3A_1043, %parallel_loop3A_1044] {strides = array<i32>} : memref<3x16x128xf32, #tpu.memory_space<vmem>>, vector<16xf32>,
        %parallel_loop3A_1046 = arith.index_cast %rem3A_978 : i32 to index
        %parallel_loop3A_1047 = arith.index_cast %parallel_loop3A_1017 : i32 to index
        %parallel_loop3A_1048 = arith.constant 112 : index
        %parallel_loop3A_1049 = tpu.vector_load %arg9[%parallel_loop3A_1046, %parallel_loop3A_1047, %parallel_loop3A_1048] {strides = array<i32>} : memref<3x16x128xf32, #tpu.memory_space<vmem>>, vector<16xf32>,
        %parallel_loop3A_1050 = arith.index_cast %rem3A_978 : i32 to index
        %parallel_loop3A_1051 = arith.index_cast %parallel_loop3A_1017 : i32 to index
        %parallel_loop3A_1052 = arith.constant 0 : index
        %parallel_loop3A_1053 = tpu.vector_load %arg10[%parallel_loop3A_1050, %parallel_loop3A_1051, %parallel_loop3A_1052] {strides = array<i32>} : memref<3x16x128xf32, #tpu.memory_space<vmem>>, vector<16xf32>,
        %parallel_loop3A_1054 = arith.addf %parallel_loop3A_1021, %parallel_loop3A_1053 : vector<16xf32>
        %parallel_loop3A_1055 = arith.constant 2.000000e-01 : f32
        %parallel_loop3A_1056 = vector.broadcast %parallel_loop3A_1055 : f32 to vector<16xf32>
        %parallel_loop3A_1057 = arith.mulf %parallel_loop3A_1056, %parallel_loop3A_1054 : vector<16xf32>
        %parallel_loop3A_1058 = arith.maximumf %parallel_loop3A_1054, %parallel_loop3A_1057 : vector<16xf32>
        %parallel_loop3A_1059 = arith.mulf %parallel_loop3A_1058, %get3A_872 : vector<16xf32>
        %parallel_loop3A_1060 = arith.index_cast %rem3A_978 : i32 to index
        %parallel_loop3A_1061 = arith.index_cast %parallel_loop3A_1017 : i32 to index
        %parallel_loop3A_1062 = arith.constant 16 : index
        %parallel_loop3A_1063 = tpu.vector_load %arg10[%parallel_loop3A_1060, %parallel_loop3A_1061, %parallel_loop3A_1062] {strides = array<i32>} : memref<3x16x128xf32, #tpu.memory_space<vmem>>, vector<16xf32>,
        %parallel_loop3A_1064 = arith.addf %parallel_loop3A_1025, %parallel_loop3A_1063 : vector<16xf32>
        %parallel_loop3A_1065 = arith.constant 2.000000e-01 : f32
        %parallel_loop3A_1066 = vector.broadcast %parallel_loop3A_1065 : f32 to vector<16xf32>
        %parallel_loop3A_1067 = arith.mulf %parallel_loop3A_1066, %parallel_loop3A_1064 : vector<16xf32>
        %parallel_loop3A_1068 = arith.maximumf %parallel_loop3A_1064, %parallel_loop3A_1067 : vector<16xf32>
        %parallel_loop3A_1069 = arith.mulf %parallel_loop3A_1068, %get3A_874 : vector<16xf32>
        %parallel_loop3A_1070 = arith.index_cast %rem3A_978 : i32 to index
        %parallel_loop3A_1071 = arith.index_cast %parallel_loop3A_1017 : i32 to index
        %parallel_loop3A_1072 = arith.constant 32 : index
        %parallel_loop3A_1073 = tpu.vector_load %arg10[%parallel_loop3A_1070, %parallel_loop3A_1071, %parallel_loop3A_1072] {strides = array<i32>} : memref<3x16x128xf32, #tpu.memory_space<vmem>>, vector<16xf32>,
        %parallel_loop3A_1074 = arith.addf %parallel_loop3A_1029, %parallel_loop3A_1073 : vector<16xf32>
        %parallel_loop3A_1075 = arith.constant 2.000000e-01 : f32
        %parallel_loop3A_1076 = vector.broadcast %parallel_loop3A_1075 : f32 to vector<16xf32>
        %parallel_loop3A_1077 = arith.mulf %parallel_loop3A_1076, %parallel_loop3A_1074 : vector<16xf32>
        %parallel_loop3A_1078 = arith.maximumf %parallel_loop3A_1074, %parallel_loop3A_1077 : vector<16xf32>
        %parallel_loop3A_1079 = arith.mulf %parallel_loop3A_1078, %get3A_876 : vector<16xf32>
        %parallel_loop3A_1080 = arith.index_cast %rem3A_978 : i32 to index
        %parallel_loop3A_1081 = arith.index_cast %parallel_loop3A_1017 : i32 to index
        %parallel_loop3A_1082 = arith.constant 48 : index
        %parallel_loop3A_1083 = tpu.vector_load %arg10[%parallel_loop3A_1080, %parallel_loop3A_1081, %parallel_loop3A_1082] {strides = array<i32>} : memref<3x16x128xf32, #tpu.memory_space<vmem>>, vector<16xf32>,
        %parallel_loop3A_1084 = arith.addf %parallel_loop3A_1033, %parallel_loop3A_1083 : vector<16xf32>
        %parallel_loop3A_1085 = arith.constant 2.000000e-01 : f32
        %parallel_loop3A_1086 = vector.broadcast %parallel_loop3A_1085 : f32 to vector<16xf32>
        %parallel_loop3A_1087 = arith.mulf %parallel_loop3A_1086, %parallel_loop3A_1084 : vector<16xf32>
        %parallel_loop3A_1088 = arith.maximumf %parallel_loop3A_1084, %parallel_loop3A_1087 : vector<16xf32>
        %parallel_loop3A_1089 = arith.mulf %parallel_loop3A_1088, %get3A_878 : vector<16xf32>
        %parallel_loop3A_1090 = arith.index_cast %rem3A_978 : i32 to index
        %parallel_loop3A_1091 = arith.index_cast %parallel_loop3A_1017 : i32 to index
        %parallel_loop3A_1092 = arith.constant 64 : index
        %parallel_loop3A_1093 = tpu.vector_load %arg10[%parallel_loop3A_1090, %parallel_loop3A_1091, %parallel_loop3A_1092] {strides = array<i32>} : memref<3x16x128xf32, #tpu.memory_space<vmem>>, vector<16xf32>,
        %parallel_loop3A_1094 = arith.addf %parallel_loop3A_1037, %parallel_loop3A_1093 : vector<16xf32>
        %parallel_loop3A_1095 = arith.constant 2.000000e-01 : f32
        %parallel_loop3A_1096 = vector.broadcast %parallel_loop3A_1095 : f32 to vector<16xf32>
        %parallel_loop3A_1097 = arith.mulf %parallel_loop3A_1096, %parallel_loop3A_1094 : vector<16xf32>
        %parallel_loop3A_1098 = arith.maximumf %parallel_loop3A_1094, %parallel_loop3A_1097 : vector<16xf32>
        %parallel_loop3A_1099 = arith.mulf %parallel_loop3A_1098, %get3A_880 : vector<16xf32>
        %parallel_loop3A_1100 = arith.index_cast %rem3A_978 : i32 to index
        %parallel_loop3A_1101 = arith.index_cast %parallel_loop3A_1017 : i32 to index
        %parallel_loop3A_1102 = arith.constant 80 : index
        %parallel_loop3A_1103 = tpu.vector_load %arg10[%parallel_loop3A_1100, %parallel_loop3A_1101, %parallel_loop3A_1102] {strides = array<i32>} : memref<3x16x128xf32, #tpu.memory_space<vmem>>, vector<16xf32>,
        %parallel_loop3A_1104 = arith.addf %parallel_loop3A_1041, %parallel_loop3A_1103 : vector<16xf32>
        %parallel_loop3A_1105 = arith.constant 2.000000e-01 : f32
        %parallel_loop3A_1106 = vector.broadcast %parallel_loop3A_1105 : f32 to vector<16xf32>
        %parallel_loop3A_1107 = arith.mulf %parallel_loop3A_1106, %parallel_loop3A_1104 : vector<16xf32>
        %parallel_loop3A_1108 = arith.maximumf %parallel_loop3A_1104, %parallel_loop3A_1107 : vector<16xf32>
        %parallel_loop3A_1109 = arith.mulf %parallel_loop3A_1108, %get3A_882 : vector<16xf32>
        %parallel_loop3A_1110 = arith.index_cast %rem3A_978 : i32 to index
        %parallel_loop3A_1111 = arith.index_cast %parallel_loop3A_1017 : i32 to index
        %parallel_loop3A_1112 = arith.constant 96 : index
        %parallel_loop3A_1113 = tpu.vector_load %arg10[%parallel_loop3A_1110, %parallel_loop3A_1111, %parallel_loop3A_1112] {strides = array<i32>} : memref<3x16x128xf32, #tpu.memory_space<vmem>>, vector<16xf32>,
        %parallel_loop3A_1114 = arith.addf %parallel_loop3A_1045, %parallel_loop3A_1113 : vector<16xf32>
        %parallel_loop3A_1115 = arith.constant 2.000000e-01 : f32
        %parallel_loop3A_1116 = vector.broadcast %parallel_loop3A_1115 : f32 to vector<16xf32>
        %parallel_loop3A_1117 = arith.mulf %parallel_loop3A_1116, %parallel_loop3A_1114 : vector<16xf32>
        %parallel_loop3A_1118 = arith.maximumf %parallel_loop3A_1114, %parallel_loop3A_1117 : vector<16xf32>
        %parallel_loop3A_1119 = arith.mulf %parallel_loop3A_1118, %get3A_884 : vector<16xf32>
        %parallel_loop3A_1120 = arith.index_cast %rem3A_978 : i32 to index
        %parallel_loop3A_1121 = arith.index_cast %parallel_loop3A_1017 : i32 to index
        %parallel_loop3A_1122 = arith.constant 112 : index
        %parallel_loop3A_1123 = tpu.vector_load %arg10[%parallel_loop3A_1120, %parallel_loop3A_1121, %parallel_loop3A_1122] {strides = array<i32>} : memref<3x16x128xf32, #tpu.memory_space<vmem>>, vector<16xf32>,
        %parallel_loop3A_1124 = arith.addf %parallel_loop3A_1049, %parallel_loop3A_1123 : vector<16xf32>
        %parallel_loop3A_1125 = arith.constant 2.000000e-01 : f32
        %parallel_loop3A_1126 = vector.broadcast %parallel_loop3A_1125 : f32 to vector<16xf32>
        %parallel_loop3A_1127 = arith.mulf %parallel_loop3A_1126, %parallel_loop3A_1124 : vector<16xf32>
        %parallel_loop3A_1128 = arith.maximumf %parallel_loop3A_1124, %parallel_loop3A_1127 : vector<16xf32>
        %parallel_loop3A_1129 = arith.mulf %parallel_loop3A_1128, %get3A_886 : vector<16xf32>
        %parallel_loop3A_1130 = arith.addf %parallel_loop3A_1059, %parallel_loop3A_1069 : vector<16xf32>
        %parallel_loop3A_1131 = arith.addf %parallel_loop3A_1079, %parallel_loop3A_1089 : vector<16xf32>
        %parallel_loop3A_1132 = arith.addf %parallel_loop3A_1130, %parallel_loop3A_1131 : vector<16xf32>
        %parallel_loop3A_1133 = arith.constant true
        %parallel_loop3A_1134 = vector.broadcast %parallel_loop3A_1133 : i1 to vector<16xi1>
        %parallel_loop3A_1135 = tpu.scan <sum>, %parallel_loop3A_1132 masked %parallel_loop3A_1134 : vector<16xf32>, vector<16xi1> -> vector<16xf32>
        %parallel_loop3A_1136 = vector.extract %parallel_loop3A_1135[15] : f32 from vector<16xf32>
        %parallel_loop3A_1137 = arith.addf %parallel_loop3A_1099, %parallel_loop3A_1109 : vector<16xf32>
        %parallel_loop3A_1138 = arith.addf %parallel_loop3A_1119, %parallel_loop3A_1129 : vector<16xf32>
        %parallel_loop3A_1139 = arith.addf %parallel_loop3A_1137, %parallel_loop3A_1138 : vector<16xf32>
        %parallel_loop3A_1140 = arith.constant true
        %parallel_loop3A_1141 = vector.broadcast %parallel_loop3A_1140 : i1 to vector<16xi1>
        %parallel_loop3A_1142 = tpu.scan <sum>, %parallel_loop3A_1139 masked %parallel_loop3A_1141 : vector<16xf32>, vector<16xi1> -> vector<16xf32>
        %parallel_loop3A_1143 = vector.extract %parallel_loop3A_1142[15] : f32 from vector<16xf32>
        %parallel_loop3A_1144 = vector.broadcast %parallel_loop3A_1136 : f32 to vector<16xf32>
        %parallel_loop3A_1145 = math.exp %parallel_loop3A_1144 : vector<16xf32>
        %parallel_loop3A_1146 = vector.broadcast %parallel_loop3A_1143 : f32 to vector<16xf32>
        %parallel_loop3A_1147 = math.exp %parallel_loop3A_1146 : vector<16xf32>
        %parallel_loop3A_1148 = arith.mulf %parallel_loop3A_1021, %parallel_loop3A_1145 : vector<16xf32>
        %parallel_loop3A_1149 = arith.index_cast %rem3A_978 : i32 to index
        %parallel_loop3A_1150 = arith.index_cast %parallel_loop3A_1017 : i32 to index
        %parallel_loop3A_1151 = arith.constant 0 : index
        %parallel_loop3A_1152 = tpu.vector_load %arg11[%parallel_loop3A_1149, %parallel_loop3A_1150, %parallel_loop3A_1151] {strides = array<i32>} : memref<3x16x144xf32, #tpu.memory_space<vmem>>, vector<16xf32>,
        tpu.vector_store %arg11[%parallel_loop3A_1149, %parallel_loop3A_1150, %parallel_loop3A_1151], %parallel_loop3A_1148 {strides = array<i32>} : memref<3x16x144xf32, #tpu.memory_space<vmem>>, vector<16xf32>,
        %parallel_loop3A_1153 = arith.mulf %parallel_loop3A_1025, %parallel_loop3A_1145 : vector<16xf32>
        %parallel_loop3A_1154 = arith.index_cast %rem3A_978 : i32 to index
        %parallel_loop3A_1155 = arith.index_cast %parallel_loop3A_1017 : i32 to index
        %parallel_loop3A_1156 = arith.constant 16 : index
        %parallel_loop3A_1157 = tpu.vector_load %arg11[%parallel_loop3A_1154, %parallel_loop3A_1155, %parallel_loop3A_1156] {strides = array<i32>} : memref<3x16x144xf32, #tpu.memory_space<vmem>>, vector<16xf32>,
        tpu.vector_store %arg11[%parallel_loop3A_1154, %parallel_loop3A_1155, %parallel_loop3A_1156], %parallel_loop3A_1153 {strides = array<i32>} : memref<3x16x144xf32, #tpu.memory_space<vmem>>, vector<16xf32>,
        %parallel_loop3A_1158 = arith.mulf %parallel_loop3A_1029, %parallel_loop3A_1145 : vector<16xf32>
        %parallel_loop3A_1159 = arith.index_cast %rem3A_978 : i32 to index
        %parallel_loop3A_1160 = arith.index_cast %parallel_loop3A_1017 : i32 to index
        %parallel_loop3A_1161 = arith.constant 32 : index
        %parallel_loop3A_1162 = tpu.vector_load %arg11[%parallel_loop3A_1159, %parallel_loop3A_1160, %parallel_loop3A_1161] {strides = array<i32>} : memref<3x16x144xf32, #tpu.memory_space<vmem>>, vector<16xf32>,
        tpu.vector_store %arg11[%parallel_loop3A_1159, %parallel_loop3A_1160, %parallel_loop3A_1161], %parallel_loop3A_1158 {strides = array<i32>} : memref<3x16x144xf32, #tpu.memory_space<vmem>>, vector<16xf32>,
        %parallel_loop3A_1163 = arith.mulf %parallel_loop3A_1033, %parallel_loop3A_1145 : vector<16xf32>
        %parallel_loop3A_1164 = arith.index_cast %rem3A_978 : i32 to index
        %parallel_loop3A_1165 = arith.index_cast %parallel_loop3A_1017 : i32 to index
        %parallel_loop3A_1166 = arith.constant 48 : index
        %parallel_loop3A_1167 = tpu.vector_load %arg11[%parallel_loop3A_1164, %parallel_loop3A_1165, %parallel_loop3A_1166] {strides = array<i32>} : memref<3x16x144xf32, #tpu.memory_space<vmem>>, vector<16xf32>,
        tpu.vector_store %arg11[%parallel_loop3A_1164, %parallel_loop3A_1165, %parallel_loop3A_1166], %parallel_loop3A_1163 {strides = array<i32>} : memref<3x16x144xf32, #tpu.memory_space<vmem>>, vector<16xf32>,
        %parallel_loop3A_1168 = arith.mulf %parallel_loop3A_1037, %parallel_loop3A_1147 : vector<16xf32>
        %parallel_loop3A_1169 = arith.index_cast %rem3A_978 : i32 to index
        %parallel_loop3A_1170 = arith.index_cast %parallel_loop3A_1017 : i32 to index
        %parallel_loop3A_1171 = arith.constant 64 : index
        %parallel_loop3A_1172 = tpu.vector_load %arg11[%parallel_loop3A_1169, %parallel_loop3A_1170, %parallel_loop3A_1171] {strides = array<i32>} : memref<3x16x144xf32, #tpu.memory_space<vmem>>, vector<16xf32>,
        tpu.vector_store %arg11[%parallel_loop3A_1169, %parallel_loop3A_1170, %parallel_loop3A_1171], %parallel_loop3A_1168 {strides = array<i32>} : memref<3x16x144xf32, #tpu.memory_space<vmem>>, vector<16xf32>,
        %parallel_loop3A_1173 = arith.mulf %parallel_loop3A_1041, %parallel_loop3A_1147 : vector<16xf32>
        %parallel_loop3A_1174 = arith.index_cast %rem3A_978 : i32 to index
        %parallel_loop3A_1175 = arith.index_cast %parallel_loop3A_1017 : i32 to index
        %parallel_loop3A_1176 = arith.constant 80 : index
        %parallel_loop3A_1177 = tpu.vector_load %arg11[%parallel_loop3A_1174, %parallel_loop3A_1175, %parallel_loop3A_1176] {strides = array<i32>} : memref<3x16x144xf32, #tpu.memory_space<vmem>>, vector<16xf32>,
        tpu.vector_store %arg11[%parallel_loop3A_1174, %parallel_loop3A_1175, %parallel_loop3A_1176], %parallel_loop3A_1173 {strides = array<i32>} : memref<3x16x144xf32, #tpu.memory_space<vmem>>, vector<16xf32>,
        %parallel_loop3A_1178 = arith.mulf %parallel_loop3A_1045, %parallel_loop3A_1147 : vector<16xf32>
        %parallel_loop3A_1179 = arith.index_cast %rem3A_978 : i32 to index
        %parallel_loop3A_1180 = arith.index_cast %parallel_loop3A_1017 : i32 to index
        %parallel_loop3A_1181 = arith.constant 96 : index
        %parallel_loop3A_1182 = tpu.vector_load %arg11[%parallel_loop3A_1179, %parallel_loop3A_1180, %parallel_loop3A_1181] {strides = array<i32>} : memref<3x16x144xf32, #tpu.memory_space<vmem>>, vector<16xf32>,
        tpu.vector_store %arg11[%parallel_loop3A_1179, %parallel_loop3A_1180, %parallel_loop3A_1181], %parallel_loop3A_1178 {strides = array<i32>} : memref<3x16x144xf32, #tpu.memory_space<vmem>>, vector<16xf32>,
        %parallel_loop3A_1183 = arith.mulf %parallel_loop3A_1049, %parallel_loop3A_1147 : vector<16xf32>
        %parallel_loop3A_1184 = arith.index_cast %rem3A_978 : i32 to index
        %parallel_loop3A_1185 = arith.index_cast %parallel_loop3A_1017 : i32 to index
        %parallel_loop3A_1186 = arith.constant 112 : index
        %parallel_loop3A_1187 = tpu.vector_load %arg11[%parallel_loop3A_1184, %parallel_loop3A_1185, %parallel_loop3A_1186] {strides = array<i32>} : memref<3x16x144xf32, #tpu.memory_space<vmem>>, vector<16xf32>,
        tpu.vector_store %arg11[%parallel_loop3A_1184, %parallel_loop3A_1185, %parallel_loop3A_1186], %parallel_loop3A_1183 {strides = array<i32>} : memref<3x16x144xf32, #tpu.memory_space<vmem>>, vector<16xf32>,
        %parallel_loop3A_1188 = arith.constant 0 : i32
        %parallel_loop3A_1189 = vector.broadcast %parallel_loop3A_1188 : i32 to vector<16xi32>
        %parallel_loop3A_1190 = arith.cmpi eq, %iota3A, %parallel_loop3A_1189 : vector<16xi32>
        %parallel_loop3A_1191 = arith.constant 1 : i32
        %parallel_loop3A_1192 = vector.broadcast %parallel_loop3A_1191 : i32 to vector<16xi32>
        %parallel_loop3A_1193 = arith.cmpi eq, %iota3A, %parallel_loop3A_1192 : vector<16xi32>
        %parallel_loop3A_1194 = arith.constant 0.000000e+00 : f32
        %parallel_loop3A_1195 = vector.broadcast %parallel_loop3A_1194 : f32 to vector<16xf32>
        %parallel_loop3A_1196 = arith.select %parallel_loop3A_1193, %parallel_loop3A_1147, %parallel_loop3A_1195 : vector<16xi1>, vector<16xf32>
        %parallel_loop3A_1197 = arith.select %parallel_loop3A_1190, %parallel_loop3A_1145, %parallel_loop3A_1196 : vector<16xi1>, vector<16xf32>
        %parallel_loop3A_1198 = arith.index_cast %rem3A_978 : i32 to index
        %parallel_loop3A_1199 = arith.index_cast %parallel_loop3A_1017 : i32 to index
        %parallel_loop3A_1200 = arith.constant 128 : index
        %parallel_loop3A_1201 = tpu.vector_load %arg11[%parallel_loop3A_1198, %parallel_loop3A_1199, %parallel_loop3A_1200] {strides = array<i32>} : memref<3x16x144xf32, #tpu.memory_space<vmem>>, vector<16xf32>,
        tpu.vector_store %arg11[%parallel_loop3A_1198, %parallel_loop3A_1199, %parallel_loop3A_1200], %parallel_loop3A_1197 {strides = array<i32>} : memref<3x16x144xf32, #tpu.memory_space<vmem>>, vector<16xf32>,
      } {sc.loop_unroll_factor = 8 : i64, sc.parallel_access}
      %mul3A_1006 = arith.constant 16 : i32
      %mul3A_1007 = arith.muli %scan3A_977, %mul3A_1006 : i32
      %get3A_1008 = arith.index_cast %mul3A_1007 : i32 to index
      %get3A_1009 = tpu.vector_load %arg8[%get3A_1008] {strides = array<i32>} : memref<10000xi32, #tpu.memory_space<vmem>>, vector<16xi32>,
      %dma_start3A_1010 = arith.constant 0 : i32
      %dma_start3A_1011 = arith.constant 0 : i32
      %dma_start3A_1012 = tpu.memref_slice %arg11[%rem3A_978, %dma_start3A_1010, %dma_start3A_1011] : memref<3x16x144xf32, #tpu.memory_space<vmem>> -> memref<1x16x144xf32, #tpu.memory_space<vmem>>
      %dma_start3A_1013 = tpu.memref_squeeze %dma_start3A_1012 : memref<1x16x144xf32, #tpu.memory_space<vmem>> -> memref<16x144xf32, #tpu.memory_space<vmem>>
      %dma_start3A_1014 = arith.constant 0 : i32
      %dma_start3A_1015 = arith.constant 0 : i32
      %dma_start3A_1016 = tpu.memref_slice %arg13[%dma_start3A_1014, %dma_start3A_1015] : memref<10000x144xf32, #tpu.memory_space<vmem_shared>> -> memref<10000x144xf32, #tpu.memory_space<vmem_shared>>
      tpu.enqueue_indirect_dma source(%dma_start3A_1013 : memref<16x144xf32, #tpu.memory_space<vmem>>) target(%dma_start3A_1016 : memref<10000x144xf32, #tpu.memory_space<vmem_shared>>) offsets(%get3A_1009 : vector<16xi32>) semaphore(%arg15 : memref<!tpu.dma_semaphore, #tpu.memory_space<semaphore_mem>>) {add = true}
    }
    %scan3A_946 = arith.constant 625 : i32
    %dma_wait3A = arith.constant 0 : i32
    %dma_wait3A_947 = arith.constant 0 : i32
    %dma_wait3A_948 = arith.constant 0 : i32
    %dma_wait3A_949 = tpu.memref_slice %arg11[%dma_wait3A, %dma_wait3A_947, %dma_wait3A_948] : memref<3x16x144xf32, #tpu.memory_space<vmem>> -> memref<1x16x144xf32, #tpu.memory_space<vmem>>
    %dma_wait3A_950 = tpu.memref_squeeze %dma_wait3A_949 : memref<1x16x144xf32, #tpu.memory_space<vmem>> -> memref<16x144xf32, #tpu.memory_space<vmem>>
    %dma_wait3A_951 = arith.constant 0 : i32
    %dma_wait3A_952 = arith.constant 0 : i32
    %dma_wait3A_953 = tpu.memref_slice %arg13[%dma_wait3A_951, %dma_wait3A_952] : memref<10000x144xf32, #tpu.memory_space<vmem_shared>> -> memref<10000x144xf32, #tpu.memory_space<vmem_shared>>
    tpu.wait_indirect_dma semaphore(%arg15 : memref<!tpu.dma_semaphore, #tpu.memory_space<semaphore_mem>>) src(%dma_wait3A_950 : memref<16x144xf32, #tpu.memory_space<vmem>>) dst(%dma_wait3A_953 : memref<10000x144xf32, #tpu.memory_space<vmem_shared>>)
    %dma_wait3A_954 = arith.constant 0 : i32
    %dma_wait3A_955 = arith.constant 0 : i32
    %dma_wait3A_956 = arith.constant 0 : i32
    %dma_wait3A_957 = tpu.memref_slice %arg11[%dma_wait3A_954, %dma_wait3A_955, %dma_wait3A_956] : memref<3x16x144xf32, #tpu.memory_space<vmem>> -> memref<1x16x144xf32, #tpu.memory_space<vmem>>
    %dma_wait3A_958 = tpu.memref_squeeze %dma_wait3A_957 : memref<1x16x144xf32, #tpu.memory_space<vmem>> -> memref<16x144xf32, #tpu.memory_space<vmem>>
    %dma_wait3A_959 = arith.constant 0 : i32
    %dma_wait3A_960 = arith.constant 0 : i32
    %dma_wait3A_961 = tpu.memref_slice %arg13[%dma_wait3A_959, %dma_wait3A_960] : memref<10000x144xf32, #tpu.memory_space<vmem_shared>> -> memref<10000x144xf32, #tpu.memory_space<vmem_shared>>
    tpu.wait_indirect_dma semaphore(%arg15 : memref<!tpu.dma_semaphore, #tpu.memory_space<semaphore_mem>>) src(%dma_wait3A_958 : memref<16x144xf32, #tpu.memory_space<vmem>>) dst(%dma_wait3A_961 : memref<10000x144xf32, #tpu.memory_space<vmem_shared>>)
    %dma_wait3A_962 = arith.constant 0 : i32
    %dma_wait3A_963 = arith.constant 0 : i32
    %dma_wait3A_964 = arith.constant 0 : i32
    %dma_wait3A_965 = tpu.memref_slice %arg11[%dma_wait3A_962, %dma_wait3A_963, %dma_wait3A_964] : memref<3x16x144xf32, #tpu.memory_space<vmem>> -> memref<1x16x144xf32, #tpu.memory_space<vmem>>
    %dma_wait3A_966 = tpu.memref_squeeze %dma_wait3A_965 : memref<1x16x144xf32, #tpu.memory_space<vmem>> -> memref<16x144xf32, #tpu.memory_space<vmem>>
    %dma_wait3A_967 = arith.constant 0 : i32
    %dma_wait3A_968 = arith.constant 0 : i32
    %dma_wait3A_969 = tpu.memref_slice %arg13[%dma_wait3A_967, %dma_wait3A_968] : memref<10000x144xf32, #tpu.memory_space<vmem_shared>> -> memref<10000x144xf32, #tpu.memory_space<vmem_shared>>
    tpu.wait_indirect_dma semaphore(%arg15 : memref<!tpu.dma_semaphore, #tpu.memory_space<semaphore_mem>>) src(%dma_wait3A_966 : memref<16x144xf32, #tpu.memory_space<vmem>>) dst(%dma_wait3A_969 : memref<10000x144xf32, #tpu.memory_space<vmem_shared>>)
    %barrier3A_970 = arith.constant 0 : index
    tpu.barrier barrier_id(%barrier3A_970)
    %scan3A_971 = arith.constant 0 : i32
    %scan3A_972 = arith.constant 0 : i32
    %scan3A_973 = arith.constant 79 : i32
    %scan3A_974 = arith.addi %scan3A_972, %scan3A_973 : i32
    %scan3A_975 = arith.constant 1 : i32
    scf.for %scan3A_977 = %scan3A_972 to %scan3A_974 step %scan3A_975  : i32 {
      %mul3A_978 = arith.constant 16 : i32
      %mul3A_979 = arith.muli %mul3A_978, %scan3A_977 : i32
      %add3A_980 = arith.addi %arg1, %mul3A_979 : i32
      %lt3A = arith.constant 1250 : i32
      %lt3A_981 = arith.cmpi slt, %add3A_980, %lt3A : i32
      %convert_element_type3A = arith.extui %lt3A_981 : i1 to i32
      %cond3A = arith.constant 0 : i32
      %cond3A_982 = arith.cmpi ne, %convert_element_type3A, %cond3A : i32
      scf.if %cond3A_982 {
        %mul3A_983 = arith.constant 8 : i32
        %mul3A_984 = arith.muli %add3A_980, %mul3A_983 : i32
        %run_scoped3A = arith.constant 0 : i32
        "tpu.region"() ({
          %run_scoped3A_2031 = tpu.sem_alloc : memref<!tpu.dma_semaphore, #tpu.memory_space<semaphore_mem>>
          %dma_start3A_2032 = arith.constant 0 : i32
          %dma_start3A_2033 = arith.constant 0 : i32
          %dma_start3A_2034 = tpu.memref_slice %arg11[%run_scoped3A, %dma_start3A_2032, %dma_start3A_2033] : memref<3x16x144xf32, #tpu.memory_space<vmem>> -> memref<1x8x144xf32, #tpu.memory_space<vmem>>
          %dma_start3A_2035 = tpu.memref_squeeze %dma_start3A_2034 : memref<1x8x144xf32, #tpu.memory_space<vmem>> -> memref<8x144xf32, #tpu.memory_space<vmem>>
          %dma_start3A_2036 = arith.constant 0 : i32
          %dma_start3A_2037 = tpu.memref_slice %arg13[%mul3A_984, %dma_start3A_2036] : memref<10000x144xf32, #tpu.memory_space<vmem_shared>> -> memref<8x144xf32, #tpu.memory_space<vmem_shared>>
          %dma_start3A_2038 = arith.constant 0 : i32
          %dma_start3A_2039 = arith.constant 0 : i32
          %dma_start3A_2040 = tpu.memref_slice %arg11[%run_scoped3A, %dma_start3A_2038, %dma_start3A_2039] : memref<3x16x144xf32, #tpu.memory_space<vmem>> -> memref<1x8x144xf32, #tpu.memory_space<vmem>>
          %dma_start3A_2041 = tpu.memref_squeeze %dma_start3A_2040 : memref<1x8x144xf32, #tpu.memory_space<vmem>> -> memref<8x144xf32, #tpu.memory_space<vmem>>
          %dma_start3A_2042 = arith.constant 0 : i32
          %dma_start3A_2043 = tpu.memref_slice %arg13[%mul3A_984, %dma_start3A_2042] : memref<10000x144xf32, #tpu.memory_space<vmem_shared>> -> memref<8x144xf32, #tpu.memory_space<vmem_shared>>
          tpu.enqueue_dma source(%dma_start3A_2043 : memref<8x144xf32, #tpu.memory_space<vmem_shared>>) target(%dma_start3A_2041 : memref<8x144xf32, #tpu.memory_space<vmem>>) target_semaphore(%run_scoped3A_2031 : memref<!tpu.dma_semaphore, #tpu.memory_space<semaphore_mem>>)
          %dma_wait3A_2044 = arith.constant 0 : i32
          %dma_wait3A_2045 = arith.constant 0 : i32
          %dma_wait3A_2046 = tpu.memref_slice %arg11[%run_scoped3A, %dma_wait3A_2044, %dma_wait3A_2045] : memref<3x16x144xf32, #tpu.memory_space<vmem>> -> memref<1x8x144xf32, #tpu.memory_space<vmem>>
          %dma_wait3A_2047 = tpu.memref_squeeze %dma_wait3A_2046 : memref<1x8x144xf32, #tpu.memory_space<vmem>> -> memref<8x144xf32, #tpu.memory_space<vmem>>
          %dma_wait3A_2048 = arith.constant 0 : i32
          %dma_wait3A_2049 = tpu.memref_slice %arg13[%mul3A_984, %dma_wait3A_2048] : memref<10000x144xf32, #tpu.memory_space<vmem_shared>> -> memref<8x144xf32, #tpu.memory_space<vmem_shared>>
          %dma_wait3A_2050 = arith.constant 0 : i32
          %dma_wait3A_2051 = arith.constant 0 : i32
          %dma_wait3A_2052 = tpu.memref_slice %arg11[%run_scoped3A, %dma_wait3A_2050, %dma_wait3A_2051] : memref<3x16x144xf32, #tpu.memory_space<vmem>> -> memref<1x8x144xf32, #tpu.memory_space<vmem>>
          %dma_wait3A_2053 = tpu.memref_squeeze %dma_wait3A_2052 : memref<1x8x144xf32, #tpu.memory_space<vmem>> -> memref<8x144xf32, #tpu.memory_space<vmem>>
          %dma_wait3A_2054 = arith.constant 0 : i32
          %dma_wait3A_2055 = tpu.memref_slice %arg13[%mul3A_984, %dma_wait3A_2054] : memref<10000x144xf32, #tpu.memory_space<vmem_shared>> -> memref<8x144xf32, #tpu.memory_space<vmem_shared>>
          tpu.wait_dma2 semaphore(%run_scoped3A_2031 : memref<!tpu.dma_semaphore, #tpu.memory_space<semaphore_mem>>) src(%dma_wait3A_2055 : memref<8x144xf32, #tpu.memory_space<vmem_shared>>) dst(%dma_wait3A_2053 : memref<8x144xf32, #tpu.memory_space<vmem>>)
          tpu.yield
        }) : () -> ()
        %get3A_985 = arith.constant 0 : i32
        %get3A_986 = arith.constant 0 : i32
        %get3A_987 = arith.index_cast %get3A_985 : i32 to index
        %get3A_988 = arith.index_cast %get3A_986 : i32 to index
        %get3A_989 = arith.constant 128 : index
        %get3A_990 = tpu.vector_load %arg11[%get3A_987, %get3A_988, %get3A_989] {strides = array<i32>} : memref<3x16x144xf32, #tpu.memory_space<vmem>>, vector<16xf32>,
        %gt3A = arith.constant 0.000000e+00 : f32
        %gt3A_991 = vector.broadcast %gt3A : f32 to vector<16xf32>
        %gt3A_992 = arith.cmpf ogt, %get3A_990, %gt3A_991 : vector<16xf32>
        %div3A = arith.constant 1.000000e+00 : f32
        %div3A_993 = vector.broadcast %div3A : f32 to vector<16xf32>
        %div3A_994 = arith.divf %div3A_993, %get3A_990 : vector<16xf32>
        %broadcast_in_dim3A_995 = arith.constant 0.000000e+00 : f32
        %broadcast_in_dim3A_996 = vector.broadcast %broadcast_in_dim3A_995 : f32 to vector<16xf32>
        %select_n3A = arith.select %gt3A_992, %div3A_994, %broadcast_in_dim3A_996 : vector<16xi1>, vector<16xf32>
        %slice3A = vector.extract_strided_slice %select_n3A {offsets = [0], sizes = [1], strides = [1]} : vector<16xf32> to vector<1xf32>
        %squeeze3A = vector.extract %slice3A[0] : f32 from vector<1xf32>
        %slice3A_997 = vector.extract_strided_slice %select_n3A {offsets = [1], sizes = [1], strides = [1]} : vector<16xf32> to vector<1xf32>
        %squeeze3A_998 = vector.extract %slice3A_997[0] : f32 from vector<1xf32>
        %get3A_999 = arith.constant 0 : i32
        %get3A_1000 = arith.constant 0 : i32
        %get3A_1001 = arith.index_cast %get3A_999 : i32 to index
        %get3A_1002 = arith.index_cast %get3A_1000 : i32 to index
        %get3A_1003 = arith.constant 0 : index
        %get3A_1004 = tpu.vector_load %arg11[%get3A_1001, %get3A_1002, %get3A_1003] {strides = array<i32>} : memref<3x16x144xf32, #tpu.memory_space<vmem>>, vector<16xf32>,
        %mul3A_1005 = vector.broadcast %squeeze3A : f32 to vector<16xf32>
        %mul3A_1006 = arith.mulf %get3A_1004, %mul3A_1005 : vector<16xf32>
        %swap3A_1007 = arith.constant 0 : i32
        %swap3A_1008 = arith.constant 0 : i32
        %swap3A_1009 = arith.index_cast %swap3A_1007 : i32 to index
        %swap3A_1010 = arith.index_cast %swap3A_1008 : i32 to index
        %swap3A_1011 = arith.constant 0 : index
        %swap3A_1012 = tpu.vector_load %arg9[%swap3A_1009, %swap3A_1010, %swap3A_1011] {strides = array<i32>} : memref<3x16x128xf32, #tpu.memory_space<vmem>>, vector<16xf32>,
        tpu.vector_store %arg9[%swap3A_1009, %swap3A_1010, %swap3A_1011], %mul3A_1006 {strides = array<i32>} : memref<3x16x128xf32, #tpu.memory_space<vmem>>, vector<16xf32>,
        %get3A_1013 = arith.constant 0 : i32
        %get3A_1014 = arith.constant 0 : i32
        %get3A_1015 = arith.index_cast %get3A_1013 : i32 to index
        %get3A_1016 = arith.index_cast %get3A_1014 : i32 to index
        %get3A_1017 = arith.constant 16 : index
        %get3A_1018 = tpu.vector_load %arg11[%get3A_1015, %get3A_1016, %get3A_1017] {strides = array<i32>} : memref<3x16x144xf32, #tpu.memory_space<vmem>>, vector<16xf32>,
        %mul3A_1019 = vector.broadcast %squeeze3A : f32 to vector<16xf32>
        %mul3A_1020 = arith.mulf %get3A_1018, %mul3A_1019 : vector<16xf32>
        %swap3A_1021 = arith.constant 0 : i32
        %swap3A_1022 = arith.constant 0 : i32
        %swap3A_1023 = arith.index_cast %swap3A_1021 : i32 to index
        %swap3A_1024 = arith.index_cast %swap3A_1022 : i32 to index
        %swap3A_1025 = arith.constant 16 : index
        %swap3A_1026 = tpu.vector_load %arg9[%swap3A_1023, %swap3A_1024, %swap3A_1025] {strides = array<i32>} : memref<3x16x128xf32, #tpu.memory_space<vmem>>, vector<16xf32>,
        tpu.vector_store %arg9[%swap3A_1023, %swap3A_1024, %swap3A_1025], %mul3A_1020 {strides = array<i32>} : memref<3x16x128xf32, #tpu.memory_space<vmem>>, vector<16xf32>,
        %get3A_1027 = arith.constant 0 : i32
        %get3A_1028 = arith.constant 0 : i32
        %get3A_1029 = arith.index_cast %get3A_1027 : i32 to index
        %get3A_1030 = arith.index_cast %get3A_1028 : i32 to index
        %get3A_1031 = arith.constant 32 : index
        %get3A_1032 = tpu.vector_load %arg11[%get3A_1029, %get3A_1030, %get3A_1031] {strides = array<i32>} : memref<3x16x144xf32, #tpu.memory_space<vmem>>, vector<16xf32>,
        %mul3A_1033 = vector.broadcast %squeeze3A : f32 to vector<16xf32>
        %mul3A_1034 = arith.mulf %get3A_1032, %mul3A_1033 : vector<16xf32>
        %swap3A_1035 = arith.constant 0 : i32
        %swap3A_1036 = arith.constant 0 : i32
        %swap3A_1037 = arith.index_cast %swap3A_1035 : i32 to index
        %swap3A_1038 = arith.index_cast %swap3A_1036 : i32 to index
        %swap3A_1039 = arith.constant 32 : index
        %swap3A_1040 = tpu.vector_load %arg9[%swap3A_1037, %swap3A_1038, %swap3A_1039] {strides = array<i32>} : memref<3x16x128xf32, #tpu.memory_space<vmem>>, vector<16xf32>,
        tpu.vector_store %arg9[%swap3A_1037, %swap3A_1038, %swap3A_1039], %mul3A_1034 {strides = array<i32>} : memref<3x16x128xf32, #tpu.memory_space<vmem>>, vector<16xf32>,
        %get3A_1041 = arith.constant 0 : i32
        %get3A_1042 = arith.constant 0 : i32
        %get3A_1043 = arith.index_cast %get3A_1041 : i32 to index
        %get3A_1044 = arith.index_cast %get3A_1042 : i32 to index
        %get3A_1045 = arith.constant 48 : index
        %get3A_1046 = tpu.vector_load %arg11[%get3A_1043, %get3A_1044, %get3A_1045] {strides = array<i32>} : memref<3x16x144xf32, #tpu.memory_space<vmem>>, vector<16xf32>,
        %mul3A_1047 = vector.broadcast %squeeze3A : f32 to vector<16xf32>
        %mul3A_1048 = arith.mulf %get3A_1046, %mul3A_1047 : vector<16xf32>
        %swap3A_1049 = arith.constant 0 : i32
        %swap3A_1050 = arith.constant 0 : i32
        %swap3A_1051 = arith.index_cast %swap3A_1049 : i32 to index
        %swap3A_1052 = arith.index_cast %swap3A_1050 : i32 to index
        %swap3A_1053 = arith.constant 48 : index
        %swap3A_1054 = tpu.vector_load %arg9[%swap3A_1051, %swap3A_1052, %swap3A_1053] {strides = array<i32>} : memref<3x16x128xf32, #tpu.memory_space<vmem>>, vector<16xf32>,
        tpu.vector_store %arg9[%swap3A_1051, %swap3A_1052, %swap3A_1053], %mul3A_1048 {strides = array<i32>} : memref<3x16x128xf32, #tpu.memory_space<vmem>>, vector<16xf32>,
        %get3A_1055 = arith.constant 0 : i32
        %get3A_1056 = arith.constant 0 : i32
        %get3A_1057 = arith.index_cast %get3A_1055 : i32 to index
        %get3A_1058 = arith.index_cast %get3A_1056 : i32 to index
        %get3A_1059 = arith.constant 64 : index
        %get3A_1060 = tpu.vector_load %arg11[%get3A_1057, %get3A_1058, %get3A_1059] {strides = array<i32>} : memref<3x16x144xf32, #tpu.memory_space<vmem>>, vector<16xf32>,
        %mul3A_1061 = vector.broadcast %squeeze3A_998 : f32 to vector<16xf32>
        %mul3A_1062 = arith.mulf %get3A_1060, %mul3A_1061 : vector<16xf32>
        %swap3A_1063 = arith.constant 0 : i32
        %swap3A_1064 = arith.constant 0 : i32
        %swap3A_1065 = arith.index_cast %swap3A_1063 : i32 to index
        %swap3A_1066 = arith.index_cast %swap3A_1064 : i32 to index
        %swap3A_1067 = arith.constant 64 : index
        %swap3A_1068 = tpu.vector_load %arg9[%swap3A_1065, %swap3A_1066, %swap3A_1067] {strides = array<i32>} : memref<3x16x128xf32, #tpu.memory_space<vmem>>, vector<16xf32>,
        tpu.vector_store %arg9[%swap3A_1065, %swap3A_1066, %swap3A_1067], %mul3A_1062 {strides = array<i32>} : memref<3x16x128xf32, #tpu.memory_space<vmem>>, vector<16xf32>,
        %get3A_1069 = arith.constant 0 : i32
        %get3A_1070 = arith.constant 0 : i32
        %get3A_1071 = arith.index_cast %get3A_1069 : i32 to index
        %get3A_1072 = arith.index_cast %get3A_1070 : i32 to index
        %get3A_1073 = arith.constant 80 : index
        %get3A_1074 = tpu.vector_load %arg11[%get3A_1071, %get3A_1072, %get3A_1073] {strides = array<i32>} : memref<3x16x144xf32, #tpu.memory_space<vmem>>, vector<16xf32>,
        %mul3A_1075 = vector.broadcast %squeeze3A_998 : f32 to vector<16xf32>
        %mul3A_1076 = arith.mulf %get3A_1074, %mul3A_1075 : vector<16xf32>
        %swap3A_1077 = arith.constant 0 : i32
        %swap3A_1078 = arith.constant 0 : i32
        %swap3A_1079 = arith.index_cast %swap3A_1077 : i32 to index
        %swap3A_1080 = arith.index_cast %swap3A_1078 : i32 to index
        %swap3A_1081 = arith.constant 80 : index
        %swap3A_1082 = tpu.vector_load %arg9[%swap3A_1079, %swap3A_1080, %swap3A_1081] {strides = array<i32>} : memref<3x16x128xf32, #tpu.memory_space<vmem>>, vector<16xf32>,
        tpu.vector_store %arg9[%swap3A_1079, %swap3A_1080, %swap3A_1081], %mul3A_1076 {strides = array<i32>} : memref<3x16x128xf32, #tpu.memory_space<vmem>>, vector<16xf32>,
        %get3A_1083 = arith.constant 0 : i32
        %get3A_1084 = arith.constant 0 : i32
        %get3A_1085 = arith.index_cast %get3A_1083 : i32 to index
        %get3A_1086 = arith.index_cast %get3A_1084 : i32 to index
        %get3A_1087 = arith.constant 96 : index
        %get3A_1088 = tpu.vector_load %arg11[%get3A_1085, %get3A_1086, %get3A_1087] {strides = array<i32>} : memref<3x16x144xf32, #tpu.memory_space<vmem>>, vector<16xf32>,
        %mul3A_1089 = vector.broadcast %squeeze3A_998 : f32 to vector<16xf32>
        %mul3A_1090 = arith.mulf %get3A_1088, %mul3A_1089 : vector<16xf32>
        %swap3A_1091 = arith.constant 0 : i32
        %swap3A_1092 = arith.constant 0 : i32
        %swap3A_1093 = arith.index_cast %swap3A_1091 : i32 to index
        %swap3A_1094 = arith.index_cast %swap3A_1092 : i32 to index
        %swap3A_1095 = arith.constant 96 : index
        %swap3A_1096 = tpu.vector_load %arg9[%swap3A_1093, %swap3A_1094, %swap3A_1095] {strides = array<i32>} : memref<3x16x128xf32, #tpu.memory_space<vmem>>, vector<16xf32>,
        tpu.vector_store %arg9[%swap3A_1093, %swap3A_1094, %swap3A_1095], %mul3A_1090 {strides = array<i32>} : memref<3x16x128xf32, #tpu.memory_space<vmem>>, vector<16xf32>,
        %get3A_1097 = arith.constant 0 : i32
        %get3A_1098 = arith.constant 0 : i32
        %get3A_1099 = arith.index_cast %get3A_1097 : i32 to index
        %get3A_1100 = arith.index_cast %get3A_1098 : i32 to index
        %get3A_1101 = arith.constant 112 : index
        %get3A_1102 = tpu.vector_load %arg11[%get3A_1099, %get3A_1100, %get3A_1101] {strides = array<i32>} : memref<3x16x144xf32, #tpu.memory_space<vmem>>, vector<16xf32>,
        %mul3A_1103 = vector.broadcast %squeeze3A_998 : f32 to vector<16xf32>
        %mul3A_1104 = arith.mulf %get3A_1102, %mul3A_1103 : vector<16xf32>
        %swap3A_1105 = arith.constant 0 : i32
        %swap3A_1106 = arith.constant 0 : i32
        %swap3A_1107 = arith.index_cast %swap3A_1105 : i32 to index
        %swap3A_1108 = arith.index_cast %swap3A_1106 : i32 to index
        %swap3A_1109 = arith.constant 112 : index
        %swap3A_1110 = tpu.vector_load %arg9[%swap3A_1107, %swap3A_1108, %swap3A_1109] {strides = array<i32>} : memref<3x16x128xf32, #tpu.memory_space<vmem>>, vector<16xf32>,
        tpu.vector_store %arg9[%swap3A_1107, %swap3A_1108, %swap3A_1109], %mul3A_1104 {strides = array<i32>} : memref<3x16x128xf32, #tpu.memory_space<vmem>>, vector<16xf32>,
        %get3A_1111 = arith.constant 0 : i32
        %get3A_1112 = arith.constant 1 : i32
        %get3A_1113 = arith.index_cast %get3A_1111 : i32 to index
        %get3A_1114 = arith.index_cast %get3A_1112 : i32 to index
        %get3A_1115 = arith.constant 128 : index
        %get3A_1116 = tpu.vector_load %arg11[%get3A_1113, %get3A_1114, %get3A_1115] {strides = array<i32>} : memref<3x16x144xf32, #tpu.memory_space<vmem>>, vector<16xf32>,
        %gt3A_1117 = arith.constant 0.000000e+00 : f32
        %gt3A_1118 = vector.broadcast %gt3A_1117 : f32 to vector<16xf32>
        %gt3A_1119 = arith.cmpf ogt, %get3A_1116, %gt3A_1118 : vector<16xf32>
        %div3A_1120 = arith.constant 1.000000e+00 : f32
        %div3A_1121 = vector.broadcast %div3A_1120 : f32 to vector<16xf32>
        %div3A_1122 = arith.divf %div3A_1121, %get3A_1116 : vector<16xf32>
        %broadcast_in_dim3A_1123 = arith.constant 0.000000e+00 : f32
        %broadcast_in_dim3A_1124 = vector.broadcast %broadcast_in_dim3A_1123 : f32 to vector<16xf32>
        %select_n3A_1125 = arith.select %gt3A_1119, %div3A_1122, %broadcast_in_dim3A_1124 : vector<16xi1>, vector<16xf32>
        %slice3A_1126 = vector.extract_strided_slice %select_n3A_1125 {offsets = [0], sizes = [1], strides = [1]} : vector<16xf32> to vector<1xf32>
        %squeeze3A_1127 = vector.extract %slice3A_1126[0] : f32 from vector<1xf32>
        %slice3A_1128 = vector.extract_strided_slice %select_n3A_1125 {offsets = [1], sizes = [1], strides = [1]} : vector<16xf32> to vector<1xf32>
        %squeeze3A_1129 = vector.extract %slice3A_1128[0] : f32 from vector<1xf32>
        %get3A_1130 = arith.constant 0 : i32
        %get3A_1131 = arith.constant 1 : i32
        %get3A_1132 = arith.index_cast %get3A_1130 : i32 to index
        %get3A_1133 = arith.index_cast %get3A_1131 : i32 to index
        %get3A_1134 = arith.constant 0 : index
        %get3A_1135 = tpu.vector_load %arg11[%get3A_1132, %get3A_1133, %get3A_1134] {strides = array<i32>} : memref<3x16x144xf32, #tpu.memory_space<vmem>>, vector<16xf32>,
        %mul3A_1136 = vector.broadcast %squeeze3A_1127 : f32 to vector<16xf32>
        %mul3A_1137 = arith.mulf %get3A_1135, %mul3A_1136 : vector<16xf32>
        %swap3A_1138 = arith.constant 0 : i32
        %swap3A_1139 = arith.constant 1 : i32
        %swap3A_1140 = arith.index_cast %swap3A_1138 : i32 to index
        %swap3A_1141 = arith.index_cast %swap3A_1139 : i32 to index
        %swap3A_1142 = arith.constant 0 : index
        %swap3A_1143 = tpu.vector_load %arg9[%swap3A_1140, %swap3A_1141, %swap3A_1142] {strides = array<i32>} : memref<3x16x128xf32, #tpu.memory_space<vmem>>, vector<16xf32>,
        tpu.vector_store %arg9[%swap3A_1140, %swap3A_1141, %swap3A_1142], %mul3A_1137 {strides = array<i32>} : memref<3x16x128xf32, #tpu.memory_space<vmem>>, vector<16xf32>,
        %get3A_1144 = arith.constant 0 : i32
        %get3A_1145 = arith.constant 1 : i32
        %get3A_1146 = arith.index_cast %get3A_1144 : i32 to index
        %get3A_1147 = arith.index_cast %get3A_1145 : i32 to index
        %get3A_1148 = arith.constant 16 : index
        %get3A_1149 = tpu.vector_load %arg11[%get3A_1146, %get3A_1147, %get3A_1148] {strides = array<i32>} : memref<3x16x144xf32, #tpu.memory_space<vmem>>, vector<16xf32>,
        %mul3A_1150 = vector.broadcast %squeeze3A_1127 : f32 to vector<16xf32>
        %mul3A_1151 = arith.mulf %get3A_1149, %mul3A_1150 : vector<16xf32>
        %swap3A_1152 = arith.constant 0 : i32
        %swap3A_1153 = arith.constant 1 : i32
        %swap3A_1154 = arith.index_cast %swap3A_1152 : i32 to index
        %swap3A_1155 = arith.index_cast %swap3A_1153 : i32 to index
        %swap3A_1156 = arith.constant 16 : index
        %swap3A_1157 = tpu.vector_load %arg9[%swap3A_1154, %swap3A_1155, %swap3A_1156] {strides = array<i32>} : memref<3x16x128xf32, #tpu.memory_space<vmem>>, vector<16xf32>,
        tpu.vector_store %arg9[%swap3A_1154, %swap3A_1155, %swap3A_1156], %mul3A_1151 {strides = array<i32>} : memref<3x16x128xf32, #tpu.memory_space<vmem>>, vector<16xf32>,
        %get3A_1158 = arith.constant 0 : i32
        %get3A_1159 = arith.constant 1 : i32
        %get3A_1160 = arith.index_cast %get3A_1158 : i32 to index
        %get3A_1161 = arith.index_cast %get3A_1159 : i32 to index
        %get3A_1162 = arith.constant 32 : index
        %get3A_1163 = tpu.vector_load %arg11[%get3A_1160, %get3A_1161, %get3A_1162] {strides = array<i32>} : memref<3x16x144xf32, #tpu.memory_space<vmem>>, vector<16xf32>,
        %mul3A_1164 = vector.broadcast %squeeze3A_1127 : f32 to vector<16xf32>
        %mul3A_1165 = arith.mulf %get3A_1163, %mul3A_1164 : vector<16xf32>
        %swap3A_1166 = arith.constant 0 : i32
        %swap3A_1167 = arith.constant 1 : i32
        %swap3A_1168 = arith.index_cast %swap3A_1166 : i32 to index
        %swap3A_1169 = arith.index_cast %swap3A_1167 : i32 to index
        %swap3A_1170 = arith.constant 32 : index
        %swap3A_1171 = tpu.vector_load %arg9[%swap3A_1168, %swap3A_1169, %swap3A_1170] {strides = array<i32>} : memref<3x16x128xf32, #tpu.memory_space<vmem>>, vector<16xf32>,
        tpu.vector_store %arg9[%swap3A_1168, %swap3A_1169, %swap3A_1170], %mul3A_1165 {strides = array<i32>} : memref<3x16x128xf32, #tpu.memory_space<vmem>>, vector<16xf32>,
        %get3A_1172 = arith.constant 0 : i32
        %get3A_1173 = arith.constant 1 : i32
        %get3A_1174 = arith.index_cast %get3A_1172 : i32 to index
        %get3A_1175 = arith.index_cast %get3A_1173 : i32 to index
        %get3A_1176 = arith.constant 48 : index
        %get3A_1177 = tpu.vector_load %arg11[%get3A_1174, %get3A_1175, %get3A_1176] {strides = array<i32>} : memref<3x16x144xf32, #tpu.memory_space<vmem>>, vector<16xf32>,
        %mul3A_1178 = vector.broadcast %squeeze3A_1127 : f32 to vector<16xf32>
        %mul3A_1179 = arith.mulf %get3A_1177, %mul3A_1178 : vector<16xf32>
        %swap3A_1180 = arith.constant 0 : i32
        %swap3A_1181 = arith.constant 1 : i32
        %swap3A_1182 = arith.index_cast %swap3A_1180 : i32 to index
        %swap3A_1183 = arith.index_cast %swap3A_1181 : i32 to index
        %swap3A_1184 = arith.constant 48 : index
        %swap3A_1185 = tpu.vector_load %arg9[%swap3A_1182, %swap3A_1183, %swap3A_1184] {strides = array<i32>} : memref<3x16x128xf32, #tpu.memory_space<vmem>>, vector<16xf32>,
        tpu.vector_store %arg9[%swap3A_1182, %swap3A_1183, %swap3A_1184], %mul3A_1179 {strides = array<i32>} : memref<3x16x128xf32, #tpu.memory_space<vmem>>, vector<16xf32>,
        %get3A_1186 = arith.constant 0 : i32
        %get3A_1187 = arith.constant 1 : i32
        %get3A_1188 = arith.index_cast %get3A_1186 : i32 to index
        %get3A_1189 = arith.index_cast %get3A_1187 : i32 to index
        %get3A_1190 = arith.constant 64 : index
        %get3A_1191 = tpu.vector_load %arg11[%get3A_1188, %get3A_1189, %get3A_1190] {strides = array<i32>} : memref<3x16x144xf32, #tpu.memory_space<vmem>>, vector<16xf32>,
        %mul3A_1192 = vector.broadcast %squeeze3A_1129 : f32 to vector<16xf32>
        %mul3A_1193 = arith.mulf %get3A_1191, %mul3A_1192 : vector<16xf32>
        %swap3A_1194 = arith.constant 0 : i32
        %swap3A_1195 = arith.constant 1 : i32
        %swap3A_1196 = arith.index_cast %swap3A_1194 : i32 to index
        %swap3A_1197 = arith.index_cast %swap3A_1195 : i32 to index
        %swap3A_1198 = arith.constant 64 : index
        %swap3A_1199 = tpu.vector_load %arg9[%swap3A_1196, %swap3A_1197, %swap3A_1198] {strides = array<i32>} : memref<3x16x128xf32, #tpu.memory_space<vmem>>, vector<16xf32>,
        tpu.vector_store %arg9[%swap3A_1196, %swap3A_1197, %swap3A_1198], %mul3A_1193 {strides = array<i32>} : memref<3x16x128xf32, #tpu.memory_space<vmem>>, vector<16xf32>,
        %get3A_1200 = arith.constant 0 : i32
        %get3A_1201 = arith.constant 1 : i32
        %get3A_1202 = arith.index_cast %get3A_1200 : i32 to index
        %get3A_1203 = arith.index_cast %get3A_1201 : i32 to index
        %get3A_1204 = arith.constant 80 : index
        %get3A_1205 = tpu.vector_load %arg11[%get3A_1202, %get3A_1203, %get3A_1204] {strides = array<i32>} : memref<3x16x144xf32, #tpu.memory_space<vmem>>, vector<16xf32>,
        %mul3A_1206 = vector.broadcast %squeeze3A_1129 : f32 to vector<16xf32>
        %mul3A_1207 = arith.mulf %get3A_1205, %mul3A_1206 : vector<16xf32>
        %swap3A_1208 = arith.constant 0 : i32
        %swap3A_1209 = arith.constant 1 : i32
        %swap3A_1210 = arith.index_cast %swap3A_1208 : i32 to index
        %swap3A_1211 = arith.index_cast %swap3A_1209 : i32 to index
        %swap3A_1212 = arith.constant 80 : index
        %swap3A_1213 = tpu.vector_load %arg9[%swap3A_1210, %swap3A_1211, %swap3A_1212] {strides = array<i32>} : memref<3x16x128xf32, #tpu.memory_space<vmem>>, vector<16xf32>,
        tpu.vector_store %arg9[%swap3A_1210, %swap3A_1211, %swap3A_1212], %mul3A_1207 {strides = array<i32>} : memref<3x16x128xf32, #tpu.memory_space<vmem>>, vector<16xf32>,
        %get3A_1214 = arith.constant 0 : i32
        %get3A_1215 = arith.constant 1 : i32
        %get3A_1216 = arith.index_cast %get3A_1214 : i32 to index
        %get3A_1217 = arith.index_cast %get3A_1215 : i32 to index
        %get3A_1218 = arith.constant 96 : index
        %get3A_1219 = tpu.vector_load %arg11[%get3A_1216, %get3A_1217, %get3A_1218] {strides = array<i32>} : memref<3x16x144xf32, #tpu.memory_space<vmem>>, vector<16xf32>,
        %mul3A_1220 = vector.broadcast %squeeze3A_1129 : f32 to vector<16xf32>
        %mul3A_1221 = arith.mulf %get3A_1219, %mul3A_1220 : vector<16xf32>
        %swap3A_1222 = arith.constant 0 : i32
        %swap3A_1223 = arith.constant 1 : i32
        %swap3A_1224 = arith.index_cast %swap3A_1222 : i32 to index
        %swap3A_1225 = arith.index_cast %swap3A_1223 : i32 to index
        %swap3A_1226 = arith.constant 96 : index
        %swap3A_1227 = tpu.vector_load %arg9[%swap3A_1224, %swap3A_1225, %swap3A_1226] {strides = array<i32>} : memref<3x16x128xf32, #tpu.memory_space<vmem>>, vector<16xf32>,
        tpu.vector_store %arg9[%swap3A_1224, %swap3A_1225, %swap3A_1226], %mul3A_1221 {strides = array<i32>} : memref<3x16x128xf32, #tpu.memory_space<vmem>>, vector<16xf32>,
        %get3A_1228 = arith.constant 0 : i32
        %get3A_1229 = arith.constant 1 : i32
        %get3A_1230 = arith.index_cast %get3A_1228 : i32 to index
        %get3A_1231 = arith.index_cast %get3A_1229 : i32 to index
        %get3A_1232 = arith.constant 112 : index
        %get3A_1233 = tpu.vector_load %arg11[%get3A_1230, %get3A_1231, %get3A_1232] {strides = array<i32>} : memref<3x16x144xf32, #tpu.memory_space<vmem>>, vector<16xf32>,
        %mul3A_1234 = vector.broadcast %squeeze3A_1129 : f32 to vector<16xf32>
        %mul3A_1235 = arith.mulf %get3A_1233, %mul3A_1234 : vector<16xf32>
        %swap3A_1236 = arith.constant 0 : i32
        %swap3A_1237 = arith.constant 1 : i32
        %swap3A_1238 = arith.index_cast %swap3A_1236 : i32 to index
        %swap3A_1239 = arith.index_cast %swap3A_1237 : i32 to index
        %swap3A_1240 = arith.constant 112 : index
        %swap3A_1241 = tpu.vector_load %arg9[%swap3A_1238, %swap3A_1239, %swap3A_1240] {strides = array<i32>} : memref<3x16x128xf32, #tpu.memory_space<vmem>>, vector<16xf32>,
        tpu.vector_store %arg9[%swap3A_1238, %swap3A_1239, %swap3A_1240], %mul3A_1235 {strides = array<i32>} : memref<3x16x128xf32, #tpu.memory_space<vmem>>, vector<16xf32>,
        %get3A_1242 = arith.constant 0 : i32
        %get3A_1243 = arith.constant 2 : i32
        %get3A_1244 = arith.index_cast %get3A_1242 : i32 to index
        %get3A_1245 = arith.index_cast %get3A_1243 : i32 to index
        %get3A_1246 = arith.constant 128 : index
        %get3A_1247 = tpu.vector_load %arg11[%get3A_1244, %get3A_1245, %get3A_1246] {strides = array<i32>} : memref<3x16x144xf32, #tpu.memory_space<vmem>>, vector<16xf32>,
        %gt3A_1248 = arith.constant 0.000000e+00 : f32
        %gt3A_1249 = vector.broadcast %gt3A_1248 : f32 to vector<16xf32>
        %gt3A_1250 = arith.cmpf ogt, %get3A_1247, %gt3A_1249 : vector<16xf32>
        %div3A_1251 = arith.constant 1.000000e+00 : f32
        %div3A_1252 = vector.broadcast %div3A_1251 : f32 to vector<16xf32>
        %div3A_1253 = arith.divf %div3A_1252, %get3A_1247 : vector<16xf32>
        %broadcast_in_dim3A_1254 = arith.constant 0.000000e+00 : f32
        %broadcast_in_dim3A_1255 = vector.broadcast %broadcast_in_dim3A_1254 : f32 to vector<16xf32>
        %select_n3A_1256 = arith.select %gt3A_1250, %div3A_1253, %broadcast_in_dim3A_1255 : vector<16xi1>, vector<16xf32>
        %slice3A_1257 = vector.extract_strided_slice %select_n3A_1256 {offsets = [0], sizes = [1], strides = [1]} : vector<16xf32> to vector<1xf32>
        %squeeze3A_1258 = vector.extract %slice3A_1257[0] : f32 from vector<1xf32>
        %slice3A_1259 = vector.extract_strided_slice %select_n3A_1256 {offsets = [1], sizes = [1], strides = [1]} : vector<16xf32> to vector<1xf32>
        %squeeze3A_1260 = vector.extract %slice3A_1259[0] : f32 from vector<1xf32>
        %get3A_1261 = arith.constant 0 : i32
        %get3A_1262 = arith.constant 2 : i32
        %get3A_1263 = arith.index_cast %get3A_1261 : i32 to index
        %get3A_1264 = arith.index_cast %get3A_1262 : i32 to index
        %get3A_1265 = arith.constant 0 : index
        %get3A_1266 = tpu.vector_load %arg11[%get3A_1263, %get3A_1264, %get3A_1265] {strides = array<i32>} : memref<3x16x144xf32, #tpu.memory_space<vmem>>, vector<16xf32>,
        %mul3A_1267 = vector.broadcast %squeeze3A_1258 : f32 to vector<16xf32>
        %mul3A_1268 = arith.mulf %get3A_1266, %mul3A_1267 : vector<16xf32>
        %swap3A_1269 = arith.constant 0 : i32
        %swap3A_1270 = arith.constant 2 : i32
        %swap3A_1271 = arith.index_cast %swap3A_1269 : i32 to index
        %swap3A_1272 = arith.index_cast %swap3A_1270 : i32 to index
        %swap3A_1273 = arith.constant 0 : index
        %swap3A_1274 = tpu.vector_load %arg9[%swap3A_1271, %swap3A_1272, %swap3A_1273] {strides = array<i32>} : memref<3x16x128xf32, #tpu.memory_space<vmem>>, vector<16xf32>,
        tpu.vector_store %arg9[%swap3A_1271, %swap3A_1272, %swap3A_1273], %mul3A_1268 {strides = array<i32>} : memref<3x16x128xf32, #tpu.memory_space<vmem>>, vector<16xf32>,
        %get3A_1275 = arith.constant 0 : i32
        %get3A_1276 = arith.constant 2 : i32
        %get3A_1277 = arith.index_cast %get3A_1275 : i32 to index
        %get3A_1278 = arith.index_cast %get3A_1276 : i32 to index
        %get3A_1279 = arith.constant 16 : index
        %get3A_1280 = tpu.vector_load %arg11[%get3A_1277, %get3A_1278, %get3A_1279] {strides = array<i32>} : memref<3x16x144xf32, #tpu.memory_space<vmem>>, vector<16xf32>,
        %mul3A_1281 = vector.broadcast %squeeze3A_1258 : f32 to vector<16xf32>
        %mul3A_1282 = arith.mulf %get3A_1280, %mul3A_1281 : vector<16xf32>
        %swap3A_1283 = arith.constant 0 : i32
        %swap3A_1284 = arith.constant 2 : i32
        %swap3A_1285 = arith.index_cast %swap3A_1283 : i32 to index
        %swap3A_1286 = arith.index_cast %swap3A_1284 : i32 to index
        %swap3A_1287 = arith.constant 16 : index
        %swap3A_1288 = tpu.vector_load %arg9[%swap3A_1285, %swap3A_1286, %swap3A_1287] {strides = array<i32>} : memref<3x16x128xf32, #tpu.memory_space<vmem>>, vector<16xf32>,
        tpu.vector_store %arg9[%swap3A_1285, %swap3A_1286, %swap3A_1287], %mul3A_1282 {strides = array<i32>} : memref<3x16x128xf32, #tpu.memory_space<vmem>>, vector<16xf32>,
        %get3A_1289 = arith.constant 0 : i32
        %get3A_1290 = arith.constant 2 : i32
        %get3A_1291 = arith.index_cast %get3A_1289 : i32 to index
        %get3A_1292 = arith.index_cast %get3A_1290 : i32 to index
        %get3A_1293 = arith.constant 32 : index
        %get3A_1294 = tpu.vector_load %arg11[%get3A_1291, %get3A_1292, %get3A_1293] {strides = array<i32>} : memref<3x16x144xf32, #tpu.memory_space<vmem>>, vector<16xf32>,
        %mul3A_1295 = vector.broadcast %squeeze3A_1258 : f32 to vector<16xf32>
        %mul3A_1296 = arith.mulf %get3A_1294, %mul3A_1295 : vector<16xf32>
        %swap3A_1297 = arith.constant 0 : i32
        %swap3A_1298 = arith.constant 2 : i32
        %swap3A_1299 = arith.index_cast %swap3A_1297 : i32 to index
        %swap3A_1300 = arith.index_cast %swap3A_1298 : i32 to index
        %swap3A_1301 = arith.constant 32 : index
        %swap3A_1302 = tpu.vector_load %arg9[%swap3A_1299, %swap3A_1300, %swap3A_1301] {strides = array<i32>} : memref<3x16x128xf32, #tpu.memory_space<vmem>>, vector<16xf32>,
        tpu.vector_store %arg9[%swap3A_1299, %swap3A_1300, %swap3A_1301], %mul3A_1296 {strides = array<i32>} : memref<3x16x128xf32, #tpu.memory_space<vmem>>, vector<16xf32>,
        %get3A_1303 = arith.constant 0 : i32
        %get3A_1304 = arith.constant 2 : i32
        %get3A_1305 = arith.index_cast %get3A_1303 : i32 to index
        %get3A_1306 = arith.index_cast %get3A_1304 : i32 to index
        %get3A_1307 = arith.constant 48 : index
        %get3A_1308 = tpu.vector_load %arg11[%get3A_1305, %get3A_1306, %get3A_1307] {strides = array<i32>} : memref<3x16x144xf32, #tpu.memory_space<vmem>>, vector<16xf32>,
        %mul3A_1309 = vector.broadcast %squeeze3A_1258 : f32 to vector<16xf32>
        %mul3A_1310 = arith.mulf %get3A_1308, %mul3A_1309 : vector<16xf32>
        %swap3A_1311 = arith.constant 0 : i32
        %swap3A_1312 = arith.constant 2 : i32
        %swap3A_1313 = arith.index_cast %swap3A_1311 : i32 to index
        %swap3A_1314 = arith.index_cast %swap3A_1312 : i32 to index
        %swap3A_1315 = arith.constant 48 : index
        %swap3A_1316 = tpu.vector_load %arg9[%swap3A_1313, %swap3A_1314, %swap3A_1315] {strides = array<i32>} : memref<3x16x128xf32, #tpu.memory_space<vmem>>, vector<16xf32>,
        tpu.vector_store %arg9[%swap3A_1313, %swap3A_1314, %swap3A_1315], %mul3A_1310 {strides = array<i32>} : memref<3x16x128xf32, #tpu.memory_space<vmem>>, vector<16xf32>,
        %get3A_1317 = arith.constant 0 : i32
        %get3A_1318 = arith.constant 2 : i32
        %get3A_1319 = arith.index_cast %get3A_1317 : i32 to index
        %get3A_1320 = arith.index_cast %get3A_1318 : i32 to index
        %get3A_1321 = arith.constant 64 : index
        %get3A_1322 = tpu.vector_load %arg11[%get3A_1319, %get3A_1320, %get3A_1321] {strides = array<i32>} : memref<3x16x144xf32, #tpu.memory_space<vmem>>, vector<16xf32>,
        %mul3A_1323 = vector.broadcast %squeeze3A_1260 : f32 to vector<16xf32>
        %mul3A_1324 = arith.mulf %get3A_1322, %mul3A_1323 : vector<16xf32>
        %swap3A_1325 = arith.constant 0 : i32
        %swap3A_1326 = arith.constant 2 : i32
        %swap3A_1327 = arith.index_cast %swap3A_1325 : i32 to index
        %swap3A_1328 = arith.index_cast %swap3A_1326 : i32 to index
        %swap3A_1329 = arith.constant 64 : index
        %swap3A_1330 = tpu.vector_load %arg9[%swap3A_1327, %swap3A_1328, %swap3A_1329] {strides = array<i32>} : memref<3x16x128xf32, #tpu.memory_space<vmem>>, vector<16xf32>,
        tpu.vector_store %arg9[%swap3A_1327, %swap3A_1328, %swap3A_1329], %mul3A_1324 {strides = array<i32>} : memref<3x16x128xf32, #tpu.memory_space<vmem>>, vector<16xf32>,
        %get3A_1331 = arith.constant 0 : i32
        %get3A_1332 = arith.constant 2 : i32
        %get3A_1333 = arith.index_cast %get3A_1331 : i32 to index
        %get3A_1334 = arith.index_cast %get3A_1332 : i32 to index
        %get3A_1335 = arith.constant 80 : index
        %get3A_1336 = tpu.vector_load %arg11[%get3A_1333, %get3A_1334, %get3A_1335] {strides = array<i32>} : memref<3x16x144xf32, #tpu.memory_space<vmem>>, vector<16xf32>,
        %mul3A_1337 = vector.broadcast %squeeze3A_1260 : f32 to vector<16xf32>
        %mul3A_1338 = arith.mulf %get3A_1336, %mul3A_1337 : vector<16xf32>
        %swap3A_1339 = arith.constant 0 : i32
        %swap3A_1340 = arith.constant 2 : i32
        %swap3A_1341 = arith.index_cast %swap3A_1339 : i32 to index
        %swap3A_1342 = arith.index_cast %swap3A_1340 : i32 to index
        %swap3A_1343 = arith.constant 80 : index
        %swap3A_1344 = tpu.vector_load %arg9[%swap3A_1341, %swap3A_1342, %swap3A_1343] {strides = array<i32>} : memref<3x16x128xf32, #tpu.memory_space<vmem>>, vector<16xf32>,
        tpu.vector_store %arg9[%swap3A_1341, %swap3A_1342, %swap3A_1343], %mul3A_1338 {strides = array<i32>} : memref<3x16x128xf32, #tpu.memory_space<vmem>>, vector<16xf32>,
        %get3A_1345 = arith.constant 0 : i32
        %get3A_1346 = arith.constant 2 : i32
        %get3A_1347 = arith.index_cast %get3A_1345 : i32 to index
        %get3A_1348 = arith.index_cast %get3A_1346 : i32 to index
        %get3A_1349 = arith.constant 96 : index
        %get3A_1350 = tpu.vector_load %arg11[%get3A_1347, %get3A_1348, %get3A_1349] {strides = array<i32>} : memref<3x16x144xf32, #tpu.memory_space<vmem>>, vector<16xf32>,
        %mul3A_1351 = vector.broadcast %squeeze3A_1260 : f32 to vector<16xf32>
        %mul3A_1352 = arith.mulf %get3A_1350, %mul3A_1351 : vector<16xf32>
        %swap3A_1353 = arith.constant 0 : i32
        %swap3A_1354 = arith.constant 2 : i32
        %swap3A_1355 = arith.index_cast %swap3A_1353 : i32 to index
        %swap3A_1356 = arith.index_cast %swap3A_1354 : i32 to index
        %swap3A_1357 = arith.constant 96 : index
        %swap3A_1358 = tpu.vector_load %arg9[%swap3A_1355, %swap3A_1356, %swap3A_1357] {strides = array<i32>} : memref<3x16x128xf32, #tpu.memory_space<vmem>>, vector<16xf32>,
        tpu.vector_store %arg9[%swap3A_1355, %swap3A_1356, %swap3A_1357], %mul3A_1352 {strides = array<i32>} : memref<3x16x128xf32, #tpu.memory_space<vmem>>, vector<16xf32>,
        %get3A_1359 = arith.constant 0 : i32
        %get3A_1360 = arith.constant 2 : i32
        %get3A_1361 = arith.index_cast %get3A_1359 : i32 to index
        %get3A_1362 = arith.index_cast %get3A_1360 : i32 to index
        %get3A_1363 = arith.constant 112 : index
        %get3A_1364 = tpu.vector_load %arg11[%get3A_1361, %get3A_1362, %get3A_1363] {strides = array<i32>} : memref<3x16x144xf32, #tpu.memory_space<vmem>>, vector<16xf32>,
        %mul3A_1365 = vector.broadcast %squeeze3A_1260 : f32 to vector<16xf32>
        %mul3A_1366 = arith.mulf %get3A_1364, %mul3A_1365 : vector<16xf32>
        %swap3A_1367 = arith.constant 0 : i32
        %swap3A_1368 = arith.constant 2 : i32
        %swap3A_1369 = arith.index_cast %swap3A_1367 : i32 to index
        %swap3A_1370 = arith.index_cast %swap3A_1368 : i32 to index
        %swap3A_1371 = arith.constant 112 : index
        %swap3A_1372 = tpu.vector_load %arg9[%swap3A_1369, %swap3A_1370, %swap3A_1371] {strides = array<i32>} : memref<3x16x128xf32, #tpu.memory_space<vmem>>, vector<16xf32>,
        tpu.vector_store %arg9[%swap3A_1369, %swap3A_1370, %swap3A_1371], %mul3A_1366 {strides = array<i32>} : memref<3x16x128xf32, #tpu.memory_space<vmem>>, vector<16xf32>,
        %get3A_1373 = arith.constant 0 : i32
        %get3A_1374 = arith.constant 3 : i32
        %get3A_1375 = arith.index_cast %get3A_1373 : i32 to index
        %get3A_1376 = arith.index_cast %get3A_1374 : i32 to index
        %get3A_1377 = arith.constant 128 : index
        %get3A_1378 = tpu.vector_load %arg11[%get3A_1375, %get3A_1376, %get3A_1377] {strides = array<i32>} : memref<3x16x144xf32, #tpu.memory_space<vmem>>, vector<16xf32>,
        %gt3A_1379 = arith.constant 0.000000e+00 : f32
        %gt3A_1380 = vector.broadcast %gt3A_1379 : f32 to vector<16xf32>
        %gt3A_1381 = arith.cmpf ogt, %get3A_1378, %gt3A_1380 : vector<16xf32>
        %div3A_1382 = arith.constant 1.000000e+00 : f32
        %div3A_1383 = vector.broadcast %div3A_1382 : f32 to vector<16xf32>
        %div3A_1384 = arith.divf %div3A_1383, %get3A_1378 : vector<16xf32>
        %broadcast_in_dim3A_1385 = arith.constant 0.000000e+00 : f32
        %broadcast_in_dim3A_1386 = vector.broadcast %broadcast_in_dim3A_1385 : f32 to vector<16xf32>
        %select_n3A_1387 = arith.select %gt3A_1381, %div3A_1384, %broadcast_in_dim3A_1386 : vector<16xi1>, vector<16xf32>
        %slice3A_1388 = vector.extract_strided_slice %select_n3A_1387 {offsets = [0], sizes = [1], strides = [1]} : vector<16xf32> to vector<1xf32>
        %squeeze3A_1389 = vector.extract %slice3A_1388[0] : f32 from vector<1xf32>
        %slice3A_1390 = vector.extract_strided_slice %select_n3A_1387 {offsets = [1], sizes = [1], strides = [1]} : vector<16xf32> to vector<1xf32>
        %squeeze3A_1391 = vector.extract %slice3A_1390[0] : f32 from vector<1xf32>
        %get3A_1392 = arith.constant 0 : i32
        %get3A_1393 = arith.constant 3 : i32
        %get3A_1394 = arith.index_cast %get3A_1392 : i32 to index
        %get3A_1395 = arith.index_cast %get3A_1393 : i32 to index
        %get3A_1396 = arith.constant 0 : index
        %get3A_1397 = tpu.vector_load %arg11[%get3A_1394, %get3A_1395, %get3A_1396] {strides = array<i32>} : memref<3x16x144xf32, #tpu.memory_space<vmem>>, vector<16xf32>,
        %mul3A_1398 = vector.broadcast %squeeze3A_1389 : f32 to vector<16xf32>
        %mul3A_1399 = arith.mulf %get3A_1397, %mul3A_1398 : vector<16xf32>
        %swap3A_1400 = arith.constant 0 : i32
        %swap3A_1401 = arith.constant 3 : i32
        %swap3A_1402 = arith.index_cast %swap3A_1400 : i32 to index
        %swap3A_1403 = arith.index_cast %swap3A_1401 : i32 to index
        %swap3A_1404 = arith.constant 0 : index
        %swap3A_1405 = tpu.vector_load %arg9[%swap3A_1402, %swap3A_1403, %swap3A_1404] {strides = array<i32>} : memref<3x16x128xf32, #tpu.memory_space<vmem>>, vector<16xf32>,
        tpu.vector_store %arg9[%swap3A_1402, %swap3A_1403, %swap3A_1404], %mul3A_1399 {strides = array<i32>} : memref<3x16x128xf32, #tpu.memory_space<vmem>>, vector<16xf32>,
        %get3A_1406 = arith.constant 0 : i32
        %get3A_1407 = arith.constant 3 : i32
        %get3A_1408 = arith.index_cast %get3A_1406 : i32 to index
        %get3A_1409 = arith.index_cast %get3A_1407 : i32 to index
        %get3A_1410 = arith.constant 16 : index
        %get3A_1411 = tpu.vector_load %arg11[%get3A_1408, %get3A_1409, %get3A_1410] {strides = array<i32>} : memref<3x16x144xf32, #tpu.memory_space<vmem>>, vector<16xf32>,
        %mul3A_1412 = vector.broadcast %squeeze3A_1389 : f32 to vector<16xf32>
        %mul3A_1413 = arith.mulf %get3A_1411, %mul3A_1412 : vector<16xf32>
        %swap3A_1414 = arith.constant 0 : i32
        %swap3A_1415 = arith.constant 3 : i32
        %swap3A_1416 = arith.index_cast %swap3A_1414 : i32 to index
        %swap3A_1417 = arith.index_cast %swap3A_1415 : i32 to index
        %swap3A_1418 = arith.constant 16 : index
        %swap3A_1419 = tpu.vector_load %arg9[%swap3A_1416, %swap3A_1417, %swap3A_1418] {strides = array<i32>} : memref<3x16x128xf32, #tpu.memory_space<vmem>>, vector<16xf32>,
        tpu.vector_store %arg9[%swap3A_1416, %swap3A_1417, %swap3A_1418], %mul3A_1413 {strides = array<i32>} : memref<3x16x128xf32, #tpu.memory_space<vmem>>, vector<16xf32>,
        %get3A_1420 = arith.constant 0 : i32
        %get3A_1421 = arith.constant 3 : i32
        %get3A_1422 = arith.index_cast %get3A_1420 : i32 to index
        %get3A_1423 = arith.index_cast %get3A_1421 : i32 to index
        %get3A_1424 = arith.constant 32 : index
        %get3A_1425 = tpu.vector_load %arg11[%get3A_1422, %get3A_1423, %get3A_1424] {strides = array<i32>} : memref<3x16x144xf32, #tpu.memory_space<vmem>>, vector<16xf32>,
        %mul3A_1426 = vector.broadcast %squeeze3A_1389 : f32 to vector<16xf32>
        %mul3A_1427 = arith.mulf %get3A_1425, %mul3A_1426 : vector<16xf32>
        %swap3A_1428 = arith.constant 0 : i32
        %swap3A_1429 = arith.constant 3 : i32
        %swap3A_1430 = arith.index_cast %swap3A_1428 : i32 to index
        %swap3A_1431 = arith.index_cast %swap3A_1429 : i32 to index
        %swap3A_1432 = arith.constant 32 : index
        %swap3A_1433 = tpu.vector_load %arg9[%swap3A_1430, %swap3A_1431, %swap3A_1432] {strides = array<i32>} : memref<3x16x128xf32, #tpu.memory_space<vmem>>, vector<16xf32>,
        tpu.vector_store %arg9[%swap3A_1430, %swap3A_1431, %swap3A_1432], %mul3A_1427 {strides = array<i32>} : memref<3x16x128xf32, #tpu.memory_space<vmem>>, vector<16xf32>,
        %get3A_1434 = arith.constant 0 : i32
        %get3A_1435 = arith.constant 3 : i32
        %get3A_1436 = arith.index_cast %get3A_1434 : i32 to index
        %get3A_1437 = arith.index_cast %get3A_1435 : i32 to index
        %get3A_1438 = arith.constant 48 : index
        %get3A_1439 = tpu.vector_load %arg11[%get3A_1436, %get3A_1437, %get3A_1438] {strides = array<i32>} : memref<3x16x144xf32, #tpu.memory_space<vmem>>, vector<16xf32>,
        %mul3A_1440 = vector.broadcast %squeeze3A_1389 : f32 to vector<16xf32>
        %mul3A_1441 = arith.mulf %get3A_1439, %mul3A_1440 : vector<16xf32>
        %swap3A_1442 = arith.constant 0 : i32
        %swap3A_1443 = arith.constant 3 : i32
        %swap3A_1444 = arith.index_cast %swap3A_1442 : i32 to index
        %swap3A_1445 = arith.index_cast %swap3A_1443 : i32 to index
        %swap3A_1446 = arith.constant 48 : index
        %swap3A_1447 = tpu.vector_load %arg9[%swap3A_1444, %swap3A_1445, %swap3A_1446] {strides = array<i32>} : memref<3x16x128xf32, #tpu.memory_space<vmem>>, vector<16xf32>,
        tpu.vector_store %arg9[%swap3A_1444, %swap3A_1445, %swap3A_1446], %mul3A_1441 {strides = array<i32>} : memref<3x16x128xf32, #tpu.memory_space<vmem>>, vector<16xf32>,
        %get3A_1448 = arith.constant 0 : i32
        %get3A_1449 = arith.constant 3 : i32
        %get3A_1450 = arith.index_cast %get3A_1448 : i32 to index
        %get3A_1451 = arith.index_cast %get3A_1449 : i32 to index
        %get3A_1452 = arith.constant 64 : index
        %get3A_1453 = tpu.vector_load %arg11[%get3A_1450, %get3A_1451, %get3A_1452] {strides = array<i32>} : memref<3x16x144xf32, #tpu.memory_space<vmem>>, vector<16xf32>,
        %mul3A_1454 = vector.broadcast %squeeze3A_1391 : f32 to vector<16xf32>
        %mul3A_1455 = arith.mulf %get3A_1453, %mul3A_1454 : vector<16xf32>
        %swap3A_1456 = arith.constant 0 : i32
        %swap3A_1457 = arith.constant 3 : i32
        %swap3A_1458 = arith.index_cast %swap3A_1456 : i32 to index
        %swap3A_1459 = arith.index_cast %swap3A_1457 : i32 to index
        %swap3A_1460 = arith.constant 64 : index
        %swap3A_1461 = tpu.vector_load %arg9[%swap3A_1458, %swap3A_1459, %swap3A_1460] {strides = array<i32>} : memref<3x16x128xf32, #tpu.memory_space<vmem>>, vector<16xf32>,
        tpu.vector_store %arg9[%swap3A_1458, %swap3A_1459, %swap3A_1460], %mul3A_1455 {strides = array<i32>} : memref<3x16x128xf32, #tpu.memory_space<vmem>>, vector<16xf32>,
        %get3A_1462 = arith.constant 0 : i32
        %get3A_1463 = arith.constant 3 : i32
        %get3A_1464 = arith.index_cast %get3A_1462 : i32 to index
        %get3A_1465 = arith.index_cast %get3A_1463 : i32 to index
        %get3A_1466 = arith.constant 80 : index
        %get3A_1467 = tpu.vector_load %arg11[%get3A_1464, %get3A_1465, %get3A_1466] {strides = array<i32>} : memref<3x16x144xf32, #tpu.memory_space<vmem>>, vector<16xf32>,
        %mul3A_1468 = vector.broadcast %squeeze3A_1391 : f32 to vector<16xf32>
        %mul3A_1469 = arith.mulf %get3A_1467, %mul3A_1468 : vector<16xf32>
        %swap3A_1470 = arith.constant 0 : i32
        %swap3A_1471 = arith.constant 3 : i32
        %swap3A_1472 = arith.index_cast %swap3A_1470 : i32 to index
        %swap3A_1473 = arith.index_cast %swap3A_1471 : i32 to index
        %swap3A_1474 = arith.constant 80 : index
        %swap3A_1475 = tpu.vector_load %arg9[%swap3A_1472, %swap3A_1473, %swap3A_1474] {strides = array<i32>} : memref<3x16x128xf32, #tpu.memory_space<vmem>>, vector<16xf32>,
        tpu.vector_store %arg9[%swap3A_1472, %swap3A_1473, %swap3A_1474], %mul3A_1469 {strides = array<i32>} : memref<3x16x128xf32, #tpu.memory_space<vmem>>, vector<16xf32>,
        %get3A_1476 = arith.constant 0 : i32
        %get3A_1477 = arith.constant 3 : i32
        %get3A_1478 = arith.index_cast %get3A_1476 : i32 to index
        %get3A_1479 = arith.index_cast %get3A_1477 : i32 to index
        %get3A_1480 = arith.constant 96 : index
        %get3A_1481 = tpu.vector_load %arg11[%get3A_1478, %get3A_1479, %get3A_1480] {strides = array<i32>} : memref<3x16x144xf32, #tpu.memory_space<vmem>>, vector<16xf32>,
        %mul3A_1482 = vector.broadcast %squeeze3A_1391 : f32 to vector<16xf32>
        %mul3A_1483 = arith.mulf %get3A_1481, %mul3A_1482 : vector<16xf32>
        %swap3A_1484 = arith.constant 0 : i32
        %swap3A_1485 = arith.constant 3 : i32
        %swap3A_1486 = arith.index_cast %swap3A_1484 : i32 to index
        %swap3A_1487 = arith.index_cast %swap3A_1485 : i32 to index
        %swap3A_1488 = arith.constant 96 : index
        %swap3A_1489 = tpu.vector_load %arg9[%swap3A_1486, %swap3A_1487, %swap3A_1488] {strides = array<i32>} : memref<3x16x128xf32, #tpu.memory_space<vmem>>, vector<16xf32>,
        tpu.vector_store %arg9[%swap3A_1486, %swap3A_1487, %swap3A_1488], %mul3A_1483 {strides = array<i32>} : memref<3x16x128xf32, #tpu.memory_space<vmem>>, vector<16xf32>,
        %get3A_1490 = arith.constant 0 : i32
        %get3A_1491 = arith.constant 3 : i32
        %get3A_1492 = arith.index_cast %get3A_1490 : i32 to index
        %get3A_1493 = arith.index_cast %get3A_1491 : i32 to index
        %get3A_1494 = arith.constant 112 : index
        %get3A_1495 = tpu.vector_load %arg11[%get3A_1492, %get3A_1493, %get3A_1494] {strides = array<i32>} : memref<3x16x144xf32, #tpu.memory_space<vmem>>, vector<16xf32>,
        %mul3A_1496 = vector.broadcast %squeeze3A_1391 : f32 to vector<16xf32>
        %mul3A_1497 = arith.mulf %get3A_1495, %mul3A_1496 : vector<16xf32>
        %swap3A_1498 = arith.constant 0 : i32
        %swap3A_1499 = arith.constant 3 : i32
        %swap3A_1500 = arith.index_cast %swap3A_1498 : i32 to index
        %swap3A_1501 = arith.index_cast %swap3A_1499 : i32 to index
        %swap3A_1502 = arith.constant 112 : index
        %swap3A_1503 = tpu.vector_load %arg9[%swap3A_1500, %swap3A_1501, %swap3A_1502] {strides = array<i32>} : memref<3x16x128xf32, #tpu.memory_space<vmem>>, vector<16xf32>,
        tpu.vector_store %arg9[%swap3A_1500, %swap3A_1501, %swap3A_1502], %mul3A_1497 {strides = array<i32>} : memref<3x16x128xf32, #tpu.memory_space<vmem>>, vector<16xf32>,
        %get3A_1504 = arith.constant 0 : i32
        %get3A_1505 = arith.constant 4 : i32
        %get3A_1506 = arith.index_cast %get3A_1504 : i32 to index
        %get3A_1507 = arith.index_cast %get3A_1505 : i32 to index
        %get3A_1508 = arith.constant 128 : index
        %get3A_1509 = tpu.vector_load %arg11[%get3A_1506, %get3A_1507, %get3A_1508] {strides = array<i32>} : memref<3x16x144xf32, #tpu.memory_space<vmem>>, vector<16xf32>,
        %gt3A_1510 = arith.constant 0.000000e+00 : f32
        %gt3A_1511 = vector.broadcast %gt3A_1510 : f32 to vector<16xf32>
        %gt3A_1512 = arith.cmpf ogt, %get3A_1509, %gt3A_1511 : vector<16xf32>
        %div3A_1513 = arith.constant 1.000000e+00 : f32
        %div3A_1514 = vector.broadcast %div3A_1513 : f32 to vector<16xf32>
        %div3A_1515 = arith.divf %div3A_1514, %get3A_1509 : vector<16xf32>
        %broadcast_in_dim3A_1516 = arith.constant 0.000000e+00 : f32
        %broadcast_in_dim3A_1517 = vector.broadcast %broadcast_in_dim3A_1516 : f32 to vector<16xf32>
        %select_n3A_1518 = arith.select %gt3A_1512, %div3A_1515, %broadcast_in_dim3A_1517 : vector<16xi1>, vector<16xf32>
        %slice3A_1519 = vector.extract_strided_slice %select_n3A_1518 {offsets = [0], sizes = [1], strides = [1]} : vector<16xf32> to vector<1xf32>
        %squeeze3A_1520 = vector.extract %slice3A_1519[0] : f32 from vector<1xf32>
        %slice3A_1521 = vector.extract_strided_slice %select_n3A_1518 {offsets = [1], sizes = [1], strides = [1]} : vector<16xf32> to vector<1xf32>
        %squeeze3A_1522 = vector.extract %slice3A_1521[0] : f32 from vector<1xf32>
        %get3A_1523 = arith.constant 0 : i32
        %get3A_1524 = arith.constant 4 : i32
        %get3A_1525 = arith.index_cast %get3A_1523 : i32 to index
        %get3A_1526 = arith.index_cast %get3A_1524 : i32 to index
        %get3A_1527 = arith.constant 0 : index
        %get3A_1528 = tpu.vector_load %arg11[%get3A_1525, %get3A_1526, %get3A_1527] {strides = array<i32>} : memref<3x16x144xf32, #tpu.memory_space<vmem>>, vector<16xf32>,
        %mul3A_1529 = vector.broadcast %squeeze3A_1520 : f32 to vector<16xf32>
        %mul3A_1530 = arith.mulf %get3A_1528, %mul3A_1529 : vector<16xf32>
        %swap3A_1531 = arith.constant 0 : i32
        %swap3A_1532 = arith.constant 4 : i32
        %swap3A_1533 = arith.index_cast %swap3A_1531 : i32 to index
        %swap3A_1534 = arith.index_cast %swap3A_1532 : i32 to index
        %swap3A_1535 = arith.constant 0 : index
        %swap3A_1536 = tpu.vector_load %arg9[%swap3A_1533, %swap3A_1534, %swap3A_1535] {strides = array<i32>} : memref<3x16x128xf32, #tpu.memory_space<vmem>>, vector<16xf32>,
        tpu.vector_store %arg9[%swap3A_1533, %swap3A_1534, %swap3A_1535], %mul3A_1530 {strides = array<i32>} : memref<3x16x128xf32, #tpu.memory_space<vmem>>, vector<16xf32>,
        %get3A_1537 = arith.constant 0 : i32
        %get3A_1538 = arith.constant 4 : i32
        %get3A_1539 = arith.index_cast %get3A_1537 : i32 to index
        %get3A_1540 = arith.index_cast %get3A_1538 : i32 to index
        %get3A_1541 = arith.constant 16 : index
        %get3A_1542 = tpu.vector_load %arg11[%get3A_1539, %get3A_1540, %get3A_1541] {strides = array<i32>} : memref<3x16x144xf32, #tpu.memory_space<vmem>>, vector<16xf32>,
        %mul3A_1543 = vector.broadcast %squeeze3A_1520 : f32 to vector<16xf32>
        %mul3A_1544 = arith.mulf %get3A_1542, %mul3A_1543 : vector<16xf32>
        %swap3A_1545 = arith.constant 0 : i32
        %swap3A_1546 = arith.constant 4 : i32
        %swap3A_1547 = arith.index_cast %swap3A_1545 : i32 to index
        %swap3A_1548 = arith.index_cast %swap3A_1546 : i32 to index
        %swap3A_1549 = arith.constant 16 : index
        %swap3A_1550 = tpu.vector_load %arg9[%swap3A_1547, %swap3A_1548, %swap3A_1549] {strides = array<i32>} : memref<3x16x128xf32, #tpu.memory_space<vmem>>, vector<16xf32>,
        tpu.vector_store %arg9[%swap3A_1547, %swap3A_1548, %swap3A_1549], %mul3A_1544 {strides = array<i32>} : memref<3x16x128xf32, #tpu.memory_space<vmem>>, vector<16xf32>,
        %get3A_1551 = arith.constant 0 : i32
        %get3A_1552 = arith.constant 4 : i32
        %get3A_1553 = arith.index_cast %get3A_1551 : i32 to index
        %get3A_1554 = arith.index_cast %get3A_1552 : i32 to index
        %get3A_1555 = arith.constant 32 : index
        %get3A_1556 = tpu.vector_load %arg11[%get3A_1553, %get3A_1554, %get3A_1555] {strides = array<i32>} : memref<3x16x144xf32, #tpu.memory_space<vmem>>, vector<16xf32>,
        %mul3A_1557 = vector.broadcast %squeeze3A_1520 : f32 to vector<16xf32>
        %mul3A_1558 = arith.mulf %get3A_1556, %mul3A_1557 : vector<16xf32>
        %swap3A_1559 = arith.constant 0 : i32
        %swap3A_1560 = arith.constant 4 : i32
        %swap3A_1561 = arith.index_cast %swap3A_1559 : i32 to index
        %swap3A_1562 = arith.index_cast %swap3A_1560 : i32 to index
        %swap3A_1563 = arith.constant 32 : index
        %swap3A_1564 = tpu.vector_load %arg9[%swap3A_1561, %swap3A_1562, %swap3A_1563] {strides = array<i32>} : memref<3x16x128xf32, #tpu.memory_space<vmem>>, vector<16xf32>,
        tpu.vector_store %arg9[%swap3A_1561, %swap3A_1562, %swap3A_1563], %mul3A_1558 {strides = array<i32>} : memref<3x16x128xf32, #tpu.memory_space<vmem>>, vector<16xf32>,
        %get3A_1565 = arith.constant 0 : i32
        %get3A_1566 = arith.constant 4 : i32
        %get3A_1567 = arith.index_cast %get3A_1565 : i32 to index
        %get3A_1568 = arith.index_cast %get3A_1566 : i32 to index
        %get3A_1569 = arith.constant 48 : index
        %get3A_1570 = tpu.vector_load %arg11[%get3A_1567, %get3A_1568, %get3A_1569] {strides = array<i32>} : memref<3x16x144xf32, #tpu.memory_space<vmem>>, vector<16xf32>,
        %mul3A_1571 = vector.broadcast %squeeze3A_1520 : f32 to vector<16xf32>
        %mul3A_1572 = arith.mulf %get3A_1570, %mul3A_1571 : vector<16xf32>
        %swap3A_1573 = arith.constant 0 : i32
        %swap3A_1574 = arith.constant 4 : i32
        %swap3A_1575 = arith.index_cast %swap3A_1573 : i32 to index
        %swap3A_1576 = arith.index_cast %swap3A_1574 : i32 to index
        %swap3A_1577 = arith.constant 48 : index
        %swap3A_1578 = tpu.vector_load %arg9[%swap3A_1575, %swap3A_1576, %swap3A_1577] {strides = array<i32>} : memref<3x16x128xf32, #tpu.memory_space<vmem>>, vector<16xf32>,
        tpu.vector_store %arg9[%swap3A_1575, %swap3A_1576, %swap3A_1577], %mul3A_1572 {strides = array<i32>} : memref<3x16x128xf32, #tpu.memory_space<vmem>>, vector<16xf32>,
        %get3A_1579 = arith.constant 0 : i32
        %get3A_1580 = arith.constant 4 : i32
        %get3A_1581 = arith.index_cast %get3A_1579 : i32 to index
        %get3A_1582 = arith.index_cast %get3A_1580 : i32 to index
        %get3A_1583 = arith.constant 64 : index
        %get3A_1584 = tpu.vector_load %arg11[%get3A_1581, %get3A_1582, %get3A_1583] {strides = array<i32>} : memref<3x16x144xf32, #tpu.memory_space<vmem>>, vector<16xf32>,
        %mul3A_1585 = vector.broadcast %squeeze3A_1522 : f32 to vector<16xf32>
        %mul3A_1586 = arith.mulf %get3A_1584, %mul3A_1585 : vector<16xf32>
        %swap3A_1587 = arith.constant 0 : i32
        %swap3A_1588 = arith.constant 4 : i32
        %swap3A_1589 = arith.index_cast %swap3A_1587 : i32 to index
        %swap3A_1590 = arith.index_cast %swap3A_1588 : i32 to index
        %swap3A_1591 = arith.constant 64 : index
        %swap3A_1592 = tpu.vector_load %arg9[%swap3A_1589, %swap3A_1590, %swap3A_1591] {strides = array<i32>} : memref<3x16x128xf32, #tpu.memory_space<vmem>>, vector<16xf32>,
        tpu.vector_store %arg9[%swap3A_1589, %swap3A_1590, %swap3A_1591], %mul3A_1586 {strides = array<i32>} : memref<3x16x128xf32, #tpu.memory_space<vmem>>, vector<16xf32>,
        %get3A_1593 = arith.constant 0 : i32
        %get3A_1594 = arith.constant 4 : i32
        %get3A_1595 = arith.index_cast %get3A_1593 : i32 to index
        %get3A_1596 = arith.index_cast %get3A_1594 : i32 to index
        %get3A_1597 = arith.constant 80 : index
        %get3A_1598 = tpu.vector_load %arg11[%get3A_1595, %get3A_1596, %get3A_1597] {strides = array<i32>} : memref<3x16x144xf32, #tpu.memory_space<vmem>>, vector<16xf32>,
        %mul3A_1599 = vector.broadcast %squeeze3A_1522 : f32 to vector<16xf32>
        %mul3A_1600 = arith.mulf %get3A_1598, %mul3A_1599 : vector<16xf32>
        %swap3A_1601 = arith.constant 0 : i32
        %swap3A_1602 = arith.constant 4 : i32
        %swap3A_1603 = arith.index_cast %swap3A_1601 : i32 to index
        %swap3A_1604 = arith.index_cast %swap3A_1602 : i32 to index
        %swap3A_1605 = arith.constant 80 : index
        %swap3A_1606 = tpu.vector_load %arg9[%swap3A_1603, %swap3A_1604, %swap3A_1605] {strides = array<i32>} : memref<3x16x128xf32, #tpu.memory_space<vmem>>, vector<16xf32>,
        tpu.vector_store %arg9[%swap3A_1603, %swap3A_1604, %swap3A_1605], %mul3A_1600 {strides = array<i32>} : memref<3x16x128xf32, #tpu.memory_space<vmem>>, vector<16xf32>,
        %get3A_1607 = arith.constant 0 : i32
        %get3A_1608 = arith.constant 4 : i32
        %get3A_1609 = arith.index_cast %get3A_1607 : i32 to index
        %get3A_1610 = arith.index_cast %get3A_1608 : i32 to index
        %get3A_1611 = arith.constant 96 : index
        %get3A_1612 = tpu.vector_load %arg11[%get3A_1609, %get3A_1610, %get3A_1611] {strides = array<i32>} : memref<3x16x144xf32, #tpu.memory_space<vmem>>, vector<16xf32>,
        %mul3A_1613 = vector.broadcast %squeeze3A_1522 : f32 to vector<16xf32>
        %mul3A_1614 = arith.mulf %get3A_1612, %mul3A_1613 : vector<16xf32>
        %swap3A_1615 = arith.constant 0 : i32
        %swap3A_1616 = arith.constant 4 : i32
        %swap3A_1617 = arith.index_cast %swap3A_1615 : i32 to index
        %swap3A_1618 = arith.index_cast %swap3A_1616 : i32 to index
        %swap3A_1619 = arith.constant 96 : index
        %swap3A_1620 = tpu.vector_load %arg9[%swap3A_1617, %swap3A_1618, %swap3A_1619] {strides = array<i32>} : memref<3x16x128xf32, #tpu.memory_space<vmem>>, vector<16xf32>,
        tpu.vector_store %arg9[%swap3A_1617, %swap3A_1618, %swap3A_1619], %mul3A_1614 {strides = array<i32>} : memref<3x16x128xf32, #tpu.memory_space<vmem>>, vector<16xf32>,
        %get3A_1621 = arith.constant 0 : i32
        %get3A_1622 = arith.constant 4 : i32
        %get3A_1623 = arith.index_cast %get3A_1621 : i32 to index
        %get3A_1624 = arith.index_cast %get3A_1622 : i32 to index
        %get3A_1625 = arith.constant 112 : index
        %get3A_1626 = tpu.vector_load %arg11[%get3A_1623, %get3A_1624, %get3A_1625] {strides = array<i32>} : memref<3x16x144xf32, #tpu.memory_space<vmem>>, vector<16xf32>,
        %mul3A_1627 = vector.broadcast %squeeze3A_1522 : f32 to vector<16xf32>
        %mul3A_1628 = arith.mulf %get3A_1626, %mul3A_1627 : vector<16xf32>
        %swap3A_1629 = arith.constant 0 : i32
        %swap3A_1630 = arith.constant 4 : i32
        %swap3A_1631 = arith.index_cast %swap3A_1629 : i32 to index
        %swap3A_1632 = arith.index_cast %swap3A_1630 : i32 to index
        %swap3A_1633 = arith.constant 112 : index
        %swap3A_1634 = tpu.vector_load %arg9[%swap3A_1631, %swap3A_1632, %swap3A_1633] {strides = array<i32>} : memref<3x16x128xf32, #tpu.memory_space<vmem>>, vector<16xf32>,
        tpu.vector_store %arg9[%swap3A_1631, %swap3A_1632, %swap3A_1633], %mul3A_1628 {strides = array<i32>} : memref<3x16x128xf32, #tpu.memory_space<vmem>>, vector<16xf32>,
        %get3A_1635 = arith.constant 0 : i32
        %get3A_1636 = arith.constant 5 : i32
        %get3A_1637 = arith.index_cast %get3A_1635 : i32 to index
        %get3A_1638 = arith.index_cast %get3A_1636 : i32 to index
        %get3A_1639 = arith.constant 128 : index
        %get3A_1640 = tpu.vector_load %arg11[%get3A_1637, %get3A_1638, %get3A_1639] {strides = array<i32>} : memref<3x16x144xf32, #tpu.memory_space<vmem>>, vector<16xf32>,
        %gt3A_1641 = arith.constant 0.000000e+00 : f32
        %gt3A_1642 = vector.broadcast %gt3A_1641 : f32 to vector<16xf32>
        %gt3A_1643 = arith.cmpf ogt, %get3A_1640, %gt3A_1642 : vector<16xf32>
        %div3A_1644 = arith.constant 1.000000e+00 : f32
        %div3A_1645 = vector.broadcast %div3A_1644 : f32 to vector<16xf32>
        %div3A_1646 = arith.divf %div3A_1645, %get3A_1640 : vector<16xf32>
        %broadcast_in_dim3A_1647 = arith.constant 0.000000e+00 : f32
        %broadcast_in_dim3A_1648 = vector.broadcast %broadcast_in_dim3A_1647 : f32 to vector<16xf32>
        %select_n3A_1649 = arith.select %gt3A_1643, %div3A_1646, %broadcast_in_dim3A_1648 : vector<16xi1>, vector<16xf32>
        %slice3A_1650 = vector.extract_strided_slice %select_n3A_1649 {offsets = [0], sizes = [1], strides = [1]} : vector<16xf32> to vector<1xf32>
        %squeeze3A_1651 = vector.extract %slice3A_1650[0] : f32 from vector<1xf32>
        %slice3A_1652 = vector.extract_strided_slice %select_n3A_1649 {offsets = [1], sizes = [1], strides = [1]} : vector<16xf32> to vector<1xf32>
        %squeeze3A_1653 = vector.extract %slice3A_1652[0] : f32 from vector<1xf32>
        %get3A_1654 = arith.constant 0 : i32
        %get3A_1655 = arith.constant 5 : i32
        %get3A_1656 = arith.index_cast %get3A_1654 : i32 to index
        %get3A_1657 = arith.index_cast %get3A_1655 : i32 to index
        %get3A_1658 = arith.constant 0 : index
        %get3A_1659 = tpu.vector_load %arg11[%get3A_1656, %get3A_1657, %get3A_1658] {strides = array<i32>} : memref<3x16x144xf32, #tpu.memory_space<vmem>>, vector<16xf32>,
        %mul3A_1660 = vector.broadcast %squeeze3A_1651 : f32 to vector<16xf32>
        %mul3A_1661 = arith.mulf %get3A_1659, %mul3A_1660 : vector<16xf32>
        %swap3A_1662 = arith.constant 0 : i32
        %swap3A_1663 = arith.constant 5 : i32
        %swap3A_1664 = arith.index_cast %swap3A_1662 : i32 to index
        %swap3A_1665 = arith.index_cast %swap3A_1663 : i32 to index
        %swap3A_1666 = arith.constant 0 : index
        %swap3A_1667 = tpu.vector_load %arg9[%swap3A_1664, %swap3A_1665, %swap3A_1666] {strides = array<i32>} : memref<3x16x128xf32, #tpu.memory_space<vmem>>, vector<16xf32>,
        tpu.vector_store %arg9[%swap3A_1664, %swap3A_1665, %swap3A_1666], %mul3A_1661 {strides = array<i32>} : memref<3x16x128xf32, #tpu.memory_space<vmem>>, vector<16xf32>,
        %get3A_1668 = arith.constant 0 : i32
        %get3A_1669 = arith.constant 5 : i32
        %get3A_1670 = arith.index_cast %get3A_1668 : i32 to index
        %get3A_1671 = arith.index_cast %get3A_1669 : i32 to index
        %get3A_1672 = arith.constant 16 : index
        %get3A_1673 = tpu.vector_load %arg11[%get3A_1670, %get3A_1671, %get3A_1672] {strides = array<i32>} : memref<3x16x144xf32, #tpu.memory_space<vmem>>, vector<16xf32>,
        %mul3A_1674 = vector.broadcast %squeeze3A_1651 : f32 to vector<16xf32>
        %mul3A_1675 = arith.mulf %get3A_1673, %mul3A_1674 : vector<16xf32>
        %swap3A_1676 = arith.constant 0 : i32
        %swap3A_1677 = arith.constant 5 : i32
        %swap3A_1678 = arith.index_cast %swap3A_1676 : i32 to index
        %swap3A_1679 = arith.index_cast %swap3A_1677 : i32 to index
        %swap3A_1680 = arith.constant 16 : index
        %swap3A_1681 = tpu.vector_load %arg9[%swap3A_1678, %swap3A_1679, %swap3A_1680] {strides = array<i32>} : memref<3x16x128xf32, #tpu.memory_space<vmem>>, vector<16xf32>,
        tpu.vector_store %arg9[%swap3A_1678, %swap3A_1679, %swap3A_1680], %mul3A_1675 {strides = array<i32>} : memref<3x16x128xf32, #tpu.memory_space<vmem>>, vector<16xf32>,
        %get3A_1682 = arith.constant 0 : i32
        %get3A_1683 = arith.constant 5 : i32
        %get3A_1684 = arith.index_cast %get3A_1682 : i32 to index
        %get3A_1685 = arith.index_cast %get3A_1683 : i32 to index
        %get3A_1686 = arith.constant 32 : index
        %get3A_1687 = tpu.vector_load %arg11[%get3A_1684, %get3A_1685, %get3A_1686] {strides = array<i32>} : memref<3x16x144xf32, #tpu.memory_space<vmem>>, vector<16xf32>,
        %mul3A_1688 = vector.broadcast %squeeze3A_1651 : f32 to vector<16xf32>
        %mul3A_1689 = arith.mulf %get3A_1687, %mul3A_1688 : vector<16xf32>
        %swap3A_1690 = arith.constant 0 : i32
        %swap3A_1691 = arith.constant 5 : i32
        %swap3A_1692 = arith.index_cast %swap3A_1690 : i32 to index
        %swap3A_1693 = arith.index_cast %swap3A_1691 : i32 to index
        %swap3A_1694 = arith.constant 32 : index
        %swap3A_1695 = tpu.vector_load %arg9[%swap3A_1692, %swap3A_1693, %swap3A_1694] {strides = array<i32>} : memref<3x16x128xf32, #tpu.memory_space<vmem>>, vector<16xf32>,
        tpu.vector_store %arg9[%swap3A_1692, %swap3A_1693, %swap3A_1694], %mul3A_1689 {strides = array<i32>} : memref<3x16x128xf32, #tpu.memory_space<vmem>>, vector<16xf32>,
        %get3A_1696 = arith.constant 0 : i32
        %get3A_1697 = arith.constant 5 : i32
        %get3A_1698 = arith.index_cast %get3A_1696 : i32 to index
        %get3A_1699 = arith.index_cast %get3A_1697 : i32 to index
        %get3A_1700 = arith.constant 48 : index
        %get3A_1701 = tpu.vector_load %arg11[%get3A_1698, %get3A_1699, %get3A_1700] {strides = array<i32>} : memref<3x16x144xf32, #tpu.memory_space<vmem>>, vector<16xf32>,
        %mul3A_1702 = vector.broadcast %squeeze3A_1651 : f32 to vector<16xf32>
        %mul3A_1703 = arith.mulf %get3A_1701, %mul3A_1702 : vector<16xf32>
        %swap3A_1704 = arith.constant 0 : i32
        %swap3A_1705 = arith.constant 5 : i32
        %swap3A_1706 = arith.index_cast %swap3A_1704 : i32 to index
        %swap3A_1707 = arith.index_cast %swap3A_1705 : i32 to index
        %swap3A_1708 = arith.constant 48 : index
        %swap3A_1709 = tpu.vector_load %arg9[%swap3A_1706, %swap3A_1707, %swap3A_1708] {strides = array<i32>} : memref<3x16x128xf32, #tpu.memory_space<vmem>>, vector<16xf32>,
        tpu.vector_store %arg9[%swap3A_1706, %swap3A_1707, %swap3A_1708], %mul3A_1703 {strides = array<i32>} : memref<3x16x128xf32, #tpu.memory_space<vmem>>, vector<16xf32>,
        %get3A_1710 = arith.constant 0 : i32
        %get3A_1711 = arith.constant 5 : i32
        %get3A_1712 = arith.index_cast %get3A_1710 : i32 to index
        %get3A_1713 = arith.index_cast %get3A_1711 : i32 to index
        %get3A_1714 = arith.constant 64 : index
        %get3A_1715 = tpu.vector_load %arg11[%get3A_1712, %get3A_1713, %get3A_1714] {strides = array<i32>} : memref<3x16x144xf32, #tpu.memory_space<vmem>>, vector<16xf32>,
        %mul3A_1716 = vector.broadcast %squeeze3A_1653 : f32 to vector<16xf32>
        %mul3A_1717 = arith.mulf %get3A_1715, %mul3A_1716 : vector<16xf32>
        %swap3A_1718 = arith.constant 0 : i32
        %swap3A_1719 = arith.constant 5 : i32
        %swap3A_1720 = arith.index_cast %swap3A_1718 : i32 to index
        %swap3A_1721 = arith.index_cast %swap3A_1719 : i32 to index
        %swap3A_1722 = arith.constant 64 : index
        %swap3A_1723 = tpu.vector_load %arg9[%swap3A_1720, %swap3A_1721, %swap3A_1722] {strides = array<i32>} : memref<3x16x128xf32, #tpu.memory_space<vmem>>, vector<16xf32>,
        tpu.vector_store %arg9[%swap3A_1720, %swap3A_1721, %swap3A_1722], %mul3A_1717 {strides = array<i32>} : memref<3x16x128xf32, #tpu.memory_space<vmem>>, vector<16xf32>,
        %get3A_1724 = arith.constant 0 : i32
        %get3A_1725 = arith.constant 5 : i32
        %get3A_1726 = arith.index_cast %get3A_1724 : i32 to index
        %get3A_1727 = arith.index_cast %get3A_1725 : i32 to index
        %get3A_1728 = arith.constant 80 : index
        %get3A_1729 = tpu.vector_load %arg11[%get3A_1726, %get3A_1727, %get3A_1728] {strides = array<i32>} : memref<3x16x144xf32, #tpu.memory_space<vmem>>, vector<16xf32>,
        %mul3A_1730 = vector.broadcast %squeeze3A_1653 : f32 to vector<16xf32>
        %mul3A_1731 = arith.mulf %get3A_1729, %mul3A_1730 : vector<16xf32>
        %swap3A_1732 = arith.constant 0 : i32
        %swap3A_1733 = arith.constant 5 : i32
        %swap3A_1734 = arith.index_cast %swap3A_1732 : i32 to index
        %swap3A_1735 = arith.index_cast %swap3A_1733 : i32 to index
        %swap3A_1736 = arith.constant 80 : index
        %swap3A_1737 = tpu.vector_load %arg9[%swap3A_1734, %swap3A_1735, %swap3A_1736] {strides = array<i32>} : memref<3x16x128xf32, #tpu.memory_space<vmem>>, vector<16xf32>,
        tpu.vector_store %arg9[%swap3A_1734, %swap3A_1735, %swap3A_1736], %mul3A_1731 {strides = array<i32>} : memref<3x16x128xf32, #tpu.memory_space<vmem>>, vector<16xf32>,
        %get3A_1738 = arith.constant 0 : i32
        %get3A_1739 = arith.constant 5 : i32
        %get3A_1740 = arith.index_cast %get3A_1738 : i32 to index
        %get3A_1741 = arith.index_cast %get3A_1739 : i32 to index
        %get3A_1742 = arith.constant 96 : index
        %get3A_1743 = tpu.vector_load %arg11[%get3A_1740, %get3A_1741, %get3A_1742] {strides = array<i32>} : memref<3x16x144xf32, #tpu.memory_space<vmem>>, vector<16xf32>,
        %mul3A_1744 = vector.broadcast %squeeze3A_1653 : f32 to vector<16xf32>
        %mul3A_1745 = arith.mulf %get3A_1743, %mul3A_1744 : vector<16xf32>
        %swap3A_1746 = arith.constant 0 : i32
        %swap3A_1747 = arith.constant 5 : i32
        %swap3A_1748 = arith.index_cast %swap3A_1746 : i32 to index
        %swap3A_1749 = arith.index_cast %swap3A_1747 : i32 to index
        %swap3A_1750 = arith.constant 96 : index
        %swap3A_1751 = tpu.vector_load %arg9[%swap3A_1748, %swap3A_1749, %swap3A_1750] {strides = array<i32>} : memref<3x16x128xf32, #tpu.memory_space<vmem>>, vector<16xf32>,
        tpu.vector_store %arg9[%swap3A_1748, %swap3A_1749, %swap3A_1750], %mul3A_1745 {strides = array<i32>} : memref<3x16x128xf32, #tpu.memory_space<vmem>>, vector<16xf32>,
        %get3A_1752 = arith.constant 0 : i32
        %get3A_1753 = arith.constant 5 : i32
        %get3A_1754 = arith.index_cast %get3A_1752 : i32 to index
        %get3A_1755 = arith.index_cast %get3A_1753 : i32 to index
        %get3A_1756 = arith.constant 112 : index
        %get3A_1757 = tpu.vector_load %arg11[%get3A_1754, %get3A_1755, %get3A_1756] {strides = array<i32>} : memref<3x16x144xf32, #tpu.memory_space<vmem>>, vector<16xf32>,
        %mul3A_1758 = vector.broadcast %squeeze3A_1653 : f32 to vector<16xf32>
        %mul3A_1759 = arith.mulf %get3A_1757, %mul3A_1758 : vector<16xf32>
        %swap3A_1760 = arith.constant 0 : i32
        %swap3A_1761 = arith.constant 5 : i32
        %swap3A_1762 = arith.index_cast %swap3A_1760 : i32 to index
        %swap3A_1763 = arith.index_cast %swap3A_1761 : i32 to index
        %swap3A_1764 = arith.constant 112 : index
        %swap3A_1765 = tpu.vector_load %arg9[%swap3A_1762, %swap3A_1763, %swap3A_1764] {strides = array<i32>} : memref<3x16x128xf32, #tpu.memory_space<vmem>>, vector<16xf32>,
        tpu.vector_store %arg9[%swap3A_1762, %swap3A_1763, %swap3A_1764], %mul3A_1759 {strides = array<i32>} : memref<3x16x128xf32, #tpu.memory_space<vmem>>, vector<16xf32>,
        %get3A_1766 = arith.constant 0 : i32
        %get3A_1767 = arith.constant 6 : i32
        %get3A_1768 = arith.index_cast %get3A_1766 : i32 to index
        %get3A_1769 = arith.index_cast %get3A_1767 : i32 to index
        %get3A_1770 = arith.constant 128 : index
        %get3A_1771 = tpu.vector_load %arg11[%get3A_1768, %get3A_1769, %get3A_1770] {strides = array<i32>} : memref<3x16x144xf32, #tpu.memory_space<vmem>>, vector<16xf32>,
        %gt3A_1772 = arith.constant 0.000000e+00 : f32
        %gt3A_1773 = vector.broadcast %gt3A_1772 : f32 to vector<16xf32>
        %gt3A_1774 = arith.cmpf ogt, %get3A_1771, %gt3A_1773 : vector<16xf32>
        %div3A_1775 = arith.constant 1.000000e+00 : f32
        %div3A_1776 = vector.broadcast %div3A_1775 : f32 to vector<16xf32>
        %div3A_1777 = arith.divf %div3A_1776, %get3A_1771 : vector<16xf32>
        %broadcast_in_dim3A_1778 = arith.constant 0.000000e+00 : f32
        %broadcast_in_dim3A_1779 = vector.broadcast %broadcast_in_dim3A_1778 : f32 to vector<16xf32>
        %select_n3A_1780 = arith.select %gt3A_1774, %div3A_1777, %broadcast_in_dim3A_1779 : vector<16xi1>, vector<16xf32>
        %slice3A_1781 = vector.extract_strided_slice %select_n3A_1780 {offsets = [0], sizes = [1], strides = [1]} : vector<16xf32> to vector<1xf32>
        %squeeze3A_1782 = vector.extract %slice3A_1781[0] : f32 from vector<1xf32>
        %slice3A_1783 = vector.extract_strided_slice %select_n3A_1780 {offsets = [1], sizes = [1], strides = [1]} : vector<16xf32> to vector<1xf32>
        %squeeze3A_1784 = vector.extract %slice3A_1783[0] : f32 from vector<1xf32>
        %get3A_1785 = arith.constant 0 : i32
        %get3A_1786 = arith.constant 6 : i32
        %get3A_1787 = arith.index_cast %get3A_1785 : i32 to index
        %get3A_1788 = arith.index_cast %get3A_1786 : i32 to index
        %get3A_1789 = arith.constant 0 : index
        %get3A_1790 = tpu.vector_load %arg11[%get3A_1787, %get3A_1788, %get3A_1789] {strides = array<i32>} : memref<3x16x144xf32, #tpu.memory_space<vmem>>, vector<16xf32>,
        %mul3A_1791 = vector.broadcast %squeeze3A_1782 : f32 to vector<16xf32>
        %mul3A_1792 = arith.mulf %get3A_1790, %mul3A_1791 : vector<16xf32>
        %swap3A_1793 = arith.constant 0 : i32
        %swap3A_1794 = arith.constant 6 : i32
        %swap3A_1795 = arith.index_cast %swap3A_1793 : i32 to index
        %swap3A_1796 = arith.index_cast %swap3A_1794 : i32 to index
        %swap3A_1797 = arith.constant 0 : index
        %swap3A_1798 = tpu.vector_load %arg9[%swap3A_1795, %swap3A_1796, %swap3A_1797] {strides = array<i32>} : memref<3x16x128xf32, #tpu.memory_space<vmem>>, vector<16xf32>,
        tpu.vector_store %arg9[%swap3A_1795, %swap3A_1796, %swap3A_1797], %mul3A_1792 {strides = array<i32>} : memref<3x16x128xf32, #tpu.memory_space<vmem>>, vector<16xf32>,
        %get3A_1799 = arith.constant 0 : i32
        %get3A_1800 = arith.constant 6 : i32
        %get3A_1801 = arith.index_cast %get3A_1799 : i32 to index
        %get3A_1802 = arith.index_cast %get3A_1800 : i32 to index
        %get3A_1803 = arith.constant 16 : index
        %get3A_1804 = tpu.vector_load %arg11[%get3A_1801, %get3A_1802, %get3A_1803] {strides = array<i32>} : memref<3x16x144xf32, #tpu.memory_space<vmem>>, vector<16xf32>,
        %mul3A_1805 = vector.broadcast %squeeze3A_1782 : f32 to vector<16xf32>
        %mul3A_1806 = arith.mulf %get3A_1804, %mul3A_1805 : vector<16xf32>
        %swap3A_1807 = arith.constant 0 : i32
        %swap3A_1808 = arith.constant 6 : i32
        %swap3A_1809 = arith.index_cast %swap3A_1807 : i32 to index
        %swap3A_1810 = arith.index_cast %swap3A_1808 : i32 to index
        %swap3A_1811 = arith.constant 16 : index
        %swap3A_1812 = tpu.vector_load %arg9[%swap3A_1809, %swap3A_1810, %swap3A_1811] {strides = array<i32>} : memref<3x16x128xf32, #tpu.memory_space<vmem>>, vector<16xf32>,
        tpu.vector_store %arg9[%swap3A_1809, %swap3A_1810, %swap3A_1811], %mul3A_1806 {strides = array<i32>} : memref<3x16x128xf32, #tpu.memory_space<vmem>>, vector<16xf32>,
        %get3A_1813 = arith.constant 0 : i32
        %get3A_1814 = arith.constant 6 : i32
        %get3A_1815 = arith.index_cast %get3A_1813 : i32 to index
        %get3A_1816 = arith.index_cast %get3A_1814 : i32 to index
        %get3A_1817 = arith.constant 32 : index
        %get3A_1818 = tpu.vector_load %arg11[%get3A_1815, %get3A_1816, %get3A_1817] {strides = array<i32>} : memref<3x16x144xf32, #tpu.memory_space<vmem>>, vector<16xf32>,
        %mul3A_1819 = vector.broadcast %squeeze3A_1782 : f32 to vector<16xf32>
        %mul3A_1820 = arith.mulf %get3A_1818, %mul3A_1819 : vector<16xf32>
        %swap3A_1821 = arith.constant 0 : i32
        %swap3A_1822 = arith.constant 6 : i32
        %swap3A_1823 = arith.index_cast %swap3A_1821 : i32 to index
        %swap3A_1824 = arith.index_cast %swap3A_1822 : i32 to index
        %swap3A_1825 = arith.constant 32 : index
        %swap3A_1826 = tpu.vector_load %arg9[%swap3A_1823, %swap3A_1824, %swap3A_1825] {strides = array<i32>} : memref<3x16x128xf32, #tpu.memory_space<vmem>>, vector<16xf32>,
        tpu.vector_store %arg9[%swap3A_1823, %swap3A_1824, %swap3A_1825], %mul3A_1820 {strides = array<i32>} : memref<3x16x128xf32, #tpu.memory_space<vmem>>, vector<16xf32>,
        %get3A_1827 = arith.constant 0 : i32
        %get3A_1828 = arith.constant 6 : i32
        %get3A_1829 = arith.index_cast %get3A_1827 : i32 to index
        %get3A_1830 = arith.index_cast %get3A_1828 : i32 to index
        %get3A_1831 = arith.constant 48 : index
        %get3A_1832 = tpu.vector_load %arg11[%get3A_1829, %get3A_1830, %get3A_1831] {strides = array<i32>} : memref<3x16x144xf32, #tpu.memory_space<vmem>>, vector<16xf32>,
        %mul3A_1833 = vector.broadcast %squeeze3A_1782 : f32 to vector<16xf32>
        %mul3A_1834 = arith.mulf %get3A_1832, %mul3A_1833 : vector<16xf32>
        %swap3A_1835 = arith.constant 0 : i32
        %swap3A_1836 = arith.constant 6 : i32
        %swap3A_1837 = arith.index_cast %swap3A_1835 : i32 to index
        %swap3A_1838 = arith.index_cast %swap3A_1836 : i32 to index
        %swap3A_1839 = arith.constant 48 : index
        %swap3A_1840 = tpu.vector_load %arg9[%swap3A_1837, %swap3A_1838, %swap3A_1839] {strides = array<i32>} : memref<3x16x128xf32, #tpu.memory_space<vmem>>, vector<16xf32>,
        tpu.vector_store %arg9[%swap3A_1837, %swap3A_1838, %swap3A_1839], %mul3A_1834 {strides = array<i32>} : memref<3x16x128xf32, #tpu.memory_space<vmem>>, vector<16xf32>,
        %get3A_1841 = arith.constant 0 : i32
        %get3A_1842 = arith.constant 6 : i32
        %get3A_1843 = arith.index_cast %get3A_1841 : i32 to index
        %get3A_1844 = arith.index_cast %get3A_1842 : i32 to index
        %get3A_1845 = arith.constant 64 : index
        %get3A_1846 = tpu.vector_load %arg11[%get3A_1843, %get3A_1844, %get3A_1845] {strides = array<i32>} : memref<3x16x144xf32, #tpu.memory_space<vmem>>, vector<16xf32>,
        %mul3A_1847 = vector.broadcast %squeeze3A_1784 : f32 to vector<16xf32>
        %mul3A_1848 = arith.mulf %get3A_1846, %mul3A_1847 : vector<16xf32>
        %swap3A_1849 = arith.constant 0 : i32
        %swap3A_1850 = arith.constant 6 : i32
        %swap3A_1851 = arith.index_cast %swap3A_1849 : i32 to index
        %swap3A_1852 = arith.index_cast %swap3A_1850 : i32 to index
        %swap3A_1853 = arith.constant 64 : index
        %swap3A_1854 = tpu.vector_load %arg9[%swap3A_1851, %swap3A_1852, %swap3A_1853] {strides = array<i32>} : memref<3x16x128xf32, #tpu.memory_space<vmem>>, vector<16xf32>,
        tpu.vector_store %arg9[%swap3A_1851, %swap3A_1852, %swap3A_1853], %mul3A_1848 {strides = array<i32>} : memref<3x16x128xf32, #tpu.memory_space<vmem>>, vector<16xf32>,
        %get3A_1855 = arith.constant 0 : i32
        %get3A_1856 = arith.constant 6 : i32
        %get3A_1857 = arith.index_cast %get3A_1855 : i32 to index
        %get3A_1858 = arith.index_cast %get3A_1856 : i32 to index
        %get3A_1859 = arith.constant 80 : index
        %get3A_1860 = tpu.vector_load %arg11[%get3A_1857, %get3A_1858, %get3A_1859] {strides = array<i32>} : memref<3x16x144xf32, #tpu.memory_space<vmem>>, vector<16xf32>,
        %mul3A_1861 = vector.broadcast %squeeze3A_1784 : f32 to vector<16xf32>
        %mul3A_1862 = arith.mulf %get3A_1860, %mul3A_1861 : vector<16xf32>
        %swap3A_1863 = arith.constant 0 : i32
        %swap3A_1864 = arith.constant 6 : i32
        %swap3A_1865 = arith.index_cast %swap3A_1863 : i32 to index
        %swap3A_1866 = arith.index_cast %swap3A_1864 : i32 to index
        %swap3A_1867 = arith.constant 80 : index
        %swap3A_1868 = tpu.vector_load %arg9[%swap3A_1865, %swap3A_1866, %swap3A_1867] {strides = array<i32>} : memref<3x16x128xf32, #tpu.memory_space<vmem>>, vector<16xf32>,
        tpu.vector_store %arg9[%swap3A_1865, %swap3A_1866, %swap3A_1867], %mul3A_1862 {strides = array<i32>} : memref<3x16x128xf32, #tpu.memory_space<vmem>>, vector<16xf32>,
        %get3A_1869 = arith.constant 0 : i32
        %get3A_1870 = arith.constant 6 : i32
        %get3A_1871 = arith.index_cast %get3A_1869 : i32 to index
        %get3A_1872 = arith.index_cast %get3A_1870 : i32 to index
        %get3A_1873 = arith.constant 96 : index
        %get3A_1874 = tpu.vector_load %arg11[%get3A_1871, %get3A_1872, %get3A_1873] {strides = array<i32>} : memref<3x16x144xf32, #tpu.memory_space<vmem>>, vector<16xf32>,
        %mul3A_1875 = vector.broadcast %squeeze3A_1784 : f32 to vector<16xf32>
        %mul3A_1876 = arith.mulf %get3A_1874, %mul3A_1875 : vector<16xf32>
        %swap3A_1877 = arith.constant 0 : i32
        %swap3A_1878 = arith.constant 6 : i32
        %swap3A_1879 = arith.index_cast %swap3A_1877 : i32 to index
        %swap3A_1880 = arith.index_cast %swap3A_1878 : i32 to index
        %swap3A_1881 = arith.constant 96 : index
        %swap3A_1882 = tpu.vector_load %arg9[%swap3A_1879, %swap3A_1880, %swap3A_1881] {strides = array<i32>} : memref<3x16x128xf32, #tpu.memory_space<vmem>>, vector<16xf32>,
        tpu.vector_store %arg9[%swap3A_1879, %swap3A_1880, %swap3A_1881], %mul3A_1876 {strides = array<i32>} : memref<3x16x128xf32, #tpu.memory_space<vmem>>, vector<16xf32>,
        %get3A_1883 = arith.constant 0 : i32
        %get3A_1884 = arith.constant 6 : i32
        %get3A_1885 = arith.index_cast %get3A_1883 : i32 to index
        %get3A_1886 = arith.index_cast %get3A_1884 : i32 to index
        %get3A_1887 = arith.constant 112 : index
        %get3A_1888 = tpu.vector_load %arg11[%get3A_1885, %get3A_1886, %get3A_1887] {strides = array<i32>} : memref<3x16x144xf32, #tpu.memory_space<vmem>>, vector<16xf32>,
        %mul3A_1889 = vector.broadcast %squeeze3A_1784 : f32 to vector<16xf32>
        %mul3A_1890 = arith.mulf %get3A_1888, %mul3A_1889 : vector<16xf32>
        %swap3A_1891 = arith.constant 0 : i32
        %swap3A_1892 = arith.constant 6 : i32
        %swap3A_1893 = arith.index_cast %swap3A_1891 : i32 to index
        %swap3A_1894 = arith.index_cast %swap3A_1892 : i32 to index
        %swap3A_1895 = arith.constant 112 : index
        %swap3A_1896 = tpu.vector_load %arg9[%swap3A_1893, %swap3A_1894, %swap3A_1895] {strides = array<i32>} : memref<3x16x128xf32, #tpu.memory_space<vmem>>, vector<16xf32>,
        tpu.vector_store %arg9[%swap3A_1893, %swap3A_1894, %swap3A_1895], %mul3A_1890 {strides = array<i32>} : memref<3x16x128xf32, #tpu.memory_space<vmem>>, vector<16xf32>,
        %get3A_1897 = arith.constant 0 : i32
        %get3A_1898 = arith.constant 7 : i32
        %get3A_1899 = arith.index_cast %get3A_1897 : i32 to index
        %get3A_1900 = arith.index_cast %get3A_1898 : i32 to index
        %get3A_1901 = arith.constant 128 : index
        %get3A_1902 = tpu.vector_load %arg11[%get3A_1899, %get3A_1900, %get3A_1901] {strides = array<i32>} : memref<3x16x144xf32, #tpu.memory_space<vmem>>, vector<16xf32>,
        %gt3A_1903 = arith.constant 0.000000e+00 : f32
        %gt3A_1904 = vector.broadcast %gt3A_1903 : f32 to vector<16xf32>
        %gt3A_1905 = arith.cmpf ogt, %get3A_1902, %gt3A_1904 : vector<16xf32>
        %div3A_1906 = arith.constant 1.000000e+00 : f32
        %div3A_1907 = vector.broadcast %div3A_1906 : f32 to vector<16xf32>
        %div3A_1908 = arith.divf %div3A_1907, %get3A_1902 : vector<16xf32>
        %broadcast_in_dim3A_1909 = arith.constant 0.000000e+00 : f32
        %broadcast_in_dim3A_1910 = vector.broadcast %broadcast_in_dim3A_1909 : f32 to vector<16xf32>
        %select_n3A_1911 = arith.select %gt3A_1905, %div3A_1908, %broadcast_in_dim3A_1910 : vector<16xi1>, vector<16xf32>
        %slice3A_1912 = vector.extract_strided_slice %select_n3A_1911 {offsets = [0], sizes = [1], strides = [1]} : vector<16xf32> to vector<1xf32>
        %squeeze3A_1913 = vector.extract %slice3A_1912[0] : f32 from vector<1xf32>
        %slice3A_1914 = vector.extract_strided_slice %select_n3A_1911 {offsets = [1], sizes = [1], strides = [1]} : vector<16xf32> to vector<1xf32>
        %squeeze3A_1915 = vector.extract %slice3A_1914[0] : f32 from vector<1xf32>
        %get3A_1916 = arith.constant 0 : i32
        %get3A_1917 = arith.constant 7 : i32
        %get3A_1918 = arith.index_cast %get3A_1916 : i32 to index
        %get3A_1919 = arith.index_cast %get3A_1917 : i32 to index
        %get3A_1920 = arith.constant 0 : index
        %get3A_1921 = tpu.vector_load %arg11[%get3A_1918, %get3A_1919, %get3A_1920] {strides = array<i32>} : memref<3x16x144xf32, #tpu.memory_space<vmem>>, vector<16xf32>,
        %mul3A_1922 = vector.broadcast %squeeze3A_1913 : f32 to vector<16xf32>
        %mul3A_1923 = arith.mulf %get3A_1921, %mul3A_1922 : vector<16xf32>
        %swap3A_1924 = arith.constant 0 : i32
        %swap3A_1925 = arith.constant 7 : i32
        %swap3A_1926 = arith.index_cast %swap3A_1924 : i32 to index
        %swap3A_1927 = arith.index_cast %swap3A_1925 : i32 to index
        %swap3A_1928 = arith.constant 0 : index
        %swap3A_1929 = tpu.vector_load %arg9[%swap3A_1926, %swap3A_1927, %swap3A_1928] {strides = array<i32>} : memref<3x16x128xf32, #tpu.memory_space<vmem>>, vector<16xf32>,
        tpu.vector_store %arg9[%swap3A_1926, %swap3A_1927, %swap3A_1928], %mul3A_1923 {strides = array<i32>} : memref<3x16x128xf32, #tpu.memory_space<vmem>>, vector<16xf32>,
        %get3A_1930 = arith.constant 0 : i32
        %get3A_1931 = arith.constant 7 : i32
        %get3A_1932 = arith.index_cast %get3A_1930 : i32 to index
        %get3A_1933 = arith.index_cast %get3A_1931 : i32 to index
        %get3A_1934 = arith.constant 16 : index
        %get3A_1935 = tpu.vector_load %arg11[%get3A_1932, %get3A_1933, %get3A_1934] {strides = array<i32>} : memref<3x16x144xf32, #tpu.memory_space<vmem>>, vector<16xf32>,
        %mul3A_1936 = vector.broadcast %squeeze3A_1913 : f32 to vector<16xf32>
        %mul3A_1937 = arith.mulf %get3A_1935, %mul3A_1936 : vector<16xf32>
        %swap3A_1938 = arith.constant 0 : i32
        %swap3A_1939 = arith.constant 7 : i32
        %swap3A_1940 = arith.index_cast %swap3A_1938 : i32 to index
        %swap3A_1941 = arith.index_cast %swap3A_1939 : i32 to index
        %swap3A_1942 = arith.constant 16 : index
        %swap3A_1943 = tpu.vector_load %arg9[%swap3A_1940, %swap3A_1941, %swap3A_1942] {strides = array<i32>} : memref<3x16x128xf32, #tpu.memory_space<vmem>>, vector<16xf32>,
        tpu.vector_store %arg9[%swap3A_1940, %swap3A_1941, %swap3A_1942], %mul3A_1937 {strides = array<i32>} : memref<3x16x128xf32, #tpu.memory_space<vmem>>, vector<16xf32>,
        %get3A_1944 = arith.constant 0 : i32
        %get3A_1945 = arith.constant 7 : i32
        %get3A_1946 = arith.index_cast %get3A_1944 : i32 to index
        %get3A_1947 = arith.index_cast %get3A_1945 : i32 to index
        %get3A_1948 = arith.constant 32 : index
        %get3A_1949 = tpu.vector_load %arg11[%get3A_1946, %get3A_1947, %get3A_1948] {strides = array<i32>} : memref<3x16x144xf32, #tpu.memory_space<vmem>>, vector<16xf32>,
        %mul3A_1950 = vector.broadcast %squeeze3A_1913 : f32 to vector<16xf32>
        %mul3A_1951 = arith.mulf %get3A_1949, %mul3A_1950 : vector<16xf32>
        %swap3A_1952 = arith.constant 0 : i32
        %swap3A_1953 = arith.constant 7 : i32
        %swap3A_1954 = arith.index_cast %swap3A_1952 : i32 to index
        %swap3A_1955 = arith.index_cast %swap3A_1953 : i32 to index
        %swap3A_1956 = arith.constant 32 : index
        %swap3A_1957 = tpu.vector_load %arg9[%swap3A_1954, %swap3A_1955, %swap3A_1956] {strides = array<i32>} : memref<3x16x128xf32, #tpu.memory_space<vmem>>, vector<16xf32>,
        tpu.vector_store %arg9[%swap3A_1954, %swap3A_1955, %swap3A_1956], %mul3A_1951 {strides = array<i32>} : memref<3x16x128xf32, #tpu.memory_space<vmem>>, vector<16xf32>,
        %get3A_1958 = arith.constant 0 : i32
        %get3A_1959 = arith.constant 7 : i32
        %get3A_1960 = arith.index_cast %get3A_1958 : i32 to index
        %get3A_1961 = arith.index_cast %get3A_1959 : i32 to index
        %get3A_1962 = arith.constant 48 : index
        %get3A_1963 = tpu.vector_load %arg11[%get3A_1960, %get3A_1961, %get3A_1962] {strides = array<i32>} : memref<3x16x144xf32, #tpu.memory_space<vmem>>, vector<16xf32>,
        %mul3A_1964 = vector.broadcast %squeeze3A_1913 : f32 to vector<16xf32>
        %mul3A_1965 = arith.mulf %get3A_1963, %mul3A_1964 : vector<16xf32>
        %swap3A_1966 = arith.constant 0 : i32
        %swap3A_1967 = arith.constant 7 : i32
        %swap3A_1968 = arith.index_cast %swap3A_1966 : i32 to index
        %swap3A_1969 = arith.index_cast %swap3A_1967 : i32 to index
        %swap3A_1970 = arith.constant 48 : index
        %swap3A_1971 = tpu.vector_load %arg9[%swap3A_1968, %swap3A_1969, %swap3A_1970] {strides = array<i32>} : memref<3x16x128xf32, #tpu.memory_space<vmem>>, vector<16xf32>,
        tpu.vector_store %arg9[%swap3A_1968, %swap3A_1969, %swap3A_1970], %mul3A_1965 {strides = array<i32>} : memref<3x16x128xf32, #tpu.memory_space<vmem>>, vector<16xf32>,
        %get3A_1972 = arith.constant 0 : i32
        %get3A_1973 = arith.constant 7 : i32
        %get3A_1974 = arith.index_cast %get3A_1972 : i32 to index
        %get3A_1975 = arith.index_cast %get3A_1973 : i32 to index
        %get3A_1976 = arith.constant 64 : index
        %get3A_1977 = tpu.vector_load %arg11[%get3A_1974, %get3A_1975, %get3A_1976] {strides = array<i32>} : memref<3x16x144xf32, #tpu.memory_space<vmem>>, vector<16xf32>,
        %mul3A_1978 = vector.broadcast %squeeze3A_1915 : f32 to vector<16xf32>
        %mul3A_1979 = arith.mulf %get3A_1977, %mul3A_1978 : vector<16xf32>
        %swap3A_1980 = arith.constant 0 : i32
        %swap3A_1981 = arith.constant 7 : i32
        %swap3A_1982 = arith.index_cast %swap3A_1980 : i32 to index
        %swap3A_1983 = arith.index_cast %swap3A_1981 : i32 to index
        %swap3A_1984 = arith.constant 64 : index
        %swap3A_1985 = tpu.vector_load %arg9[%swap3A_1982, %swap3A_1983, %swap3A_1984] {strides = array<i32>} : memref<3x16x128xf32, #tpu.memory_space<vmem>>, vector<16xf32>,
        tpu.vector_store %arg9[%swap3A_1982, %swap3A_1983, %swap3A_1984], %mul3A_1979 {strides = array<i32>} : memref<3x16x128xf32, #tpu.memory_space<vmem>>, vector<16xf32>,
        %get3A_1986 = arith.constant 0 : i32
        %get3A_1987 = arith.constant 7 : i32
        %get3A_1988 = arith.index_cast %get3A_1986 : i32 to index
        %get3A_1989 = arith.index_cast %get3A_1987 : i32 to index
        %get3A_1990 = arith.constant 80 : index
        %get3A_1991 = tpu.vector_load %arg11[%get3A_1988, %get3A_1989, %get3A_1990] {strides = array<i32>} : memref<3x16x144xf32, #tpu.memory_space<vmem>>, vector<16xf32>,
        %mul3A_1992 = vector.broadcast %squeeze3A_1915 : f32 to vector<16xf32>
        %mul3A_1993 = arith.mulf %get3A_1991, %mul3A_1992 : vector<16xf32>
        %swap3A_1994 = arith.constant 0 : i32
        %swap3A_1995 = arith.constant 7 : i32
        %swap3A_1996 = arith.index_cast %swap3A_1994 : i32 to index
        %swap3A_1997 = arith.index_cast %swap3A_1995 : i32 to index
        %swap3A_1998 = arith.constant 80 : index
        %swap3A_1999 = tpu.vector_load %arg9[%swap3A_1996, %swap3A_1997, %swap3A_1998] {strides = array<i32>} : memref<3x16x128xf32, #tpu.memory_space<vmem>>, vector<16xf32>,
        tpu.vector_store %arg9[%swap3A_1996, %swap3A_1997, %swap3A_1998], %mul3A_1993 {strides = array<i32>} : memref<3x16x128xf32, #tpu.memory_space<vmem>>, vector<16xf32>,
        %get3A_2000 = arith.constant 0 : i32
        %get3A_2001 = arith.constant 7 : i32
        %get3A_2002 = arith.index_cast %get3A_2000 : i32 to index
        %get3A_2003 = arith.index_cast %get3A_2001 : i32 to index
        %get3A_2004 = arith.constant 96 : index
        %get3A_2005 = tpu.vector_load %arg11[%get3A_2002, %get3A_2003, %get3A_2004] {strides = array<i32>} : memref<3x16x144xf32, #tpu.memory_space<vmem>>, vector<16xf32>,
        %mul3A_2006 = vector.broadcast %squeeze3A_1915 : f32 to vector<16xf32>
        %mul3A_2007 = arith.mulf %get3A_2005, %mul3A_2006 : vector<16xf32>
        %swap3A_2008 = arith.constant 0 : i32
        %swap3A_2009 = arith.constant 7 : i32
        %swap3A_2010 = arith.index_cast %swap3A_2008 : i32 to index
        %swap3A_2011 = arith.index_cast %swap3A_2009 : i32 to index
        %swap3A_2012 = arith.constant 96 : index
        %swap3A_2013 = tpu.vector_load %arg9[%swap3A_2010, %swap3A_2011, %swap3A_2012] {strides = array<i32>} : memref<3x16x128xf32, #tpu.memory_space<vmem>>, vector<16xf32>,
        tpu.vector_store %arg9[%swap3A_2010, %swap3A_2011, %swap3A_2012], %mul3A_2007 {strides = array<i32>} : memref<3x16x128xf32, #tpu.memory_space<vmem>>, vector<16xf32>,
        %get3A_2014 = arith.constant 0 : i32
        %get3A_2015 = arith.constant 7 : i32
        %get3A_2016 = arith.index_cast %get3A_2014 : i32 to index
        %get3A_2017 = arith.index_cast %get3A_2015 : i32 to index
        %get3A_2018 = arith.constant 112 : index
        %get3A_2019 = tpu.vector_load %arg11[%get3A_2016, %get3A_2017, %get3A_2018] {strides = array<i32>} : memref<3x16x144xf32, #tpu.memory_space<vmem>>, vector<16xf32>,
        %mul3A_2020 = vector.broadcast %squeeze3A_1915 : f32 to vector<16xf32>
        %mul3A_2021 = arith.mulf %get3A_2019, %mul3A_2020 : vector<16xf32>
        %swap3A_2022 = arith.constant 0 : i32
        %swap3A_2023 = arith.constant 7 : i32
        %swap3A_2024 = arith.index_cast %swap3A_2022 : i32 to index
        %swap3A_2025 = arith.index_cast %swap3A_2023 : i32 to index
        %swap3A_2026 = arith.constant 112 : index
        %swap3A_2027 = tpu.vector_load %arg9[%swap3A_2024, %swap3A_2025, %swap3A_2026] {strides = array<i32>} : memref<3x16x128xf32, #tpu.memory_space<vmem>>, vector<16xf32>,
        tpu.vector_store %arg9[%swap3A_2024, %swap3A_2025, %swap3A_2026], %mul3A_2021 {strides = array<i32>} : memref<3x16x128xf32, #tpu.memory_space<vmem>>, vector<16xf32>,
        %mul3A_2028 = arith.constant 128 : i32
        %mul3A_2029 = arith.muli %arg0, %mul3A_2028 : i32
        %run_scoped3A_2030 = arith.constant 0 : i32
        "tpu.region"() ({
          %run_scoped3A_2031 = tpu.sem_alloc : memref<!tpu.dma_semaphore, #tpu.memory_space<semaphore_mem>>
          %dma_start3A_2032 = arith.constant 0 : i32
          %dma_start3A_2033 = arith.constant 0 : i32
          %dma_start3A_2034 = tpu.memref_slice %arg9[%run_scoped3A_2030, %dma_start3A_2032, %dma_start3A_2033] : memref<3x16x128xf32, #tpu.memory_space<vmem>> -> memref<1x8x128xf32, #tpu.memory_space<vmem>>
          %dma_start3A_2035 = tpu.memref_squeeze %dma_start3A_2034 : memref<1x8x128xf32, #tpu.memory_space<vmem>> -> memref<8x128xf32, #tpu.memory_space<vmem>>
          %dma_start3A_2036 = tpu.memref_slice %arg6[%mul3A_984, %mul3A_2029] : memref<10000x256xf32, #tpu.memory_space<hbm>> -> memref<8x128xf32, #tpu.memory_space<hbm>>
          %dma_start3A_2037 = tpu.memref_slice %arg6[%mul3A_984, %mul3A_2029] : memref<10000x256xf32, #tpu.memory_space<hbm>> -> memref<8x128xf32, #tpu.memory_space<hbm>>
          %dma_start3A_2038 = arith.constant 0 : i32
          %dma_start3A_2039 = arith.constant 0 : i32
          %dma_start3A_2040 = tpu.memref_slice %arg9[%run_scoped3A_2030, %dma_start3A_2038, %dma_start3A_2039] : memref<3x16x128xf32, #tpu.memory_space<vmem>> -> memref<1x8x128xf32, #tpu.memory_space<vmem>>
          %dma_start3A_2041 = tpu.memref_squeeze %dma_start3A_2040 : memref<1x8x128xf32, #tpu.memory_space<vmem>> -> memref<8x128xf32, #tpu.memory_space<vmem>>
          tpu.enqueue_dma source(%dma_start3A_2041 : memref<8x128xf32, #tpu.memory_space<vmem>>) target(%dma_start3A_2037 : memref<8x128xf32, #tpu.memory_space<hbm>>) target_semaphore(%run_scoped3A_2031 : memref<!tpu.dma_semaphore, #tpu.memory_space<semaphore_mem>>)
          %dma_wait3A_2042 = arith.constant 0 : i32
          %dma_wait3A_2043 = arith.constant 0 : i32
          %dma_wait3A_2044 = tpu.memref_slice %arg9[%run_scoped3A_2030, %dma_wait3A_2042, %dma_wait3A_2043] : memref<3x16x128xf32, #tpu.memory_space<vmem>> -> memref<1x8x128xf32, #tpu.memory_space<vmem>>
          %dma_wait3A_2045 = tpu.memref_squeeze %dma_wait3A_2044 : memref<1x8x128xf32, #tpu.memory_space<vmem>> -> memref<8x128xf32, #tpu.memory_space<vmem>>
          %dma_wait3A_2046 = tpu.memref_slice %arg6[%mul3A_984, %mul3A_2029] : memref<10000x256xf32, #tpu.memory_space<hbm>> -> memref<8x128xf32, #tpu.memory_space<hbm>>
          %dma_wait3A_2047 = tpu.memref_slice %arg6[%mul3A_984, %mul3A_2029] : memref<10000x256xf32, #tpu.memory_space<hbm>> -> memref<8x128xf32, #tpu.memory_space<hbm>>
          %dma_wait3A_2048 = arith.constant 0 : i32
          %dma_wait3A_2049 = arith.constant 0 : i32
          %dma_wait3A_2050 = tpu.memref_slice %arg9[%run_scoped3A_2030, %dma_wait3A_2048, %dma_wait3A_2049] : memref<3x16x128xf32, #tpu.memory_space<vmem>> -> memref<1x8x128xf32, #tpu.memory_space<vmem>>
          %dma_wait3A_2051 = tpu.memref_squeeze %dma_wait3A_2050 : memref<1x8x128xf32, #tpu.memory_space<vmem>> -> memref<8x128xf32, #tpu.memory_space<vmem>>
          tpu.wait_dma2 semaphore(%run_scoped3A_2031 : memref<!tpu.dma_semaphore, #tpu.memory_space<semaphore_mem>>) src(%dma_wait3A_2051 : memref<8x128xf32, #tpu.memory_space<vmem>>) dst(%dma_wait3A_2047 : memref<8x128xf32, #tpu.memory_space<hbm>>)
          tpu.yield
        }) : () -> ()
      } else {
      }
    }
    %scan3A_976 = arith.constant 79 : i32
    return
  }
}

module attributes {stable_mosaic.version = 14 : i64} {
  func.func @body(%arg0: i32, %arg1: i32, %arg2: memref<1000x256xf32, #tpu.memory_space<vmem>>, %arg3: memref<1x256x128xf32, #tpu.memory_space<vmem>>, %arg4: memref<1x1x128xf32, #tpu.memory_space<vmem>>, %arg5: memref<1x1000x128xf32, #tpu.memory_space<vmem>>) attributes {dimension_semantics = [#tpu.dimension_semantics<arbitrary>, #tpu.dimension_semantics<arbitrary>], iteration_bounds = array<i64: 4, 10>, scalar_prefetch = 0 : i64, scratch_operands = 0 : i64, tpu.core_type = #tpu.core_type<tc>, window_params = [{transform_indices = @transform_0, window_bounds = array<i64: 1000, 256>}, {transform_indices = @transform_1, window_bounds = array<i64: 1, 256, 128>}, {transform_indices = @transform_2, window_bounds = array<i64: 1, 1, 128>}, {transform_indices = @transform_3, window_bounds = array<i64: 1, 1000, 128>}]} {
    %get3A = arith.constant 0 : index
    %get3A_0 = arith.constant 0 : index
    %get3A_1 = vector.load %arg2[%get3A, %get3A_0] : memref<1000x256xf32, #tpu.memory_space<vmem>>, vector<1000x256xf32>
    %get3A_2 = arith.constant 0 : index
    %get3A_3 = arith.constant 0 : index
    %get3A_4 = arith.constant 0 : index
    %get3A_5 = vector.load %arg3[%get3A_2, %get3A_3, %get3A_4] : memref<1x256x128xf32, #tpu.memory_space<vmem>>, vector<1x256x128xf32>
    %get3A_6 = vector.shape_cast %get3A_5 : vector<1x256x128xf32> to vector<256x128xf32>
    %dot_general3A = arith.constant dense<0.000000e+00> : vector<1000x128xf32>
    %dot_general3A_7 = tpu.matmul %get3A_1, %get3A_6, %dot_general3A {dimension_numbers = #tpu.dot_dimension_numbers<[1], [0], [0], [1], [0, 0, 1, 1], [], []>, transpose_lhs_hint = false} : vector<1000x256xf32>, vector<256x128xf32>, vector<1000x128xf32> -> vector<1000x128xf32>
    %get3A_8 = arith.constant 0 : index
    %get3A_9 = arith.constant 0 : index
    %get3A_10 = arith.constant 0 : index
    %get3A_11 = vector.load %arg4[%get3A_8, %get3A_9, %get3A_10] : memref<1x1x128xf32, #tpu.memory_space<vmem>>, vector<1x1x128xf32>
    %get3A_12 = vector.shape_cast %get3A_11 : vector<1x1x128xf32> to vector<1x128xf32>
    %add3A = vector.broadcast %get3A_12 : vector<1x128xf32> to vector<1000x128xf32>
    %add3A_13 = arith.addf %dot_general3A_7, %add3A : vector<1000x128xf32>
    %broadcast_in_dim3A = vector.shape_cast %add3A_13 : vector<1000x128xf32> to vector<1x1000x128xf32>
    %swap3A = arith.constant 0 : index
    %swap3A_14 = arith.constant 0 : index
    %swap3A_15 = arith.constant 0 : index
    %swap3A_16 = vector.load %arg5[%swap3A, %swap3A_14, %swap3A_15] : memref<1x1000x128xf32, #tpu.memory_space<vmem>>, vector<1x1000x128xf32>
    tpu.vector_store %arg5[%swap3A, %swap3A_14, %swap3A_15], %broadcast_in_dim3A {strides = array<i32>} : memref<1x1000x128xf32, #tpu.memory_space<vmem>>, vector<1x1000x128xf32>,
    return
  }
  func.func @transform_0(%arg0: i32, %arg1: i32) -> (i32, i32) {
    %c0_i32 = arith.constant 0 : i32
    %c0_i32_0 = arith.constant 0 : i32
    return %arg1, %c0_i32 : i32, i32
  }
  func.func @transform_1(%arg0: i32, %arg1: i32) -> (i32, i32, i32) {
    %c0_i32 = arith.constant 0 : i32
    %c0_i32_0 = arith.constant 0 : i32
    %c0_i32_1 = arith.constant 0 : i32
    return %arg0, %c0_i32, %c0_i32_0 : i32, i32, i32
  }
  func.func @transform_2(%arg0: i32, %arg1: i32) -> (i32, i32, i32) {
    %c0_i32 = arith.constant 0 : i32
    %c0_i32_0 = arith.constant 0 : i32
    %c0_i32_1 = arith.constant 0 : i32
    return %arg0, %c0_i32, %c0_i32_0 : i32, i32, i32
  }
  func.func @transform_3(%arg0: i32, %arg1: i32) -> (i32, i32, i32) {
    %c0_i32 = arith.constant 0 : i32
    %c0_i32_0 = arith.constant 0 : i32
    return %arg0, %arg1, %c0_i32 : i32, i32, i32
  }
}

</mosaic_0001>

<sc_bundles>
// kernel: kernel.4.cloned.1.call-start
scs
__scs_entry_jumppad:
0x0: {  	(pc) =	sbr.rel $0x88, $3  }
0x1: {  	(tag) =	ssettag $0x0;
	lr =	simm.s32 $0x1  }
0x2: {  	[smem:$0x3F9A] =	sst lr;
	_ =	strace $0xD0000000  }
0x3: {  	_ = 	snop  }
0x4: {  	_ = 	snop  }
0x5: {  	_ = 	snop  }
0x6: {  	_ = 	snop  }
0x7: {  	_ = 	snop  }
__scs_overlays_trampoline_lowered:
0x8: {  	[smem:$0x3FA9] =	sst s0  }
0x9: {  	[smem:$0x3FAA] =	sst s1  }
0xa: {  	[smem:$0x3FAB] =	sst s2  }
0xb: {  	[smem:$0x3FAC] =	sst s3  }
0xc: {  	[smem:$0x3FAD] =	sst s4  }
0xd: {  	[smem:$0x3FAE] =	sst s5  }
0xe: {  	[smem:$0x3FAF] =	sst s6  }
0xf: {  	[smem:$0x3FB0] =	sst s7  }
0x10: {  	[smem:$0x3FB1] =	sst s8  }
0x11: {  	[smem:$0x3FB2] =	sst s9;
	s0 =	simm.s32 @!p0 $0x0  }
0x12: {  	s1 =	sld [smem:$0x3F98];
	s0 =	simm.s32 @p0 $0x1  }
0x13: {  	[smem:$0x3FB3] =	sst s0;
	s0 =	simm.s32 @!p1 $0x0  }
0x14: {  	s2 =	sld [smem:$0x3F97];
	s0 =	simm.s32 @p1 $0x1  }
0x15: {  	[smem:$0x3FB4] =	sst s0;
	s0 =	simm.s32 @!p2 $0x0  }
0x16: {  	s3 =	sld [smem:$0x3FDB];
	s0 =	simm.s32 @p2 $0x1  }
0x17: {  	s4 =	simm.s32 $0x1BF5;
	[smem:$0x3FB6] =	sst s0  }
0x18: {  	s0 =	sld [smem:$0x3F99];
	_ =	swait.ge [sflag:s4], $0x0  }
0x19: {  	s7 =	sld [smem:$0x3F9A]  }
0x1a: {  	s8 =	sadd.s32 $0xFFFFE003, lr  }
0x1b: {  	s9 =	sadd.s32 $0xFFFFFEF7, lr;
	s5 =	simm.s32 $0xFFFFFFFF;
	p2 =	slt.u32 s8, $0xFFFFF086  }
0x1c: {  	p1 =	slt.u32 s9, $0xF7A;
	s5 =	simm.s32 @!p2 $0x0  }
0x1d: {  	s5 =	simm.s32 @p1 $0x1;
	p0 =	seq.s32 s7, s2  }
0x1e: {  	s7 =	smul.u32 @!p0 $0xF7A, s2;
	p2 =	seq.s32 @!p0 s5, $0x0  }
0x1f: {  	s9 =	smul.u32 $0xF7A, s1;
	s8 =	simm.s32 @!p0 $0x1BF5;
	p2 =	por !p2, p0  }
0x20: {  	[sflag:s8] =	ssyncset.s32 @!p0 $0xFFFFF086;
	s6 =	sadd.s32 @!p0 s3, s7;
	s7 =	simm.s32 @!p0 $0x108  }
0x21: {  	s3 =	sadd.s32 s3, s9;
	s6 =	sadd.s32 @!p0 $0x88, s6;
	s7 =	simm.s32 @p2 $0x1082  }
0x22: {  	[simem:s7], [sflag:s8] =	dma.local @!p0 [hbm:s6], $0xF7A  }
0x23: {  	s9 =	sor.u32 $0xD0000000, s2;
	s6 =	simm.s32 $0x108;
	_ =	swait.ge @!p0 [sflag:s8], $0x0  }
0x24: {  	s3 =	sadd.s32 $0x88, s3;
	s6 =	simm.s32 @!p1 $0x1082;
	[sflag:s4] =	ssyncset.s32 $0xFFFFF086  }
0x25: {  	[simem:s6], [sflag:s4] =	dma.local [hbm:s3], $0xF7A  }
0x26: {  	[smem:$0x3F9A] =	sst s1;
	(tag) =	ssettag s2;
	_ =	strace s9  }
0x27: {  	s1 =	sld [smem:$0x3FAA]  }
0x28: {  	s2 =	sld [smem:$0x3FAB]  }
0x29: {  	s4 =	sld [smem:$0x3FAD]  }
0x2a: {  	p0 =	seq.s32 s5, $0x0;
	s5 =	sld [smem:$0x3FAE]  }
0x2b: {  	s6 =	sld [smem:$0x3FAF]  }
0x2c: {  	s7 =	sld [smem:$0x3FB0]  }
0x2d: {  	s3 =	simm.s32 $0x108;
	s8 =	sld [smem:$0x3FB1]  }
0x2e: {  	s3 =	simm.s32 @!p0 $0x1082;
	s9 =	sld [smem:$0x3FB2]  }
0x2f: {  	lr =	sadd.s32 s0, s3;
	s0 =	sld [smem:$0x3FA9]  }
0x30: {  	s3 =	sld [smem:$0x3FAC]  }
0x31: {  	[smem:$0x3FB5] =	sst s10  }
0x32: {  	s10 =	sld [smem:$0x3FB3];
	_ =	sdelay $0x3  }
0x33: {  	p0 =	seq.s32 s10, $0x1;
	s10 =	sld [smem:$0x3FB5];
	_ =	sdelay $0x3  }
0x34: {  	[smem:$0x3FB5] =	sst s10  }
0x35: {  	s10 =	sld [smem:$0x3FB4];
	_ =	sdelay $0x3  }
0x36: {  	p1 =	seq.s32 s10, $0x1;
	s10 =	sld [smem:$0x3FB5];
	_ =	sdelay $0x3  }
0x37: {  	[smem:$0x3FB5] =	sst s10  }
0x38: {  	s10 =	sld [smem:$0x3FB6]  }
0x39: {  	_ = 	snop;
	(pc) =	sbr.ind lr, $3  }
0x3a: {  	_ = 	snop  }
0x3b: {  	_ = 	snop  }
0x3c: {  	p2 =	seq.s32 s10, $0x1;
	s10 =	sld [smem:$0x3FB5]  }
0x3d: {  	_ =	shalt  }
0x3e: {  	_ =	shalt  }
0x3f: {  	_ =	shalt  }
0x40: {  	_ =	shalt  }
0x41: {  	_ =	shalt  }
0x42: {  	_ =	shalt  }
0x43: {  	_ =	shalt  }
0x44: {  	_ =	shalt  }
0x45: {  	_ =	shalt  }
0x46: {  	_ =	shalt  }
0x47: {  	_ =	shalt  }
0x48: {  	_ =	shalt  }
0x49: {  	_ =	shalt  }
0x4a: {  	_ =	shalt  }
0x4b: {  	_ =	shalt  }
0x4c: {  	_ =	shalt  }
0x4d: {  	_ =	shalt  }
0x4e: {  	_ =	shalt  }
0x4f: {  	_ =	shalt  }
0x50: {  	_ =	shalt  }
0x51: {  	_ =	shalt  }
0x52: {  	_ =	shalt  }
0x53: {  	_ =	shalt  }
0x54: {  	_ =	shalt  }
0x55: {  	_ =	shalt  }
0x56: {  	_ =	shalt  }
0x57: {  	_ =	shalt  }
0x58: {  	_ =	shalt  }
0x59: {  	_ =	shalt  }
0x5a: {  	_ =	shalt  }
0x5b: {  	_ =	shalt  }
0x5c: {  	_ =	shalt  }
0x5d: {  	_ =	shalt  }
0x5e: {  	_ =	shalt  }
0x5f: {  	_ =	shalt  }
0x60: {  	_ =	shalt  }
0x61: {  	_ =	shalt  }
0x62: {  	_ =	shalt  }
0x63: {  	_ =	shalt  }
0x64: {  	_ =	shalt  }
0x65: {  	_ =	shalt  }
0x66: {  	_ =	shalt  }
0x67: {  	_ =	shalt  }
0x68: {  	_ =	shalt  }
0x69: {  	_ =	shalt  }
0x6a: {  	_ =	shalt  }
0x6b: {  	_ =	shalt  }
0x6c: {  	_ =	shalt  }
0x6d: {  	_ =	shalt  }
0x6e: {  	_ =	shalt  }
0x6f: {  	_ =	shalt  }
0x70: {  	_ =	shalt  }
0x71: {  	_ =	shalt  }
0x72: {  	_ =	shalt  }
0x73: {  	_ =	shalt  }
0x74: {  	_ =	shalt  }
0x75: {  	_ =	shalt  }
0x76: {  	_ =	shalt  }
0x77: {  	_ =	shalt  }
0x78: {  	_ =	shalt  }
0x79: {  	_ =	shalt  }
0x7a: {  	_ =	shalt  }
0x7b: {  	_ =	shalt  }
0x7c: {  	_ =	shalt  }
0x7d: {  	_ =	shalt  }
0x7e: {  	_ =	shalt  }
0x7f: {  	_ =	shalt  }
0x80: {  	_ =	shalt  }
0x81: {  	_ =	shalt  }
0x82: {  	_ =	shalt  }
0x83: {  	_ =	shalt  }
0x84: {  	_ =	shalt  }
0x85: {  	_ =	shalt  }
0x86: {  	_ =	shalt  }
0x87: {  	_ =	shalt  }
.Lfunc_end0:
.L_simem_size_0:
called_computation_lowered:
.L_overlay_start_0:
0x88: {  	s2 =	sld [smem:$0x3FD9]  }
0x89: {  	s3 =	sld [smem:$0x3FFE];
	_ =	sdelay $0x1  }
0x8a: {  	s1 =	srdreg.scid  }
0x8b: {  	s0 =	sand.u32 $0x1, s1  }
0x8c: {  	s17 =	sshll.u32 s0, $0xA;
	s2 =	sadd.s32 s3, s2  }
0x8d: {  	s2 =	sadd.s32 s2, s17  }
0x8e: {  	[smem:$0x3FC1] =	sst s2  }
0x8f: {  	_ = 	snop  }
0x90: {  	s2 =	sld [smem:$0x3FD0];
	(tm) =	ssettm $0x1  }
0x91: {  	s18 =	sld [smem:$0x3FFB];
	_ =	sdelay $0x3  }
0x92: {  	_ =	strace s18  }
0x93: {  	s3 =	sld [smem:$0x3FFC];
	_ =	sdelay $0x3  }
0x94: {  	_ =	strace s3  }
0x95: {  	s3 =	sld [smem:$0x3FFD];
	_ =	sdelay $0x3  }
0x96: {  	_ =	strace s3  }
0x97: {  	_ =	strace $0x8FFFFFFF  }
0x98: {  	s19 =	sld [smem:$0x3FDB];
	_ =	sdelay $0x1  }
0x99: {  	s4 =	simm.s32 $_scs_section_size  }
0x9a: {  	s5 =	simm.s32 $_size__tile_overlayer_lowered;
	s6 =	simm.s32 $_tile_overlayer_lowered  }
0x9b: {  	s22 =	simm.s32 $0x1BFF;
	s21 =	sshll.u32 s6, $0x1;
	s3 =	sadd.s32 s4, s19  }
0x9c: {  	s7 =	simm.s32 $0x0;
	s20 =	sshll.u32 s5, $0x1;
	s5 =	sadd.s32 s21, s3  }
0x9d: {  	[timem:s7], [sflag:s22] =	dma.local [hbm:s5], s20  }
0x9e: {  	_ =	swait.ge [sflag:s22], s20  }
0x9f: {  	s4 =	ssub.s32 $0x0, s20;
	[sflag:s22] =	ssyncset.done $0x0  }
0xa0: {  	[sflag:s22] =	ssyncadd.s32 s4;
	_ =	sdelay $0x1  }
0xa1: {  	s23 =	simm.s32 $0x1B8B  }
0xa2: {  	_ =	swait.ge [sflag:s23], $0x1  }
0xa3: {  	[sflag:s23] =	ssyncset.done $0x0  }
0xa4: {  	s25 =	simm.s32 $0x1B8E;
	s24 =	sld [smem:$0x3FFE];
	[sflag:s23] =	ssyncadd.s32 $0xFFFFFFFF  }
0xa5: {  	s26 =	simm.s32 $execute0_lowered;
	[smem:$0x3FD2] =	sst s25  }
0xa6: {  	s5 =	sshll.u32 s26, $0x1;
	_ =	strace $0x80000046;
	[dreg:$0x1] =	wrdreg $0xFFFFFFFF  }
0xa7: {  	s28 =	simm.s32 $_size_execute0_lowered;
	s3 =	sadd.s32 s3, s5;
	[dreg:$0x0] =	wrdreg $0x0  }
0xa8: {  	s5 =	sshll.u32 s28, $0x1;
	[dreg:$0x2] =	wrdreg s3  }
0xa9: {  	[dreg:$0x3] =	wrdreg s5  }
0xaa: {  	[dreg:$0x4] =	wrdreg $0xC0  }
0xab: {  	_ =	task [dreg:s7], $0x5FFFF  }
0xac: {  	[dreg:$0x1] =	wrdreg $0xFFFFFFFF  }
0xad: {  	[dreg:$0x0] =	wrdreg $0x60  }
0xae: {  	[dreg:$0x2] =	wrdreg s24  }
0xaf: {  	[dreg:$0x3] =	wrdreg s2  }
0xb0: {  	[dreg:$0x4] =	wrdreg $0x99A00  }
0xb1: {  	[dreg:$0x5] =	wrdreg $0x9  }
0xb2: {  	_ =	task.clear_ibuf [dreg:s7], $0x6FFFF;
	_ =	strace $0x90000046  }
0xb3: {  	s29 =	simm.s32 $0x9;
	_ =	strace $0x80000048  }
0xb4: {  	_ =	swait.ge [sflag:s29], $0x1  }
0xb5: {  	[sflag:s29] =	ssyncadd.s32 $0xFFFFFFFF  }
0xb6: {  	_ =	strace $0x90000048  }
0xb7: {  	_ =	sfence  }
0xb8: {  	s30 =	sld [smem:$0x0];
	_ =	sdelay $0x2  }
0xb9: {  	s31 =	sshll.u32 s1, $0xD;
	s1 =	sshrl.u32 s1, $0x2  }
0xba: {  	s3 =	sand.u32 $0x4000, s31;
	s1 =	sadd.s32 s1, s30  }
0xbb: {  	s0 =	sor.u32 s3, s0;
	s1 =	sshll.u32 s1, $0x11  }
0xbc: {  	s0 =	sor.u32 s1, s0  }
0xbd: {  	s0 =	sadd.s32 $0x8F2B, s0  }
0xbe: {  	[sflag:s0] =	ssyncadd.remote.s32 $0x1  }
0xbf: {  	_ =	sfence.sel $0xFFFF  }
0xc0: {  	[dreg:$0x0] =	wrdreg $0xFFFFFFFF;
	(pc) =	sbr.abs _section_cstart, $3  }
0xc1: {  	[dreg:$0x1] =	wrdreg $0xFFFFFFFF  }
0xc2: {  	_ =	task.clear_ibuf [dreg:s7], $0x2FFFF;
	_ =	strace $0x9FFFFFFF  }
0xc3: {  	(tm) =	ssettm $0x7FFFFFFF  }
tec
execute0_lowered:
.L_overlay_start_1:
0x0: {  	(tag) =	ssettag $0x1  }
0x1: {  	s0 =	rddreg [dreg:$0x0]  }
0x2: {  	s10 =	rddreg [dreg:$0x1]  }
0x3: {  	s2 =	rddreg [dreg:$0x2]  }
0x4: {  	s3 =	simm.s32 $0x0;
	s1 =	stileid.u32;
	s4 =	srdreg.scid  }
0x5: {  	s15 =	simm.s32 $0x4E20;
	s19 =	simm.s32 $0x1;
	s20 =	simm.s32 $0x2  }
0x6: {  	s21 =	simm.s32 $0x7E20;
	s22 =	simm.s32 $0x4;
	s23 =	simm.s32 $0x80  }
0x7: {  	s24 =	simm.s32 $0x100;
	[smem:$0x7FF] =	sst s3;
	s5 =	smul.u32 $0x4E2, s1  }
0x8: {  	s6 =	sand.u32 $0x1, s4;
	s4 =	sadd.s32 $0xA400, s0;
	s12 =	smul.u32 $0x2400, s1  }
0x9: {  	s14 =	smul.u32 $0x1200, s1;
	s31 =	sshll.u32 s1, $0x8;
	_ =	strace $0x80000047  }
0xa: {  	s7 =	ssub.s32 $0x2, s6;
	s11 =	sshll.u32 s6, $0x4;
	s13 =	smul.u32 $0x2710, s6  }
0xb: {  	s8 =	sadd.s32 s5, s0;
	s26 =	sshrl.u32 s7, $0x1;
	s0 =	sadd.s32 s11, s0  }
.Ltmp0:
0xc: {  	s30 =	sshrl.u32 s12, $0x2;
	s14 =	sshrl.u32 s14, $0x2;
	(pc) =	sbr.rel .LBB2_1-.Ltmp0, $4  }
0xd: {  	s12 =	sadd.s32 s31, s10;
	s9 =	ssub.s32 s7, s26;
	s28 =	sadd.s32 $0x5400, s8  }
0xe: {  	s6 =	sadd.s32 $0x400, s8;
	s7 =	sadd.s32 $0x200, s0;
	s29 =	sadd.s32 $0x4E20, s13;
	v0 =	vmov s13  }
0xf: {  	s10 =	sadd.s32 s14, s2;
	s11 =	sadd.s32 s11, s12;
	s12 =	simm.s32 $0x3;
	[tilespmem:$0x1FFE0] =	vst v0;
	v63 =	vmov s29  }
0x10: {  	vm0 =	vmmov $0xffff;
	vm1 =	vcmask $0x3F08;
	vm2 =	vmmov $0x1;
	[dreg:$0x4] =	wrdreg s28;
	s8 =	smax.u32 s9, $0x1;
	s9 =	sadd.s32 s30, s2;
	[tilespmem:$0x1FFF0] =	vst v63  }
.LBB2_11:
0x11: {  	s3 =	sadd.s32 $0x1, s3  }
0x12: {  	p0 =	sne.s32 s3, s8  }
.Ltmp1:
0x13: {  	_ = 	snop;
	(pc) =	sbr.rel @!p0 .LBB2_12-.Ltmp1, $1  }
0x14: {  	_ =	sdelay $0x3  }
.LBB2_1:
0x15: {  	v0 =	vimm.f32 $0.0e+00  }
0x16: {  	[tilespmem:$0x7E20] =	vst v0  }
0x17: {  	[tilespmem:$0x7E30] =	vst v0  }
0x18: {  	[tilespmem:$0x7E40] =	vst v0  }
0x19: {  	[tilespmem:$0x7E50] =	vst v0  }
0x1a: {  	[tilespmem:$0x7E60] =	vst v0  }
0x1b: {  	[tilespmem:$0x7E70] =	vst v0  }
0x1c: {  	[tilespmem:$0x7E80] =	vst v0  }
0x1d: {  	[tilespmem:$0x7E90] =	vst v0  }
0x1e: {  	[tilespmem:$0x7EA0] =	vst v0  }
0x1f: {  	[tilespmem:$0x7EB0] =	vst v0  }
0x20: {  	[tilespmem:$0x7EC0] =	vst v0  }
0x21: {  	[tilespmem:$0x7ED0] =	vst v0  }
0x22: {  	[tilespmem:$0x7EE0] =	vst v0  }
0x23: {  	[tilespmem:$0x7EF0] =	vst v0  }
0x24: {  	[tilespmem:$0x7F00] =	vst v0  }
0x25: {  	[tilespmem:$0x7F10] =	vst v0  }
0x26: {  	[tilespmem:$0x7F20] =	vst v0  }
0x27: {  	[tilespmem:$0x7F30] =	vst v0  }
0x28: {  	[tilespmem:$0x7F40] =	vst v0  }
0x29: {  	[tilespmem:$0x7F50] =	vst v0  }
0x2a: {  	[tilespmem:$0x7F60] =	vst v0  }
0x2b: {  	[tilespmem:$0x7F70] =	vst v0  }
0x2c: {  	[tilespmem:$0x7F80] =	vst v0  }
0x2d: {  	[tilespmem:$0x7F90] =	vst v0  }
0x2e: {  	[tilespmem:$0x7FA0] =	vst v0  }
0x2f: {  	[tilespmem:$0x7FB0] =	vst v0  }
0x30: {  	[tilespmem:$0x7FC0] =	vst v0  }
0x31: {  	[tilespmem:$0x7FD0] =	vst v0  }
0x32: {  	[tilespmem:$0x7FE0] =	vst v0  }
0x33: {  	[tilespmem:$0x7FF0] =	vst v0  }
0x34: {  	[tilespmem:$0x8000] =	vst v0  }
0x35: {  	[tilespmem:$0x8010] =	vst v0  }
0x36: {  	[tilespmem:$0x8020] =	vst v0  }
0x37: {  	[tilespmem:$0x8030] =	vst v0  }
0x38: {  	[tilespmem:$0x8040] =	vst v0  }
0x39: {  	[tilespmem:$0x8050] =	vst v0  }
0x3a: {  	[tilespmem:$0x8060] =	vst v0  }
0x3b: {  	[tilespmem:$0x8070] =	vst v0  }
0x3c: {  	[tilespmem:$0x8080] =	vst v0  }
0x3d: {  	[tilespmem:$0x8090] =	vst v0  }
0x3e: {  	[tilespmem:$0x80A0] =	vst v0  }
0x3f: {  	[tilespmem:$0x80B0] =	vst v0  }
0x40: {  	[tilespmem:$0x80C0] =	vst v0  }
0x41: {  	[tilespmem:$0x80D0] =	vst v0  }
0x42: {  	[tilespmem:$0x80E0] =	vst v0  }
0x43: {  	[tilespmem:$0x80F0] =	vst v0  }
0x44: {  	[tilespmem:$0x8100] =	vst v0  }
0x45: {  	[tilespmem:$0x8110] =	vst v0  }
0x46: {  	[tilespmem:$0x8120] =	vst v0  }
0x47: {  	[tilespmem:$0x8130] =	vst v0  }
0x48: {  	[tilespmem:$0x8140] =	vst v0  }
0x49: {  	[tilespmem:$0x8150] =	vst v0  }
0x4a: {  	[tilespmem:$0x8160] =	vst v0  }
0x4b: {  	[tilespmem:$0x8170] =	vst v0  }
0x4c: {  	[tilespmem:$0x8180] =	vst v0  }
0x4d: {  	[tilespmem:$0x8190] =	vst v0  }
0x4e: {  	[tilespmem:$0x81A0] =	vst v0  }
0x4f: {  	[tilespmem:$0x81B0] =	vst v0  }
0x50: {  	[tilespmem:$0x81C0] =	vst v0  }
0x51: {  	[tilespmem:$0x81D0] =	vst v0  }
0x52: {  	[tilespmem:$0x81E0] =	vst v0  }
0x53: {  	[tilespmem:$0x81F0] =	vst v0  }
0x54: {  	[tilespmem:$0x8200] =	vst v0  }
0x55: {  	[tilespmem:$0x8210] =	vst v0  }
0x56: {  	[tilespmem:$0x8220] =	vst v0  }
0x57: {  	[tilespmem:$0x8230] =	vst v0  }
0x58: {  	[tilespmem:$0x8240] =	vst v0  }
0x59: {  	[tilespmem:$0x8250] =	vst v0  }
0x5a: {  	[tilespmem:$0x8260] =	vst v0  }
0x5b: {  	[tilespmem:$0x8270] =	vst v0  }
0x5c: {  	[tilespmem:$0x8280] =	vst v0  }
0x5d: {  	[tilespmem:$0x8290] =	vst v0  }
0x5e: {  	[tilespmem:$0x82A0] =	vst v0  }
0x5f: {  	[tilespmem:$0x82B0] =	vst v0  }
0x60: {  	[tilespmem:$0x82C0] =	vst v0  }
0x61: {  	[tilespmem:$0x82D0] =	vst v0  }
0x62: {  	[tilespmem:$0x82E0] =	vst v0  }
0x63: {  	[tilespmem:$0x82F0] =	vst v0  }
0x64: {  	[tilespmem:$0x8300] =	vst v0  }
0x65: {  	[tilespmem:$0x8310] =	vst v0  }
0x66: {  	[tilespmem:$0x8320] =	vst v0  }
0x67: {  	[tilespmem:$0x8330] =	vst v0  }
0x68: {  	[tilespmem:$0x8340] =	vst v0  }
0x69: {  	[tilespmem:$0x8350] =	vst v0  }
0x6a: {  	[tilespmem:$0x8360] =	vst v0  }
0x6b: {  	[tilespmem:$0x8370] =	vst v0  }
0x6c: {  	[tilespmem:$0x8380] =	vst v0  }
0x6d: {  	[tilespmem:$0x8390] =	vst v0  }
0x6e: {  	[tilespmem:$0x83A0] =	vst v0  }
0x6f: {  	[tilespmem:$0x83B0] =	vst v0  }
0x70: {  	[tilespmem:$0x83C0] =	vst v0  }
0x71: {  	[tilespmem:$0x83D0] =	vst v0  }
0x72: {  	[tilespmem:$0x83E0] =	vst v0  }
0x73: {  	[tilespmem:$0x83F0] =	vst v0  }
0x74: {  	[tilespmem:$0x8400] =	vst v0  }
0x75: {  	[tilespmem:$0x8410] =	vst v0  }
0x76: {  	[tilespmem:$0x8420] =	vst v0  }
0x77: {  	[tilespmem:$0x8430] =	vst v0  }
0x78: {  	[tilespmem:$0x8440] =	vst v0  }
0x79: {  	[tilespmem:$0x8450] =	vst v0  }
0x7a: {  	[tilespmem:$0x8460] =	vst v0  }
0x7b: {  	[tilespmem:$0x8470] =	vst v0  }
0x7c: {  	[tilespmem:$0x8480] =	vst v0  }
0x7d: {  	[tilespmem:$0x8490] =	vst v0  }
0x7e: {  	[tilespmem:$0x84A0] =	vst v0  }
0x7f: {  	[tilespmem:$0x84B0] =	vst v0  }
0x80: {  	[tilespmem:$0x84C0] =	vst v0  }
0x81: {  	[tilespmem:$0x84D0] =	vst v0  }
0x82: {  	[tilespmem:$0x84E0] =	vst v0  }
0x83: {  	[tilespmem:$0x84F0] =	vst v0  }
0x84: {  	[tilespmem:$0x8500] =	vst v0  }
0x85: {  	[tilespmem:$0x8510] =	vst v0  }
0x86: {  	[tilespmem:$0x8520] =	vst v0  }
0x87: {  	[tilespmem:$0x8530] =	vst v0  }
0x88: {  	[tilespmem:$0x8540] =	vst v0  }
0x89: {  	[tilespmem:$0x8550] =	vst v0  }
0x8a: {  	[tilespmem:$0x8560] =	vst v0  }
0x8b: {  	[tilespmem:$0x8570] =	vst v0  }
0x8c: {  	[tilespmem:$0x8580] =	vst v0  }
0x8d: {  	[tilespmem:$0x8590] =	vst v0  }
0x8e: {  	[tilespmem:$0x85A0] =	vst v0  }
0x8f: {  	[tilespmem:$0x85B0] =	vst v0  }
0x90: {  	[tilespmem:$0x85C0] =	vst v0  }
0x91: {  	[tilespmem:$0x85D0] =	vst v0  }
0x92: {  	[tilespmem:$0x85E0] =	vst v0  }
0x93: {  	[tilespmem:$0x85F0] =	vst v0  }
0x94: {  	[tilespmem:$0x8600] =	vst v0  }
0x95: {  	[tilespmem:$0x8610] =	vst v0  }
0x96: {  	[tilespmem:$0x8620] =	vst v0  }
0x97: {  	[tilespmem:$0x8630] =	vst v0  }
0x98: {  	[tilespmem:$0x8640] =	vst v0  }
0x99: {  	[tilespmem:$0x8650] =	vst v0  }
0x9a: {  	[tilespmem:$0x8660] =	vst v0  }
0x9b: {  	[tilespmem:$0x8670] =	vst v0  }
0x9c: {  	[tilespmem:$0x8680] =	vst v0  }
0x9d: {  	[tilespmem:$0x8690] =	vst v0  }
0x9e: {  	[tilespmem:$0x86A0] =	vst v0  }
0x9f: {  	[tilespmem:$0x86B0] =	vst v0  }
0xa0: {  	[tilespmem:$0x86C0] =	vst v0  }
0xa1: {  	[tilespmem:$0x86D0] =	vst v0  }
0xa2: {  	[tilespmem:$0x86E0] =	vst v0  }
0xa3: {  	s0 =	sadd.s32 $0x0, s1;
	[tilespmem:$0x86F0] =	vst v0  }
0xa4: {  	[tilespmem:$0x8700] =	vst v0;
	p0 =	sgt.u32 s0, $0x270  }
0xa5: {  	[tilespmem:$0x8710] =	vst v0;
	s0 =	simm.s32 @!p0 $0x7E20;
	s16 =	simm.s32 @!p0 $0x3  }
0xa6: {  	[spmem:s9] =	stream.linear.scatter @!p0 [tilespmem:s0], [sflag:$0x3], $0x900, $0x38;
	[tilespmem:$0x1F930] =	vst v63  }
0xa7: {  	s13 =	simm.s32 $0x10;
	_ =	swait.ge @!p0 [sflag:s16], $0x900  }
0xa8: {  	s14 =	simm.s32 $0x20;
	s0 =	sadd.s32 $0x9000, s9;
	[sflag:s16] =	ssyncset.done @!p0 $0x0  }
.LBB2_2:
0xa9: {  	s17 =	sadd.s32 s13, s1;
	s13 =	smov.u32 s14;
	s14 =	sadd.s32 $0x10, s14  }
0xaa: {  	[sflag:s16] =	ssyncadd.s32 @!p0 $0xFFFFF700;
	p1 =	sne.s32 s14, $0x280  }
.Ltmp2:
0xab: {  	p0 =	sgt.u32 s17, $0x270;
	(pc) =	sbr.rel @p1 .LBB2_2-.Ltmp2, $4  }
0xac: {  	s17 =	simm.s32 @!p0 $0x7E20;
	s16 =	simm.s32 @!p0 $0x3  }
0xad: {  	[spmem:s0] =	stream.linear.scatter @!p0 [tilespmem:s17], [sflag:$0x3], $0x900, $0x38;
	[tilespmem:$0x1F930] =	vst v63  }
0xae: {  	_ =	swait.ge @!p0 [sflag:s16], $0x900  }
0xaf: {  	s0 =	sadd.s32 $0x9000, s0;
	[sflag:s16] =	ssyncset.done @!p0 $0x0  }
0xb0: {  	s13 =	sadd.s32 s13, s1  }
0xb1: {  	p1 =	sgt.u32 s13, $0x270  }
0xb2: {  	[sflag:s16] =	ssyncadd.s32 @!p0 $0xFFFFF700;
	s13 =	simm.s32 @!p1 $0x7E20;
	s14 =	simm.s32 @!p1 $0x3  }
0xb3: {  	[spmem:s0] =	stream.linear.scatter @!p1 [tilespmem:s13], [sflag:$0x3], $0x900, $0x38;
	[tilespmem:$0x1F930] =	vst v63  }
0xb4: {  	_ =	swait.ge @!p1 [sflag:s14], $0x900  }
0xb5: {  	[sflag:s14] =	ssyncset.done @!p1 $0x0  }
0xb6: {  	s25 =	simm.s32 $0x0;
	s18 =	rddreg [dreg:$0x4];
	[sflag:s14] =	ssyncadd.s32 @!p1 $0xFFFFF700  }
0xb7: {  	[tilespmem:s25], [sflag:$0x3] =	stream.linear.gather [hbm4b:s18+s25], $0x2710, $0x38;
	[tilespmem:$0x1F930] =	vst v63  }
0xb8: {  	_ =	swait.ge [sflag:s12], $0x2710  }
0xb9: {  	[sflag:s12] =	ssyncset.done $0x0  }
0xba: {  	s26 =	simm.s32 $0x2710;
	[sflag:s12] =	ssyncadd.s32 $0xFFFFD8F0  }
0xbb: {  	[tilespmem:s26], [sflag:$0x3] =	stream.linear.gather [hbm4b:s6+s25], $0x2710, $0x38;
	[tilespmem:$0x1F930] =	vst v63  }
0xbc: {  	_ =	swait.ge [sflag:s12], $0x2710  }
0xbd: {  	[sflag:s12] =	ssyncset.done $0x0  }
0xbe: {  	s28 =	simm.s32 $0x9920;
	[sflag:s12] =	ssyncadd.s32 $0xFFFFD8F0  }
0xbf: {  	[tilespmem:s28], [sflag:$0x3] =	stream.linear.gather [hbm4b:s7+s25], $0x80, $0x38;
	[tilespmem:$0x1F930] =	vst v63  }
0xc0: {  	_ =	swait.ge [sflag:s12], $0x80  }
0xc1: {  	[sflag:s12] =	ssyncset.done $0x0  }
0xc2: {  	[sflag:s12] =	ssyncadd.s32 $0xFFFFFF80  }
0xc3: {  	v5 =	vld [tilespmem:$0x9920]  }
0xc4: {  	v6 =	vld [tilespmem:$0x9930]  }
0xc5: {  	v7 =	vld [tilespmem:$0x9940]  }
0xc6: {  	v8 =	vld [tilespmem:$0x9950]  }
0xc7: {  	v34 =	vld [tilespmem:$0x9960]  }
0xc8: {  	v9 =	vld [tilespmem:$0x9970]  }
0xc9: {  	v10 =	vld [tilespmem:$0x9980]  }
0xca: {  	v36 =	vld [tilespmem:$0x9990];
	[bflag:$0x0] =	sbarrier.arrive $0xFFFF  }
0xcb: {  	v11 =	vld [tilespmem:$0x0]  }
0xcc: {  	v0 =	vld [tilespmem:$0x1FFE0]  }
0xcd: {  	v12 =	vld [tilespmem:$0x2710]  }
0xce: {  	v1 =	vld [tilespmem:$0x1FFF0];
	_ =	sdelay $0x2  }
0xcf: {  	v11 =	vadd.s32 v0, v11;
	_ =	sdelay $0x1  }
0xd0: {  	v12 =	vadd.s32 v1, v12;
	_ =	sdelay $0x2  }
0xd1: {  	[tilespmem:s15], [sflag:$0x1] =	stream.indirect_vreg.gather [hbm4b:s4+s25], $0x80, v11, vm0, $0xb8;
	[tilespmem:$0x1F930] =	vst v63  }
0xd2: {  	s29 =	simm.s32 $0x6620  }
0xd3: {  	[tilespmem:s29], [sflag:$0x1] =	stream.indirect_vreg.gather [hbm4b:s4+s25], $0x80, v12, vm0, $0xb8;
	[tilespmem:$0x1F930] =	vst v63  }
0xd4: {  	v11 =	vld [tilespmem:$0x10];
	_ =	sdelay $0x1  }
0xd5: {  	v12 =	vld [tilespmem:$0x2720];
	_ =	sdelay $0x2  }
0xd6: {  	v11 =	vadd.s32 v0, v11;
	_ =	sdelay $0x1  }
0xd7: {  	v12 =	vadd.s32 v1, v12;
	_ =	sdelay $0x1  }
0xd8: {  	s30 =	simm.s32 $0x5620  }
0xd9: {  	[tilespmem:s30], [sflag:$0x1] =	stream.indirect_vreg.gather [hbm4b:s4+s25], $0x80, v11, vm0, $0xb8;
	[tilespmem:$0x1F930] =	vst v63  }
0xda: {  	s31 =	simm.s32 $0x6E20  }
0xdb: {  	[tilespmem:s31], [sflag:$0x1] =	stream.indirect_vreg.gather [hbm4b:s4+s25], $0x80, v12, vm0, $0xb8;
	[tilespmem:$0x1F930] =	vst v63  }
.LBB2_4:
0xdc: {  	p0 =	sgt.u32 s25, $0x26E  }
0xdd: {  	s0 =	sadd.s32 @!p0 $0x2, s25  }
0xde: {  	v0 =	vld [tilespmem:$0x1FFE0];
	s13 =	sshll.u32 @!p0 s0, $0x4  }
0xdf: {  	v11 =	vld @!p0 [tilespmem:s13+$0x0];
	_ =	sdelay $0x3  }
0xe0: {  	s14 =	smul.u32 @!p0 $0xAAAB, s0;
	v12 =	vld @!p0 [tilespmem:s13+$0x2710]  }
0xe1: {  	v11 =	vadd.s32 @!p0 v0, v11;
	v0 =	vld [tilespmem:$0x1FFF0]  }
0xe2: {  	s13 =	sshrl.u32 @!p0 s14, $0x11  }
0xe3: {  	s13 =	smul.u32 @!p0 $0x3, s13;
	_ =	sdelay $0x1  }
0xe4: {  	s0 =	ssub.s32 @!p0 s0, s13  }
0xe5: {  	s0 =	sshll.u32 @!p0 s0, $0xB;
	v12 =	vadd.s32 @!p0 v0, v12  }
0xe6: {  	s0 =	sand.u32 @!p0 $0xF800, s0  }
0xe7: {  	s26 =	smul.u32 $0xAAAB, s25;
	vm3 =	vmmov @!p0 $0xffff;
	s14 =	simm.s32 @!p0 $0x0;
	s13 =	sadd.s32 @!p0 $0x4E20, s0  }
0xe8: {  	[tilespmem:s13], [sflag:$0x1] =	stream.indirect_vreg.gather @!p0 [hbm4b:s4+s14], $0x80, v11, vm3, $0xb8;
	[tilespmem:$0x1F930] =	vst v63  }
0xe9: {  	s30 =	sshrl.u32 s26, $0x11;
	s0 =	sor.u32 @!p0 $0x6620, s0  }
0xea: {  	[tilespmem:s0], [sflag:$0x1] =	stream.indirect_vreg.gather @!p0 [hbm4b:s4+s14], $0x80, v12, vm3, $0xb8;
	[tilespmem:$0x1F930] =	vst v63  }
0xeb: {  	s0 =	smul.u32 $0x3, s30;
	_ =	swait.ge [sflag:s19], $0x800  }
0xec: {  	[sflag:s19] =	ssyncset.done $0x0  }
0xed: {  	s0 =	ssub.s32 s25, s0;
	[sflag:s19] =	ssyncadd.s32 $0xFFFFF800  }
0xee: {  	s0 =	sand.u32 $0xFFFF, s0;
	_ =	swait.ge [sflag:s19], $0x800  }
0xef: {  	p0 =	slt.u32 s25, $0x3;
	s31 =	smul.u32 $0x2400, s0;
	[sflag:s19] =	ssyncset.done $0x0  }
0xf0: {  	s13 =	simm.s32 @!p0 $0x2;
	[sflag:s19] =	ssyncadd.s32 $0xFFFFF800  }
0xf1: {  	s14 =	sshrl.u32 s31, $0x2;
	_ =	swait.ge @!p0 [sflag:s13], $0x900  }
0xf2: {  	s29 =	simm.s32 $0x0;
	s26 =	sadd.s32 $0x7E20, s14;
	[sflag:s13] =	ssyncset.done @!p0 $0x0  }
0xf3: {  	s28 =	sshll.u32 s0, $0xB;
	v11 =	vmov s26;
	[sflag:s13] =	ssyncadd.s32 @!p0 $0xFFFFF700;
	p0 =	por $0x1, $0x1  }
.LBB2_5:
0xf4: {  	s0 =	sshll.u32 s29, $0x7  }
0xf5: {  	s0 =	sor.u32 s28, s0  }
0xf6: {  	v14 =	vld [tilespmem:s0+$0x4E20]  }
0xf7: {  	v12 =	vld [tilespmem:s0+$0x4E30]  }
0xf8: {  	v22 =	vld [tilespmem:s0+$0x4E40]  }
0xf9: {  	v15 =	vld [tilespmem:s0+$0x4E50]  }
0xfa: {  	v16 =	vld [tilespmem:s0+$0x4E60]  }
0xfb: {  	v21 =	vld [tilespmem:s0+$0x4E70]  }
0xfc: {  	v18 =	vld [tilespmem:s0+$0x4E80]  }
0xfd: {  	v13 =	vld [tilespmem:s0+$0x6620]  }
0xfe: {  	v17 =	vld [tilespmem:s0+$0x6630]  }
0xff: {  	v20 =	vld [tilespmem:s0+$0x4E90]  }
0x100: {  	v19 =	vld [tilespmem:s0+$0x6640]  }
0x101: {  	v24 =	vld [tilespmem:s0+$0x6650]  }
0x102: {  	v25 =	vld [tilespmem:s0+$0x6660]  }
0x103: {  	s31 =	sor.u32 $0x1, s29;
	v26 =	vld [tilespmem:s0+$0x6670]  }
0x104: {  	s13 =	sshll.u32 s31, $0x7;
	v27 =	vld [tilespmem:s0+$0x6680]  }
0x105: {  	v29 =	vld [tilespmem:s0+$0x6690];
	s13 =	sor.u32 s28, s13  }
0x106: {  	v37 =	vld [tilespmem:s13+$0x4E30]  }
0x107: {  	v46 =	vld [tilespmem:s13+$0x4E40]  }
0x108: {  	v0 =	vld [tilespmem:s13+$0x4E50]  }
0x109: {  	v1 =	vld [tilespmem:s13+$0x4E60]  }
0x10a: {  	v42 =	vld [tilespmem:s13+$0x6630];
	v13 =	vadd.f32 v13, v14  }
0x10b: {  	v43 =	vld [tilespmem:s13+$0x6640];
	v17 =	vadd.f32 v17, v12;
	v19 =	vadd.f32 v19, v22  }
0x10c: {  	v44 =	vld [tilespmem:s13+$0x6650];
	v24 =	vadd.f32 v24, v15;
	v25 =	vadd.f32 v25, v16  }
0x10d: {  	s0 =	sor.u32 $0x2, s29;
	v33 =	vld [tilespmem:s13+$0x6620];
	v26 =	vadd.f32 v26, v21;
	v27 =	vadd.f32 v27, v18  }
0x10e: {  	v38 =	vld [tilespmem:s13+$0x6660];
	s14 =	sshll.u32 s0, $0x7;
	v29 =	vadd.f32 v29, v20;
	v23 =	vmul.f32 $2.000000030e-01, v13;
	v28 =	vmul.f32 $2.000000030e-01, v17  }
0x10f: {  	v39 =	vld [tilespmem:s13+$0x6670];
	s14 =	sor.u32 s28, s14;
	v50 =	vadd.f32 v42, v37;
	v35 =	vmul.f32 $2.000000030e-01, v19;
	v30 =	vmul.f32 $2.000000030e-01, v24  }
0x110: {  	v4 =	vld [tilespmem:s14+$0x4E70];
	v52 =	vadd.f32 v43, v46;
	v31 =	vmul.f32 $2.000000030e-01, v25;
	v40 =	vmul.f32 $2.000000030e-01, v26  }
0x111: {  	v60 =	vld [tilespmem:s14+$0x6620];
	v53 =	vadd.f32 v44, v0;
	v41 =	vmul.f32 $2.000000030e-01, v27;
	v32 =	vmul.f32 $2.000000030e-01, v29  }
0x112: {  	v44 =	vld [tilespmem:s14+$0x6640];
	v54 =	vmul.f32 $2.000000030e-01, v50;
	v13 =	vmax.f32 v13, v23;
	v17 =	vmax.f32 v17, v28  }
0x113: {  	v23 =	vld [tilespmem:s13+$0x4E20];
	v19 =	vmax.f32 v19, v35;
	v24 =	vmax.f32 v24, v30;
	v25 =	vmax.f32 v25, v31  }
0x114: {  	v28 =	vld [tilespmem:s13+$0x4E70];
	v26 =	vmax.f32 v26, v40;
	v13 =	vmul.f32 v13, v5;
	v17 =	vmul.f32 v17, v6  }
0x115: {  	v27 =	vmax.f32 v27, v41;
	v40 =	vld [tilespmem:s13+$0x6680];
	v19 =	vmul.f32 v19, v7;
	v24 =	vmul.f32 v24, v8  }
0x116: {  	v29 =	vmax.f32 v29, v32;
	v41 =	vld [tilespmem:s13+$0x6690];
	v25 =	vmul.f32 v25, v34;
	v26 =	vmul.f32 v26, v9  }
0x117: {  	v59 =	vadd.f32 v38, v1;
	v35 =	vld [tilespmem:s14+$0x4E20];
	v27 =	vmul.f32 v27, v10;
	v29 =	vmul.f32 v29, v36  }
0x118: {  	v56 =	vmul.f32 $2.000000030e-01, v53;
	v31 =	vld [tilespmem:s14+$0x4E40];
	v13 =	vadd.f32 v17, v13;
	v45 =	vadd.f32 v24, v19  }
0x119: {  	v55 =	vmul.f32 $2.000000030e-01, v52;
	v24 =	vld [tilespmem:s13+$0x4E80];
	v47 =	vadd.f32 v26, v25;
	v48 =	vadd.f32 v29, v27  }
0x11a: {  	v43 =	vmul.f32 $2.000000030e-01, v59;
	v57 =	vmax.f32 v53, v56;
	v25 =	vld [tilespmem:s13+$0x4E90];
	v13 =	vadd.f32 v45, v13  }
0x11b: {  	v62 =	vld [tilespmem:s14+$0x6660];
	v17 =	vmax.f32 v52, v55;
	v49 =	vadd.f32 v33, v23;
	v19 =	vadd.f32 v48, v47  }
0x11c: {  	v32 =	vld [tilespmem:s14+$0x4E50];
	v26 =	vmul.f32 v57, v8;
	v39 =	vadd.f32 v39, v28;
	v2 =	vadd.f32 v60, v35  }
0x11d: {  	v17 =	vmul.f32 v17, v7;
	v33 =	vld [tilespmem:s14+$0x4E60];
	v52 =	vadd.f32 v44, v31;
	(xrf2) =	vadd.scan.msk.f32 $0xffff, v13;
	v51 =	vmul.f32 $2.000000030e-01, v49  }
0x11e: {  	v30 =	vld [tilespmem:s14+$0x4E80];
	v45 =	vmul.f32 $2.000000030e-01, v39;
	v56 =	vmul.f32 $2.000000030e-01, v2;
	(xrf2) =	vadd.scan.msk.f32 $0xffff, v19;
	v19 =	vmax.f32 v50, v54  }
0x11f: {  	v47 =	vld [tilespmem:s14+$0x6650];
	v40 =	vadd.f32 v40, v24;
	v41 =	vadd.f32 v41, v25;
	v13 =	vmax.f32 v49, v51  }
0x120: {  	v17 =	vadd.f32 v26, v17;
	v19 =	vmul.f32 v19, v6;
	v49 =	vld [tilespmem:s14+$0x6670];
	v13 =	vmul.f32 v13, v5  }
0x121: {  	v39 =	vmax.f32 v39, v45;
	v51 =	vld [tilespmem:s14+$0x6680];
	v63 =	vmul.f32 $2.000000030e-01, v40;
	v48 =	vmul.f32 $2.000000030e-01, v41  }
0x122: {  	s30 =	sor.u32 $0x3, s29;
	v61 =	vld [tilespmem:s14+$0x6630];
	[tilespmem:$0x1FF70] =	vst v0;
	v50 =	vmul.f32 v39, v9;
	v54 =	vadd.f32 v62, v33;
	v13 =	vadd.f32 v19, v13  }
0x123: {  	s16 =	sshll.u32 s30, $0x7;
	[tilespmem:$0x1FF80] =	vst v1;
	v27 =	vld [tilespmem:s14+$0x4E30];
	v19 =	vmax.f32 v59, v43;
	v0 =	vmax.f32 v40, v63;
	v1 =	vmax.f32 v41, v48  }
0x124: {  	s17 =	sor.u32 s28, s16;
	v59 =	vmul.f32 $2.000000030e-01, v52;
	v19 =	vmul.f32 v19, v34;
	v13 =	vadd.f32 v17, v13  }
0x125: {  	v38 =	vld [tilespmem:s17+$0x4E30];
	v47 =	vadd.f32 v47, v32;
	v55 =	vmul.f32 v0, v10;
	v40 =	vmul.f32 v1, v36  }
0x126: {  	v29 =	vld [tilespmem:s14+$0x6690];
	v60 =	vmul.f32 $2.000000030e-01, v54;
	v49 =	vadd.f32 v49, v4;
	v51 =	vadd.f32 v51, v30;
	(xrf2) =	vadd.scan.msk.f32 $0xffff, v13  }
0x127: {  	v44 =	vld [tilespmem:s17+$0x4E80];
	v19 =	vadd.f32 v50, v19;
	v48 =	vadd.f32 v40, v55;
	v50 =	vmax.f32 v52, v59  }
0x128: {  	v26 =	vld [tilespmem:s14+$0x4E90];
	v55 =	vmul.f32 $2.000000030e-01, v47;
	v13 =	vadd.f32 v61, v27;
	v50 =	vmul.f32 v50, v7;
	v58, _, _ =	vpop (xrf2)  }
0x129: {  	v39 =	vld [tilespmem:s17+$0x4E20];
	v61 =	vmul.f32 $2.000000030e-01, v49;
	v17 =	vmul.f32 $1.442695020e+00, v58  }
0x12a: {  	v41 =	vld [tilespmem:s17+$0x4E50];
	v52 =	vmax.f32 v54, v60;
	v62 =	vmul.f32 $2.000000030e-01, v51;
	v58 =	vmul.f32 $2.000000030e-01, v13  }
0x12b: {  	v63 =	vld [tilespmem:s17+$0x6640];
	v52 =	vmul.f32 v52, v34;
	v42, _, _ =	vpop (xrf2);
	v17 =	vbroadcast v17, $0xF  }
0x12c: {  	v1 =	vld [tilespmem:s17+$0x6680];
	v47 =	vmax.f32 v47, v55;
	v42 =	vmul.f32 $1.442695020e+00, v42;
	v13 =	vmax.f32 v13, v58  }
0x12d: {  	v58 =	vadd.f32 v29, v26;
	(erf) = vpow2.f32 v17;
	v17 =	vmax.f32 v2, v56;
	v56 =	vld [tilespmem:s17+$0x6620]  }
0x12e: {  	v40 =	vld [tilespmem:s17+$0x4E60];
	v19 =	vadd.f32 v48, v19;
	v47 =	vmul.f32 v47, v8;
	v42 =	vbroadcast v42, $0xF  }
0x12f: {  	v59 =	vld [tilespmem:s17+$0x6650];
	v49 =	vmax.f32 v49, v61;
	v13 =	vmul.f32 v13, v6;
	v2 =	vmul.f32 $2.000000030e-01, v58  }
0x130: {  	v51 =	vmax.f32 v51, v62;
	(erf) = vpow2.f32 v42;
	v42 =	vld [tilespmem:s17+$0x4E40];
	v17 =	vmul.f32 v17, v5;
	v57, _, _ =	vpop (xrf2)  }
0x131: {  	v1 =	vadd.f32 v1, v44;
	v49 =	vmul.f32 v49, v9;
	v53 =	vmul.f32 $1.442695020e+00, v57;
	v57 =	vld [tilespmem:s17+$0x6630]  }
0x132: {  	v54 =	vmax.f32 v58, v2;
	v13 =	vadd.f32 v13, v17;
	v17 =	vadd.f32 v56, v39;
	v56 =	vld [tilespmem:s17+$0x6660]  }
0x133: {  	v51 =	vmul.f32 v51, v10;
	v47 =	vadd.f32 v47, v50;
	v29 =	vmul.f32 v54, v36  }
0x134: {  	v45 =	vld [tilespmem:s17+$0x4E90];
	v61 =	vadd.f32 v59, v41;
	v49 =	vadd.f32 v49, v52  }
0x135: {  	v43 =	vld [tilespmem:s17+$0x4E70];
	v13 =	vadd.f32 v47, v13;
	v48 =	vadd.f32 v29, v51  }
0x136: {  	v60 =	vld [tilespmem:s17+$0x6690];
	v55 =	vadd.f32 v63, v42;
	v63 =	vmul.f32 $2.000000030e-01, v61;
	v50 =	vadd.f32 v57, v38  }
0x137: {  	v0 =	vmul.f32 $2.000000030e-01, v17;
	v53 =	vbroadcast v53, $0xF;
	v57 =	vld [tilespmem:s17+$0x6670];
	v62 =	vadd.f32 v56, v40  }
0x138: {  	v29 =	vmul.f32 $2.000000030e-01, v55;
	v51 =	vmax.f32 v61, v63;
	v2 =	vmul.f32 $2.000000030e-01, v50  }
0x139: {  	v17 =	vmax.f32 v17, v0;
	(erf) = vpow2.f32 v53;
	v56 =	vmul.f32 $2.000000030e-01, v62  }
0x13a: {  	v17 =	vmul.f32 v17, v5;
	v47 =	vmax.f32 v50, v2;
	v50 =	vmax.f32 v55, v29  }
0x13b: {  	v2 =	vadd.f32 v60, v45;
	v52 =	vmax.f32 v62, v56;
	v62 =	vmul.f32 v51, v8  }
0x13c: {  	(xrf2) =	vadd.scan.msk.f32 $0xffff, v19;
	v47 =	vmul.f32 v47, v6;
	v0 =	vadd.f32 v57, v43;
	v50 =	vmul.f32 v50, v7  }
0x13d: {  	s13 =	sor.u32 $0x4, s29;
	v48 =	vadd.f32 v48, v49;
	v60 =	vmul.f32 $2.000000030e-01, v1;
	v61 =	vmul.f32 $2.000000030e-01, v2  }
0x13e: {  	s18 =	sshll.u32 s13, $0x7;
	v29 =	vmul.f32 $2.000000030e-01, v0;
	v58 =	vadd.f32 v47, v17;
	v59 =	vadd.f32 v62, v50  }
0x13f: {  	s16 =	sor.u32 s28, s18;
	(xrf2) =	vadd.scan.msk.f32 $0xffff, v13;
	v63 =	vmul.f32 v52, v34;
	v1 =	vmax.f32 v1, v60;
	v2 =	vmax.f32 v2, v61  }
0x140: {  	v3 =	vld [tilespmem:s16+$0x4E60];
	(xrf2) =	vadd.scan.msk.f32 $0xffff, v48;
	v0 =	vmax.f32 v0, v29;
	v29 =	vmul.f32 v1, v10;
	v13 =	vadd.f32 v59, v58  }
0x141: {  	v19 =	vld [tilespmem:s16+$0x4E20];
	v57 =	vmul.f32 v2, v36;
	v52 =	vmul.f32 v0, v9  }
0x142: {  	v17 =	vld [tilespmem:s16+$0x4E30];
	v47 =	vpop (erf);
	(xrf2) =	vadd.scan.msk.f32 $0xffff, v13  }
0x143: {  	v53 =	vmul.f32 v47, v12;
	v12 =	vld [tilespmem:s16+$0x4E70];
	v61 =	vadd.f32 v57, v29;
	v60 =	vadd.f32 v52, v63  }
0x144: {  	v51 =	vpop (erf);
	v55 =	vmul.f32 v47, v15;
	v15 =	vld [tilespmem:s16+$0x4E80]  }
0x145: {  	v54 =	vmul.f32 v47, v22;
	v56 =	vmul.f32 v51, v16;
	v29 =	vld [tilespmem:s16+$0x6620];
	v62 =	vadd.f32 v61, v60  }
0x146: {  	v57 =	vmul.f32 v51, v21;
	v52 =	vmul.f32 v47, v14;
	v14 =	vld [tilespmem:s16+$0x4E50];
	v63, _, _ =	vpop (xrf2)  }
0x147: {  	v58 =	vmul.f32 v51, v18;
	v48 =	vpop (erf);
	v2 =	vmul.f32 $1.442695020e+00, v63;
	v61 =	vld [tilespmem:s16+$0x6650];
	(xrf2) =	vadd.scan.msk.f32 $0xffff, v62  }
0x148: {  	v21 =	vld [tilespmem:s16+$0x6630];
	v50 =	vmul.f32 v48, v23;
	v49 =	vmul.f32 v48, v37  }
0x149: {  	s17 =	smul.u32 $0x240, s29;
	v46 =	vmul.f32 v48, v46;
	v16, _, _ =	vpop (xrf2);
	v22 =	vbroadcast v2, $0xF;
	v62 =	vld [tilespmem:s16+$0x6660]  }
0x14a: {  	v60 =	vmul.f32 v51, v20;
	v0 =	vmul.f32 $1.442695020e+00, v16;
	v1, _, _ =	vpop (xrf2);
	v59 =	vadd.f32 v29, v19  }
0x14b: {  	[tilespmem:$0x1FFB0] =	vst v3;
	s17 =	sshra.s32 s17, $0x2;
	v13 =	vld [tilespmem:s16+$0x4E40];
	(erf) = vpow2.f32 v22;
	v22 =	vmul.f32 $1.442695020e+00, v1  }
0x14c: {  	v63 =	vld [tilespmem:s16+$0x6670];
	[tilespmem:v11+s17+$0x0 ss:$0x1] =	vst.idx.msk $0xffff, v52;
	v20 =	vbroadcast v0, $0xF;
	v29 =	vmul.f32 $2.000000030e-01, v59;
	v61 =	vadd.f32 v61, v14;
	v2, _, _ =	vpop (xrf2)  }
0x14d: {  	v23 =	vld [tilespmem:s16+$0x6640];
	[tilespmem:$0x1FFC0] =	vst v12;
	v21 =	vadd.f32 v21, v17;
	v22 =	vbroadcast v22, $0xF;
	v37 =	vmul.f32 $1.442695020e+00, v2  }
0x14e: {  	[tilespmem:$0x1FFD0] =	vst v15;
	v1 =	vld [tilespmem:s16+$0x6680];
	(erf) = vpow2.f32 v20;
	v62 =	vadd.f32 v62, v3;
	v52 =	vmul.f32 $2.000000030e-01, v61  }
0x14f: {  	s14 =	sor.u32 $0x5, s29;
	v18 =	vld [tilespmem:s16+$0x4E90];
	[tilespmem:v11+s17+$0x10 ss:$0x1] =	vst.idx.msk $0xffff, v53;
	v0 =	vmax.f32 v59, v29;
	(erf) = vpow2.f32 v22;
	v37 =	vbroadcast v37, $0xF  }
0x150: {  	s5 =	sshll.u32 s14, $0x7;
	[tilespmem:$0x1FF90] =	vst v13;
	v0 =	vmul.f32 v0, v5;
	v2 =	vld [tilespmem:s16+$0x6690];
	v3 =	vmul.f32 $2.000000030e-01, v62;
	v52 =	vmax.f32 v61, v52  }
0x151: {  	s18 =	sor.u32 s28, s5;
	[tilespmem:v11+s17+$0x20 ss:$0x1] =	vst.idx.msk $0xffff, v54;
	v63 =	vadd.f32 v63, v12;
	v52 =	vmul.f32 v52, v8;
	v16, _, _ =	vpop (xrf2);
	(erf) = vpow2.f32 v37  }
0x152: {  	[tilespmem:v11+s17+$0x30 ss:$0x1] =	vst.idx.msk $0xffff, v55;
	v12 =	vmovc v10;
	v61 =	vld [tilespmem:s18+$0x6630];
	v37 =	vadd.f32 v23, v13;
	v20 =	vmul.f32 $1.442695020e+00, v16;
	v16 =	vmul.f32 $2.000000030e-01, v21  }
0x153: {  	v10 =	vmovc v9;
	v9 =	vmovc v34;
	v3 =	vmax.f32 v62, v3;
	v23 =	vadd.f32 v1, v15;
	v15 =	vld [tilespmem:s18+$0x4E50];
	v13 =	vmul.f32 $2.000000030e-01, v63  }
0x154: {  	[tilespmem:v11+s17+$0x40 ss:$0x1] =	vst.idx.msk $0xffff, v56;
	v62 =	vpop (erf);
	v3 =	vmul.f32 v3, v9;
	v29 =	vmul.f32 $2.000000030e-01, v37;
	v59 =	vmax.f32 v21, v16;
	v21 =	vld [tilespmem:s18+$0x4E30]  }
0x155: {  	[tilespmem:v11+s17+$0x50 ss:$0x1] =	vst.idx.msk $0xffff, v57;
	v34 =	vadd.f32 v2, v18;
	v56 =	vmul.f32 v62, v24;
	v20 =	vbroadcast v20, $0xF;
	v16 =	vld [tilespmem:s18+$0x4E40]  }
0x156: {  	v57 =	vmul.f32 v62, v25;
	v22 =	vmax.f32 v37, v29;
	v37 =	vmax.f32 v63, v13;
	v13 =	vld [tilespmem:s18+$0x6640]  }
0x157: {  	[tilespmem:$0x1FFA0] =	vst v14;
	v55 =	vpop (erf);
	v14 =	vmul.f32 $2.000000030e-01, v23;
	(erf) = vpow2.f32 v20;
	v20 =	vld [tilespmem:s18+$0x4E20]  }
0x158: {  	[tilespmem:v11+s17+$0x60 ss:$0x1] =	vst.idx.msk $0xffff, v58;
	v35 =	vmul.f32 v55, v35;
	v2 =	vmul.f32 $2.000000030e-01, v34;
	v29 =	vmov v36;
	v36 =	vld [tilespmem:s18+$0x6620]  }
0x159: {  	[tilespmem:v11+s17+$0x70 ss:$0x1] =	vst.idx.msk $0xffff, v60;
	v59 =	vmul.f32 v59, v6;
	v63 =	vld [tilespmem:$0x1FF80];
	v22 =	vmul.f32 v22, v7  }
0x15a: {  	v60 =	vmul.f32 v55, v27;
	v23 =	vmax.f32 v23, v14;
	v14 =	vld [tilespmem:s18+$0x6650];
	v37 =	vmul.f32 v37, v10  }
0x15b: {  	v34 =	vmax.f32 v34, v2;
	v0 =	vadd.f32 v59, v0;
	v22 =	vadd.f32 v52, v22  }
0x15c: {  	v58 =	vld [tilespmem:s18+$0x6680];
	v23 =	vmul.f32 v23, v12;
	v52 =	vmul.f32 v62, v28;
	v37 =	vadd.f32 v37, v3  }
0x15d: {  	v59 =	vld [tilespmem:$0x1FF70];
	v34 =	vmul.f32 v34, v29;
	v22 =	vadd.f32 v22, v0;
	v36 =	vadd.f32 v36, v20  }
0x15e: {  	v28 =	vld [tilespmem:s18+$0x4E60];
	v61 =	vadd.f32 v61, v21;
	v63 =	vmul.f32 v62, v63;
	v53 =	vadd.f32 v13, v16  }
0x15f: {  	v54 =	vadd.f32 v14, v15;
	v23 =	vadd.f32 v34, v23;
	v14 =	vld [tilespmem:s18+$0x4E70];
	(xrf2) =	vadd.scan.msk.f32 $0xffff, v22;
	v2 =	vmul.f32 $2.000000030e-01, v36  }
0x160: {  	v13 =	vld [tilespmem:s18+$0x4E80];
	v34 =	vmul.f32 $2.000000030e-01, v61;
	v1 =	vmul.f32 $2.000000030e-01, v53  }
0x161: {  	v23 =	vadd.f32 v23, v37;
	v37 =	vld [tilespmem:s18+$0x4E90];
	v0 =	vmax.f32 v36, v2;
	v2 =	vmul.f32 $2.000000030e-01, v54  }
0x162: {  	s16 =	sor.u32 $0x6, s29;
	v59 =	vmul.f32 v48, v59;
	v34 =	vmax.f32 v61, v34;
	v61 =	vld [tilespmem:s18+$0x6690];
	v36 =	vmax.f32 v53, v1  }
0x163: {  	s31 =	smul.u32 $0x240, s31;
	s5 =	sshll.u32 s16, $0x7;
	v34 =	vmul.f32 v34, v6;
	(xrf2) =	vadd.scan.msk.f32 $0xffff, v23;
	v53 =	vld [tilespmem:s18+$0x6670];
	v22 =	vmul.f32 v0, v5;
	v0 =	vmax.f32 v54, v2  }
0x164: {  	v51 =	vsel vm1, $0x0, v51;
	v1 =	vmul.f32 v36, v7;
	v54 =	vld [tilespmem:s18+$0x6660];
	s18 =	sor.u32 s28, s5;
	v2 =	vmul.f32 v0, v8  }
0x165: {  	s5 =	sshra.s32 s31, $0x2;
	v22 =	vadd.f32 v34, v22;
	v36 =	vpop (erf);
	v0 =	vmul.f32 v55, v31;
	v24 =	vld [tilespmem:s18+$0x4E20];
	v31 =	vsel vm2, v47, v51  }
0x166: {  	v25 =	vld [tilespmem:s18+$0x4E30];
	[tilespmem:v11+s5+$0x0 ss:$0x1] =	vst.idx.msk $0xffff, v50;
	v34 =	vmul.f32 v36, v4;
	v3 =	vmul.f32 v36, v30  }
0x167: {  	v27 =	vld [tilespmem:s18+$0x4E40];
	[tilespmem:v11+s17+$0x80 ss:$0x1] =	vst.idx.msk $0xffff, v31;
	v23 =	vadd.f32 v2, v1;
	v2 =	vmul.f32 v36, v33;
	v33 =	vpop (erf)  }
0x168: {  	[tilespmem:v11+s5+$0x10 ss:$0x1] =	vst.idx.msk $0xffff, v49;
	v30 =	vld [tilespmem:s18+$0x4E70];
	v1 =	vmul.f32 v55, v32;
	v4 =	vmul.f32 v33, v39  }
0x169: {  	v31 =	vld [tilespmem:s18+$0x4E80];
	v51 =	vmul.f32 v33, v38;
	v50 =	vmul.f32 v33, v42;
	v47, _, _ =	vpop (xrf2);
	v22 =	vadd.f32 v23, v22  }
0x16a: {  	[tilespmem:v11+s5+$0x20 ss:$0x1] =	vst.idx.msk $0xffff, v46;
	v32 =	vld [tilespmem:s18+$0x4E90];
	v39 =	vsel vm1, $0x0, v62;
	v38 =	vpop (erf);
	v49 =	vmul.f32 v33, v41;
	v23 =	vmul.f32 v36, v26  }
0x16b: {  	v62 =	vld [tilespmem:s18+$0x4E60];
	[tilespmem:v11+s5+$0x30 ss:$0x1] =	vst.idx.msk $0xffff, v59;
	v42 =	vmul.f32 $1.442695020e+00, v47;
	v47 =	vmul.f32 v38, v43;
	(xrf2) =	vadd.scan.msk.f32 $0xffff, v22  }
0x16c: {  	v41 =	vld [tilespmem:s18+$0x6660];
	v36 =	vsel vm1, $0x0, v36;
	v46 =	vmul.f32 v38, v44;
	[tilespmem:v11+s5+$0x40 ss:$0x1] =	vst.idx.msk $0xffff, v63;
	v44 =	vmul.f32 v38, v45  }
0x16d: {  	v26 =	vld [tilespmem:s18+$0x4E50];
	v43 =	vadd.f32 v58, v13;
	v59, _, _ =	vpop (xrf2);
	v22 =	vsel vm2, v48, v39;
	v48 =	vmul.f32 v38, v40  }
0x16e: {  	v36 =	vsel vm2, v55, v36;
	[tilespmem:v11+s5+$0x50 ss:$0x1] =	vst.idx.msk $0xffff, v52;
	v52 =	vld [tilespmem:s18+$0x6630];
	v55 =	vbroadcast v42, $0xF;
	v39 =	vmul.f32 $1.442695020e+00, v59  }
0x16f: {  	v59 =	vadd.f32 v54, v28;
	v42 =	vld [tilespmem:s18+$0x6620];
	v40 =	vadd.f32 v53, v14;
	v58 =	vmul.f32 $2.000000030e-01, v43  }
0x170: {  	s0 =	smul.u32 $0x240, s0;
	[tilespmem:v11+s5+$0x60 ss:$0x1] =	vst.idx.msk $0xffff, v56;
	v38 =	vsel vm1, $0x0, v38;
	v54 =	vld [tilespmem:s18+$0x6640];
	(erf) = vpow2.f32 v55;
	v39 =	vbroadcast v39, $0xF  }
0x171: {  	v53 =	vld [tilespmem:s18+$0x6680];
	[tilespmem:v11+s5+$0x70 ss:$0x1] =	vst.idx.msk $0xffff, v57;
	v45 =	vsel vm2, v33, v38;
	v63 =	vmul.f32 $2.000000030e-01, v59;
	v57 =	vmul.f32 $2.000000030e-01, v40  }
0x172: {  	v56 =	vld [tilespmem:s18+$0x6690];
	[tilespmem:v11+s5+$0x80 ss:$0x1] =	vst.idx.msk $0xffff, v22;
	s5 =	sshra.s32 s0, $0x2;
	v38 =	vmax.f32 v43, v58;
	s0 =	sor.u32 $0x7, s29;
	(erf) = vpow2.f32 v39;
	v39 =	vadd.f32 v61, v37  }
0x173: {  	v55 =	vld [tilespmem:s18+$0x6650];
	s31 =	sshll.u32 s0, $0x7;
	v58 =	vmul.f32 v38, v12;
	v59 =	vmax.f32 v59, v63  }
0x174: {  	v43 =	vld [tilespmem:s18+$0x6670];
	[tilespmem:v11+s5+$0x0 ss:$0x1] =	vst.idx.msk $0xffff, v35;
	v33 =	vmax.f32 v40, v57;
	v52 =	vadd.f32 v52, v25;
	s17 =	sor.u32 s28, s31;
	v63 =	vmul.f32 $2.000000030e-01, v39  }
0x175: {  	v22 =	vmul.f32 v59, v9;
	v42 =	vadd.f32 v42, v24;
	v54 =	vadd.f32 v54, v27;
	v35 =	vld [tilespmem:s17+$0x4E30];
	v61, _, _ =	vpop (xrf2)  }
0x176: {  	[tilespmem:v11+s5+$0x10 ss:$0x1] =	vst.idx.msk $0xffff, v60;
	v38 =	vld [tilespmem:s17+$0x4E40];
	v63 =	vmax.f32 v39, v63;
	v40 =	vmul.f32 $1.442695020e+00, v61;
	v61 =	vmul.f32 v33, v10  }
0x177: {  	[tilespmem:v11+s5+$0x20 ss:$0x1] =	vst.idx.msk $0xffff, v0;
	v53 =	vadd.f32 v53, v31;
	v60 =	vmul.f32 $2.000000030e-01, v42;
	v39 =	vld [tilespmem:s17+$0x4E50];
	v63 =	vmul.f32 v63, v29  }
0x178: {  	[tilespmem:v11+s5+$0x30 ss:$0x1] =	vst.idx.msk $0xffff, v1;
	v33 =	vld [tilespmem:s17+$0x4E20];
	v59 =	vbroadcast v40, $0xF;
	v0 =	vadd.f32 v61, v22;
	v61 =	vmul.f32 $2.000000030e-01, v52  }
0x179: {  	v40 =	vmax.f32 v42, v60;
	v60 =	vadd.f32 v55, v26;
	v55 =	vadd.f32 v41, v62;
	v41 =	vld [tilespmem:s17+$0x4E70]  }
0x17a: {  	[tilespmem:v11+s5+$0x40 ss:$0x1] =	vst.idx.msk $0xffff, v2;
	v43 =	vadd.f32 v43, v30;
	v42 =	vld [tilespmem:s17+$0x4E80];
	(erf) = vpow2.f32 v59;
	v59 =	vmul.f32 $2.000000030e-01, v54  }
0x17b: {  	[tilespmem:v11+s5+$0x50 ss:$0x1] =	vst.idx.msk $0xffff, v34;
	v57 =	vmax.f32 v52, v61;
	v52 =	vmul.f32 v40, v5;
	v40 =	vld [tilespmem:s17+$0x4E60];
	v61 =	vmul.f32 $2.000000030e-01, v60  }
0x17c: {  	s31 =	smul.u32 $0x240, s30;
	[tilespmem:v11+s5+$0x60 ss:$0x1] =	vst.idx.msk $0xffff, v3;
	v1 =	vadd.f32 v63, v58;
	v63 =	vmul.f32 $2.000000030e-01, v55;
	v2 =	vmul.f32 v57, v6;
	v57 =	vld [tilespmem:s17+$0x6630]  }
0x17d: {  	[tilespmem:v11+s5+$0x70 ss:$0x1] =	vst.idx.msk $0xffff, v23;
	v22 =	vmax.f32 v54, v59;
	v54 =	vld [tilespmem:s17+$0x6620];
	v60 =	vmax.f32 v60, v61;
	v61 =	vmul.f32 $2.000000030e-01, v43  }
0x17e: {  	s18 =	sshra.s32 s31, $0x2;
	v3 =	vmul.f32 v22, v7;
	v23 =	vmul.f32 v60, v8;
	v22 =	vmax.f32 v55, v63;
	v63 =	vld [tilespmem:s17+$0x6640]  }
0x17f: {  	[tilespmem:v11+s18+$0x0 ss:$0x1] =	vst.idx.msk $0xffff, v4;
	v55 =	vadd.f32 v56, v32;
	v60 =	vmul.f32 $2.000000030e-01, v53;
	v34 =	vmax.f32 v43, v61;
	v43 =	vld [tilespmem:s17+$0x4E90]  }
0x180: {  	v0 =	vadd.f32 v1, v0;
	v2 =	vadd.f32 v2, v52;
	v61 =	vmul.f32 v34, v10;
	v34 =	vld [tilespmem:s17+$0x6650]  }
0x181: {  	[tilespmem:v11+s5+$0x80 ss:$0x1] =	vst.idx.msk $0xffff, v36;
	v22 =	vmul.f32 v22, v9;
	v4 =	vmul.f32 $2.000000030e-01, v55;
	v36 =	vmax.f32 v53, v60;
	v53 =	vld [tilespmem:s17+$0x6660]  }
0x182: {  	(xrf2) =	vadd.scan.msk.f32 $0xffff, v0;
	v3 =	vadd.f32 v23, v3;
	v60 =	vld [tilespmem:s17+$0x6690];
	v52 =	vadd.f32 v57, v35;
	v0 =	vmul.f32 v36, v12  }
0x183: {  	v4 =	vmax.f32 v55, v4;
	v23 =	vadd.f32 v54, v33;
	v54 =	vld [tilespmem:s17+$0x6670];
	v36 =	vadd.f32 v63, v38  }
0x184: {  	v2 =	vadd.f32 v3, v2;
	v55 =	vld [tilespmem:s17+$0x6680];
	v4 =	vmul.f32 v4, v29;
	v63 =	vmul.f32 $2.000000030e-01, v52  }
0x185: {  	v1 =	vadd.f32 v61, v22;
	v3 =	vmul.f32 $2.000000030e-01, v23;
	v61 =	vmul.f32 $2.000000030e-01, v36  }
0x186: {  	v34 =	vadd.f32 v34, v39;
	v0 =	vadd.f32 v4, v0;
	v4 =	vmax.f32 v52, v63  }
0x187: {  	v60 =	vadd.f32 v60, v43;
	v3 =	vmax.f32 v23, v3;
	v4 =	vmul.f32 v4, v6  }
0x188: {  	[tilespmem:v11+s18+$0x10 ss:$0x1] =	vst.idx.msk $0xffff, v51;
	v22 =	vmax.f32 v36, v61;
	v63 =	vmul.f32 $2.000000030e-01, v34;
	v36 =	vadd.f32 v53, v40  }
0x189: {  	v3 =	vmul.f32 v3, v5;
	v52 =	vadd.f32 v54, v41;
	v57 =	vadd.f32 v55, v42  }
0x18a: {  	[tilespmem:v11+s18+$0x20 ss:$0x1] =	vst.idx.msk $0xffff, v50;
	v51 =	vmul.f32 $2.000000030e-01, v60;
	v54 =	vmax.f32 v34, v63;
	v58 =	vmul.f32 $2.000000030e-01, v36  }
0x18b: {  	v0 =	vadd.f32 v0, v1;
	v53 =	vmul.f32 v22, v7;
	v61 =	vmul.f32 v54, v8  }
0x18c: {  	[tilespmem:v11+s18+$0x30 ss:$0x1] =	vst.idx.msk $0xffff, v49;
	v59 =	vmul.f32 $2.000000030e-01, v52;
	v63 =	vmul.f32 $2.000000030e-01, v57;
	v34 =	vmax.f32 v36, v58  }
0x18d: {  	v3 =	vadd.f32 v4, v3;
	v4 =	vmax.f32 v60, v51;
	v1 =	vadd.f32 v61, v53  }
0x18e: {  	v4 =	vmul.f32 v4, v29;
	v49 =	vmax.f32 v52, v59;
	v52 =	vmax.f32 v57, v63  }
0x18f: {  	(xrf2) =	vadd.scan.msk.f32 $0xffff, v2;
	v1 =	vadd.f32 v1, v3;
	v3 =	vmul.f32 v34, v9;
	v34 =	vmovc v9;
	v9 =	vmov v10  }
0x190: {  	(xrf2) =	vadd.scan.msk.f32 $0xffff, v0;
	v0 =	vmul.f32 v52, v12;
	v54 =	vmul.f32 v49, v9;
	_ =	sdelay $0x1  }
0x191: {  	v56 =	vld [tilespmem:$0x1FF90];
	v0 =	vadd.f32 v4, v0;
	v3 =	vadd.f32 v54, v3  }
0x192: {  	[tilespmem:v11+s18+$0x40 ss:$0x1] =	vst.idx.msk $0xffff, v48;
	v58 =	vld [tilespmem:$0x1FFA0]  }
0x193: {  	s13 =	smul.u32 $0x240, s13;
	[tilespmem:v11+s18+$0x50 ss:$0x1] =	vst.idx.msk $0xffff, v47;
	v47 =	vpop (erf);
	v0 =	vadd.f32 v0, v3;
	v3 =	vld [tilespmem:$0x1FFB0]  }
0x194: {  	v19 =	vmul.f32 v47, v19;
	v53, _, _ =	vpop (xrf2)  }
0x195: {  	s5 =	sshra.s32 s13, $0x2;
	v55 =	vmul.f32 v47, v17;
	v2 =	vmul.f32 $1.442695020e+00, v53  }
0x196: {  	[tilespmem:v11+s5+$0x0 ss:$0x1] =	vst.idx.msk $0xffff, v19;
	v57 =	vmul.f32 v47, v56  }
0x197: {  	[tilespmem:v11+s5+$0x10 ss:$0x1] =	vst.idx.msk $0xffff, v55;
	v4 =	vpop (erf);
	v2 =	vbroadcast v2, $0xF;
	(xrf2) =	vadd.scan.msk.f32 $0xffff, v1;
	v1 =	vmul.f32 v47, v58  }
0x198: {  	[tilespmem:v11+s5+$0x20 ss:$0x1] =	vst.idx.msk $0xffff, v57;
	v59, _, _ =	vpop (xrf2);
	v3 =	vmul.f32 v4, v3  }
0x199: {  	(erf) = vpow2.f32 v2;
	v2 =	vmul.f32 $1.442695020e+00, v59;
	[tilespmem:v11+s5+$0x30 ss:$0x1] =	vst.idx.msk $0xffff, v1  }
0x19a: {  	[tilespmem:v11+s5+$0x40 ss:$0x1] =	vst.idx.msk $0xffff, v3;
	v3 =	vld [tilespmem:$0x1FFD0]  }
0x19b: {  	v60 =	vld [tilespmem:$0x1FFC0];
	v2 =	vbroadcast v2, $0xF;
	_ =	sdelay $0x1  }
0x19c: {  	(erf) = vpow2.f32 v2;
	_ =	sdelay $0x1  }
0x19d: {  	[tilespmem:v11+s18+$0x60 ss:$0x1] =	vst.idx.msk $0xffff, v46;
	v3 =	vmul.f32 v4, v3  }
0x19e: {  	[tilespmem:v11+s18+$0x70 ss:$0x1] =	vst.idx.msk $0xffff, v44;
	v1 =	vmul.f32 v4, v60;
	(xrf2) =	vadd.scan.msk.f32 $0xffff, v0  }
0x19f: {  	[tilespmem:v11+s18+$0x80 ss:$0x1] =	vst.idx.msk $0xffff, v45;
	v61, _, _ =	vpop (xrf2)  }
0x1a0: {  	v10 =	vmov v12;
	v63 =	vmul.f32 v4, v18;
	v12 =	vsel vm1, $0x0, v4;
	[tilespmem:v11+s5+$0x50 ss:$0x1] =	vst.idx.msk $0xffff, v1;
	v4, _, _ =	vpop (xrf2)  }
0x1a1: {  	s17 =	smul.u32 $0x240, s14;
	v0 =	vmul.f32 $1.442695020e+00, v61;
	[tilespmem:v11+s5+$0x60 ss:$0x1] =	vst.idx.msk $0xffff, v3;
	v3 =	vpop (erf)  }
0x1a2: {  	v17 =	vsel vm2, v47, v12;
	v4 =	vmul.f32 $1.442695020e+00, v4;
	[tilespmem:v11+s5+$0x70 ss:$0x1] =	vst.idx.msk $0xffff, v63;
	v18 =	vmul.f32 v3, v20  }
0x1a3: {  	s18 =	sshra.s32 s17, $0x2;
	v0 =	vbroadcast v0, $0xF;
	[tilespmem:v11+s5+$0x80 ss:$0x1] =	vst.idx.msk $0xffff, v17;
	v19 =	vmul.f32 v3, v21;
	v21 =	vpop (erf)  }
0x1a4: {  	s30 =	smul.u32 $0x240, s16;
	v4 =	vbroadcast v4, $0xF;
	v20 =	vmul.f32 v3, v16;
	v45 =	vpop (erf);
	[tilespmem:v11+s18+$0x0 ss:$0x1] =	vst.idx.msk $0xffff, v18  }
0x1a5: {  	(erf) = vpow2.f32 v0;
	v47 =	vmul.f32 v45, v24;
	[tilespmem:v11+s18+$0x10 ss:$0x1] =	vst.idx.msk $0xffff, v19  }
0x1a6: {  	s31 =	sshra.s32 s30, $0x2;
	v22 =	vmul.f32 v3, v15;
	[tilespmem:v11+s18+$0x20 ss:$0x1] =	vst.idx.msk $0xffff, v20  }
0x1a7: {  	(erf) = vpow2.f32 v4;
	v48 =	vmul.f32 v45, v25;
	[tilespmem:v11+s31+$0x0 ss:$0x1] =	vst.idx.msk $0xffff, v47  }
0x1a8: {  	v44, _, _ =	vpop (xrf2);
	v23 =	vmul.f32 v21, v28;
	[tilespmem:v11+s18+$0x30 ss:$0x1] =	vst.idx.msk $0xffff, v22  }
0x1a9: {  	v4 =	vmul.f32 $1.442695020e+00, v44;
	v49 =	vmul.f32 v45, v27;
	[tilespmem:v11+s31+$0x10 ss:$0x1] =	vst.idx.msk $0xffff, v48  }
0x1aa: {  	v28 =	vmul.f32 v21, v14;
	v1 =	vsel vm1, $0x0, v21;
	[tilespmem:v11+s18+$0x40 ss:$0x1] =	vst.idx.msk $0xffff, v23  }
0x1ab: {  	v46 =	vsel vm2, v3, v1;
	v3 =	vbroadcast v4, $0xF;
	v4 =	vmul.f32 v45, v26;
	[tilespmem:v11+s31+$0x20 ss:$0x1] =	vst.idx.msk $0xffff, v49  }
0x1ac: {  	v36 =	vmov v29;
	v29 =	vmul.f32 v21, v13;
	[tilespmem:v11+s18+$0x50 ss:$0x1] =	vst.idx.msk $0xffff, v28  }
0x1ad: {  	v37 =	vmul.f32 v21, v37;
	[tilespmem:v11+s31+$0x30 ss:$0x1] =	vst.idx.msk $0xffff, v4  }
0x1ae: {  	[tilespmem:v11+s18+$0x60 ss:$0x1] =	vst.idx.msk $0xffff, v29;
	v50 =	vpop (erf);
	(erf) = vpow2.f32 v3  }
0x1af: {  	[tilespmem:v11+s18+$0x70 ss:$0x1] =	vst.idx.msk $0xffff, v37;
	v51 =	vmul.f32 v50, v62  }
0x1b0: {  	s0 =	smul.u32 $0x240, s0;
	[tilespmem:v11+s18+$0x80 ss:$0x1] =	vst.idx.msk $0xffff, v46;
	v3 =	vmul.f32 v50, v30;
	v4 =	vpop (erf)  }
0x1b1: {  	v53 =	vmul.f32 v4, v33;
	[tilespmem:v11+s31+$0x40 ss:$0x1] =	vst.idx.msk $0xffff, v51  }
0x1b2: {  	s0 =	sshra.s32 s0, $0x2;
	v52 =	vmul.f32 v50, v31;
	[tilespmem:v11+s31+$0x50 ss:$0x1] =	vst.idx.msk $0xffff, v3  }
0x1b3: {  	v54 =	vmul.f32 v4, v35;
	[tilespmem:v11+s0+$0x0 ss:$0x1] =	vst.idx.msk $0xffff, v53  }
0x1b4: {  	v3 =	vmul.f32 v50, v32;
	[tilespmem:v11+s31+$0x60 ss:$0x1] =	vst.idx.msk $0xffff, v52  }
0x1b5: {  	v55 =	vmul.f32 v4, v38;
	[tilespmem:v11+s0+$0x10 ss:$0x1] =	vst.idx.msk $0xffff, v54  }
0x1b6: {  	v0 =	vsel vm1, $0x0, v50;
	[tilespmem:v11+s31+$0x70 ss:$0x1] =	vst.idx.msk $0xffff, v3  }
0x1b7: {  	v0 =	vsel vm2, v45, v0;
	v57 =	vmul.f32 v4, v39;
	[tilespmem:v11+s0+$0x20 ss:$0x1] =	vst.idx.msk $0xffff, v55;
	v56 =	vpop (erf)  }
0x1b8: {  	[tilespmem:v11+s31+$0x80 ss:$0x1] =	vst.idx.msk $0xffff, v0;
	v58 =	vmul.f32 v56, v40  }
0x1b9: {  	p1 =	por p0, p0;
	[tilespmem:v11+s0+$0x30 ss:$0x1] =	vst.idx.msk $0xffff, v57;
	v59 =	vmul.f32 v56, v41  }
.Ltmp3:
0x1ba: {  	v60 =	vmul.f32 v56, v42;
	[tilespmem:v11+s0+$0x40 ss:$0x1] =	vst.idx.msk $0xffff, v58;
	(pc) =	sbr.rel @p1 .LBB2_5-.Ltmp3, $4  }
0x1bb: {  	v61 =	vmul.f32 v56, v43;
	[tilespmem:v11+s0+$0x50 ss:$0x1] =	vst.idx.msk $0xffff, v59  }
0x1bc: {  	v62 =	vsel vm1, $0x0, v56;
	[tilespmem:v11+s0+$0x60 ss:$0x1] =	vst.idx.msk $0xffff, v60  }
0x1bd: {  	v63 =	vsel vm2, v4, v62;
	[tilespmem:v11+s0+$0x70 ss:$0x1] =	vst.idx.msk $0xffff, v61  }
0x1be: {  	p0 =	por $0x0, $0x0;
	s29 =	simm.s32 $0x8;
	[tilespmem:v11+s0+$0x80 ss:$0x1] =	vst.idx.msk $0xffff, v63  }
0x1bf: {  	s0 =	sshll.u32 s25, $0x4  }
0x1c0: {  	s0 =	sand.u32 $0x3FFFFFF0, s0  }
0x1c1: {  	v0 =	vld [tilespmem:s0+$0x2710];
	_ =	sdelay $0x1  }
0x1c2: {  	s25 =	sadd.s32 $0x1, s25  }
0x1c3: {  	p0 =	sne.s32 s25, $0x271  }
.Ltmp4:
0x1c4: {  	_ = 	snop;
	(pc) =	sbr.rel @p0 .LBB2_4-.Ltmp4, $2  }
0x1c5: {  	_ =	sdelay $0x2  }
0x1c6: {  	[spmem:s2] =	stream.indirect_vreg.scatter.add.f32 [tilespmem:s26], [sflag:$0x2], $0x90, v0, vm0, $0xb8;
	[tilespmem:$0x1F930] =	vst v63  }
0x1c7: {  	_ =	swait.ge [sflag:s20], $0x900  }
0x1c8: {  	[sflag:s20] =	ssyncset.done $0x0  }
0x1c9: {  	[sflag:s20] =	ssyncadd.s32 $0xFFFFF700  }
0x1ca: {  	_ =	swait.ge [sflag:s20], $0x900  }
0x1cb: {  	[sflag:s20] =	ssyncset.done $0x0  }
0x1cc: {  	[sflag:s20] =	ssyncadd.s32 $0xFFFFF700  }
.Ltmp5:
0x1cd: {  	_ =	swait.ge [sflag:s20], $0x900;
	(pc) =	sbr.rel .LBB2_8-.Ltmp5, $4  }
0x1ce: {  	[sflag:s20] =	ssyncset.done $0x0  }
0x1cf: {  	[sflag:s20] =	ssyncadd.s32 $0xFFFFF700  }
0x1d0: {  	[bflag:$0x0] =	sbarrier.arrive $0xFFFF  }
0x1d1: {  	s0 =	simm.s32 $0x0;
	s13 =	smov.u32 s11;
	s14 =	smov.u32 s10  }
.LBB2_10:
0x1d2: {  	s0 =	sadd.s32 $0x10, s0  }
0x1d3: {  	p0 =	sne.s32 s0, $0x4F0  }
.Ltmp6:
0x1d4: {  	_ = 	snop;
	(pc) =	sbr.rel @!p0 .LBB2_11-.Ltmp6, $2  }
0x1d5: {  	_ =	sdelay $0x2  }
0x1d6: {  	s14 =	sadd.s32 $0x4800, s14;
	s13 =	sadd.s32 $0x1000, s13  }
.LBB2_8:
0x1d7: {  	s5 =	sadd.s32 s0, s1  }
0x1d8: {  	p0 =	sgt.u32 s5, $0x4E1  }
.Ltmp7:
0x1d9: {  	_ = 	snop;
	(pc) =	sbr.rel @p0 .LBB2_10-.Ltmp7, $1  }
0x1da: {  	_ =	sdelay $0x3  }
0x1db: {  	[tilespmem:s21], [sflag:$0x4] =	stream.linear.gather [spmem:s14], $0x480, $0x38;
	[tilespmem:$0x1F930] =	vst v63  }
0x1dc: {  	_ =	swait.ge [sflag:s22], $0x480  }
0x1dd: {  	[sflag:s22] =	ssyncset.done $0x0  }
0x1de: {  	[sflag:s22] =	ssyncadd.s32 $0xFFFFFB80  }
0x1df: {  	v0 =	vld [tilespmem:$0x7EA0];
	_ =	sdelay $0x4  }
0x1e0: {  	(erf) = vrcp.f32 v0  }
0x1e1: {  	v1 =	vld [tilespmem:$0x7E20]  }
0x1e2: {  	v2 =	vld [tilespmem:$0x7E30]  }
0x1e3: {  	v3 =	vld [tilespmem:$0x7F30]  }
0x1e4: {  	v4 =	vld [tilespmem:$0x7E40]  }
0x1e5: {  	v5 =	vld [tilespmem:$0x7E50]  }
0x1e6: {  	v6 =	vld [tilespmem:$0x7E60]  }
0x1e7: {  	v7 =	vld [tilespmem:$0x7E70]  }
0x1e8: {  	v8 =	vld [tilespmem:$0x7E80];
	(erf) = vrcp.f32 v3  }
0x1e9: {  	v9 =	vld [tilespmem:$0x7E90];
	vm3 =	vgt.f32 v0, $0.0e+00;
	v28 =	vpop (erf)  }
0x1ea: {  	v10 =	vld [tilespmem:$0x7EB0];
	v0 =	vnsel vm3, $0x0, v28  }
0x1eb: {  	v12 =	vld [tilespmem:$0x7FC0];
	v11 =	vbroadcast v0, $0x0  }
0x1ec: {  	v13 =	vld [tilespmem:$0x7EC0]  }
0x1ed: {  	v14 =	vld [tilespmem:$0x7ED0];
	v1 =	vmul.f32 v11, v1  }
0x1ee: {  	v15 =	vld [tilespmem:$0x7EE0];
	v2 =	vmul.f32 v11, v2  }
0x1ef: {  	v30 =	vld [tilespmem:$0x7EF0];
	v0 =	vbroadcast v0, $0x1;
	v29 =	vmul.f32 v4, v11;
	[tilespmem:$0x4E20] =	vst v1  }
0x1f0: {  	v32 =	vld [tilespmem:$0x7F00];
	(erf) = vrcp.f32 v12;
	v31 =	vmul.f32 v5, v11;
	[tilespmem:$0x4E30] =	vst v2  }
0x1f1: {  	v35 =	vld [tilespmem:$0x7F10];
	vm3 =	vgt.f32 v3, $0.0e+00;
	v34 =	vpop (erf);
	v33 =	vmul.f32 v6, v0;
	[tilespmem:$0x4E40] =	vst v29  }
0x1f2: {  	v37 =	vld [tilespmem:$0x7F20];
	v3 =	vnsel vm3, $0x0, v34;
	v36 =	vmul.f32 v7, v0;
	[tilespmem:$0x4E50] =	vst v31  }
0x1f3: {  	v40 =	vld [tilespmem:$0x8050];
	v39 =	vbroadcast v3, $0x0;
	v38 =	vmul.f32 v8, v0;
	[tilespmem:$0x4E60] =	vst v33  }
0x1f4: {  	v41 =	vld [tilespmem:$0x7F40];
	v0 =	vmul.f32 v9, v0;
	[tilespmem:$0x4E70] =	vst v36  }
0x1f5: {  	v43 =	vld [tilespmem:$0x7F50];
	v42 =	vmul.f32 v39, v10;
	[tilespmem:$0x4E80] =	vst v38  }
0x1f6: {  	v45 =	vld [tilespmem:$0x7F60];
	v44 =	vmul.f32 v39, v13;
	[tilespmem:$0x4E90] =	vst v0  }
0x1f7: {  	v47 =	vld [tilespmem:$0x7F70];
	v3 =	vbroadcast v3, $0x1;
	v46 =	vmul.f32 v14, v39;
	[tilespmem:$0x4EA0] =	vst v42  }
0x1f8: {  	v49 =	vld [tilespmem:$0x7F80];
	(erf) = vrcp.f32 v40;
	v48 =	vmul.f32 v15, v39;
	[tilespmem:$0x4EB0] =	vst v44  }
0x1f9: {  	v52 =	vld [tilespmem:$0x7F90];
	vm3 =	vgt.f32 v12, $0.0e+00;
	v50 =	vmul.f32 v30, v3;
	[tilespmem:$0x4EC0] =	vst v46;
	v51 =	vpop (erf)  }
0x1fa: {  	v54 =	vld [tilespmem:$0x7FA0];
	v53 =	vmul.f32 v32, v3;
	[tilespmem:$0x4ED0] =	vst v48;
	v4 =	vnsel vm3, $0x0, v51  }
0x1fb: {  	v57 =	vld [tilespmem:$0x80E0];
	v55 =	vmul.f32 v35, v3;
	[tilespmem:$0x4EE0] =	vst v50;
	v56 =	vbroadcast v4, $0x0  }
0x1fc: {  	v59 =	vld [tilespmem:$0x7FB0];
	v58 =	vmul.f32 v37, v3;
	[tilespmem:$0x4EF0] =	vst v53  }
0x1fd: {  	v61 =	vld [tilespmem:$0x7FD0];
	[tilespmem:$0x4F00] =	vst v55;
	v60 =	vmul.f32 v56, v41  }
0x1fe: {  	v63 =	vld [tilespmem:$0x7FE0];
	[tilespmem:$0x4F10] =	vst v58;
	v62 =	vmul.f32 v56, v43  }
0x1ff: {  	v16 =	vld [tilespmem:$0x7FF0];
	v4 =	vbroadcast v4, $0x1;
	v15 =	vmul.f32 v45, v56;
	[tilespmem:$0x4F20] =	vst v60  }
0x200: {  	v18 =	vld [tilespmem:$0x8000];
	(erf) = vrcp.f32 v57;
	v17 =	vmul.f32 v47, v56;
	[tilespmem:$0x4F30] =	vst v62  }
0x201: {  	v21 =	vld [tilespmem:$0x8010];
	vm3 =	vgt.f32 v40, $0.0e+00;
	v20 =	vpop (erf);
	v19 =	vmul.f32 v49, v4;
	[tilespmem:$0x4F40] =	vst v15  }
0x202: {  	v23 =	vld [tilespmem:$0x8020];
	v8 =	vnsel vm3, $0x0, v20;
	v22 =	vmul.f32 v52, v4;
	[tilespmem:$0x4F50] =	vst v17  }
0x203: {  	v26 =	vld [tilespmem:$0x8170];
	v25 =	vbroadcast v8, $0x0;
	v24 =	vmul.f32 v54, v4;
	[tilespmem:$0x4F60] =	vst v19  }
0x204: {  	v28 =	vld [tilespmem:$0x8030];
	v27 =	vmul.f32 v59, v4;
	[tilespmem:$0x4F70] =	vst v22  }
0x205: {  	v30 =	vld [tilespmem:$0x8040];
	v29 =	vmul.f32 v25, v61;
	[tilespmem:$0x4F80] =	vst v24  }
0x206: {  	v32 =	vld [tilespmem:$0x8060];
	v31 =	vmul.f32 v25, v63;
	[tilespmem:$0x4F90] =	vst v27  }
0x207: {  	v35 =	vld [tilespmem:$0x8070];
	v34 =	vbroadcast v8, $0x1;
	v33 =	vmul.f32 v16, v25;
	[tilespmem:$0x4FA0] =	vst v29  }
0x208: {  	v37 =	vld [tilespmem:$0x8080];
	(erf) = vrcp.f32 v26;
	v36 =	vmul.f32 v18, v25;
	[tilespmem:$0x4FB0] =	vst v31  }
0x209: {  	v13 =	vld [tilespmem:$0x8290];
	vm3 =	vgt.f32 v57, $0.0e+00;
	v38 =	vmul.f32 v21, v34;
	[tilespmem:$0x4FC0] =	vst v33;
	v39 =	vpop (erf)  }
0x20a: {  	v40 =	vld [tilespmem:$0x8090];
	v41 =	vmul.f32 v23, v34;
	[tilespmem:$0x4FD0] =	vst v36;
	v6 =	vnsel vm3, $0x0, v39  }
0x20b: {  	v45 =	vld [tilespmem:$0x8200];
	v43 =	vmul.f32 v28, v34;
	[tilespmem:$0x4FE0] =	vst v38;
	v44 =	vbroadcast v6, $0x0  }
0x20c: {  	v42 =	vld [tilespmem:$0x80A0];
	v46 =	vmul.f32 v30, v34;
	[tilespmem:$0x4FF0] =	vst v41  }
0x20d: {  	v47 =	vld [tilespmem:$0x80B0];
	[tilespmem:$0x5000] =	vst v43;
	v48 =	vmul.f32 v44, v32  }
0x20e: {  	v49 =	vld [tilespmem:$0x80C0];
	[tilespmem:$0x5010] =	vst v46;
	v50 =	vmul.f32 v44, v35  }
0x20f: {  	v51 =	vld [tilespmem:$0x80D0];
	v53 =	vbroadcast v6, $0x1;
	v52 =	vmul.f32 v37, v44;
	[tilespmem:$0x5020] =	vst v48  }
0x210: {  	v54 =	vld [tilespmem:$0x80F0];
	(erf) = vrcp.f32 v45;
	v55 =	vmul.f32 v40, v44;
	[tilespmem:$0x5030] =	vst v50  }
0x211: {  	v56 =	vld [tilespmem:$0x8100];
	vm3 =	vgt.f32 v26, $0.0e+00;
	v58 =	vpop (erf);
	v57 =	vmul.f32 v42, v53;
	[tilespmem:$0x5040] =	vst v52  }
0x212: {  	v59 =	vld [tilespmem:$0x8110];
	v61 =	vnsel vm3, $0x0, v58;
	v60 =	vmul.f32 v47, v53;
	[tilespmem:$0x5050] =	vst v55  }
0x213: {  	v62 =	vld [tilespmem:$0x8120];
	v12 =	vbroadcast v61, $0x0;
	v63 =	vmul.f32 v49, v53;
	[tilespmem:$0x5060] =	vst v57  }
0x214: {  	v15 =	vld [tilespmem:$0x8130];
	v14 =	vmul.f32 v51, v53;
	[tilespmem:$0x5070] =	vst v60  }
0x215: {  	v17 =	vld [tilespmem:$0x8140];
	v16 =	vmul.f32 v12, v54;
	[tilespmem:$0x5080] =	vst v63  }
0x216: {  	v19 =	vld [tilespmem:$0x8150];
	v18 =	vmul.f32 v12, v56;
	[tilespmem:$0x5090] =	vst v14  }
0x217: {  	v21 =	vld [tilespmem:$0x8160];
	v2 =	vbroadcast v61, $0x1;
	v20 =	vmul.f32 v59, v12;
	[tilespmem:$0x50A0] =	vst v16  }
0x218: {  	v23 =	vld [tilespmem:$0x8180];
	(erf) = vrcp.f32 v13;
	v22 =	vmul.f32 v62, v12;
	[tilespmem:$0x50B0] =	vst v18  }
0x219: {  	v26 =	vld [tilespmem:$0x8190];
	vm3 =	vgt.f32 v45, $0.0e+00;
	v25 =	vmul.f32 v15, v2;
	[tilespmem:$0x50C0] =	vst v20;
	v24 =	vpop (erf)  }
0x21a: {  	v29 =	vld [tilespmem:$0x81A0];
	v27 =	vmul.f32 v17, v2;
	[tilespmem:$0x50D0] =	vst v22;
	v28 =	vnsel vm3, $0x0, v24  }
0x21b: {  	v32 =	vld [tilespmem:$0x81B0];
	v30 =	vmul.f32 v19, v2;
	[tilespmem:$0x50E0] =	vst v25;
	v31 =	vbroadcast v28, $0x0  }
0x21c: {  	v34 =	vld [tilespmem:$0x81C0];
	v33 =	vmul.f32 v21, v2;
	[tilespmem:$0x50F0] =	vst v27  }
0x21d: {  	v36 =	vld [tilespmem:$0x81D0];
	[tilespmem:$0x5100] =	vst v30;
	v35 =	vmul.f32 v31, v23  }
0x21e: {  	v38 =	vld [tilespmem:$0x81E0];
	[tilespmem:$0x5110] =	vst v33;
	v37 =	vmul.f32 v31, v26  }
0x21f: {  	v40 =	vld [tilespmem:$0x81F0];
	v6 =	vbroadcast v28, $0x1;
	v39 =	vmul.f32 v29, v31;
	[tilespmem:$0x5120] =	vst v35  }
0x220: {  	v42 =	vld [tilespmem:$0x8210];
	v41 =	vmul.f32 v32, v31;
	[tilespmem:$0x5130] =	vst v37  }
0x221: {  	v45 =	vld [tilespmem:$0x8220];
	vm3 =	vgt.f32 v13, $0.0e+00;
	v44 =	vpop (erf);
	v43 =	vmul.f32 v34, v6;
	[tilespmem:$0x5140] =	vst v39  }
0x222: {  	v47 =	vld [tilespmem:$0x8230];
	v2 =	vnsel vm3, $0x0, v44;
	v46 =	vmul.f32 v36, v6;
	[tilespmem:$0x5150] =	vst v41  }
0x223: {  	v50 =	vld [tilespmem:$0x8240];
	v49 =	vbroadcast v2, $0x0;
	v48 =	vmul.f32 v38, v6;
	[tilespmem:$0x5160] =	vst v43  }
0x224: {  	v52 =	vld [tilespmem:$0x8250];
	v51 =	vmul.f32 v40, v6;
	[tilespmem:$0x5170] =	vst v46  }
0x225: {  	v54 =	vld [tilespmem:$0x8260];
	v53 =	vmul.f32 v49, v42;
	[tilespmem:$0x5180] =	vst v48  }
0x226: {  	v56 =	vld [tilespmem:$0x8270];
	v55 =	vmul.f32 v49, v45;
	[tilespmem:$0x5190] =	vst v51  }
0x227: {  	v58 =	vld [tilespmem:$0x8280];
	v2 =	vbroadcast v2, $0x1;
	v57 =	vmul.f32 v47, v49;
	[tilespmem:$0x51A0] =	vst v53  }
0x228: {  	v59 =	vmul.f32 v50, v49;
	[tilespmem:$0x51B0] =	vst v55  }
0x229: {  	v60 =	vmul.f32 v52, v2;
	[tilespmem:$0x51C0] =	vst v57  }
0x22a: {  	v61 =	vmul.f32 v54, v2;
	[tilespmem:$0x51D0] =	vst v59  }
0x22b: {  	v62 =	vmul.f32 v56, v2;
	[tilespmem:$0x51E0] =	vst v60  }
0x22c: {  	v63 =	vmul.f32 v58, v2;
	[tilespmem:$0x51F0] =	vst v61  }
0x22d: {  	[tilespmem:$0x5200] =	vst v62  }
.Ltmp8:
0x22e: {  	[tilespmem:$0x5210] =	vst v63;
	(pc) =	sbr.rel .LBB2_10-.Ltmp8, $4  }
0x22f: {  	[hbm4b:s13+s23] =	stream.strided.scatter [tilespmem:s15], [sflag:$0x3], $0x400, s24, s23, $0x38;
	[tilespmem:$0x1F930] =	vst v63  }
0x230: {  	_ =	swait.ge [sflag:s12], $0x400  }
0x231: {  	[sflag:s12] =	ssyncset.done $0x0  }
0x232: {  	[sflag:s12] =	ssyncadd.s32 $0xFFFFFC00  }
.LBB2_12:
0x233: {  	_ =	sfence.sel $0x180000  }
0x234: {  	[bflag:$0x0] =	sbarrier.arrive $0xFFFF  }
0x235: {  	_ =	strace $0x90000047  }
0x236: {  	[bflag:$0x2] =	sbarrier.arrive $0xFFFF  }
0x237: {  	p0 =	sne.s32 s1, $0x0;
	s0 =	rddreg [dreg:$0x3]  }
0x238: {  	s0 =	sadd.s32 @!p0 $0x100000, s0  }
0x239: {  	[sflag:s0] =	ssyncadd.tile.s32 @!p0 $0x1;
	_ =	shalt  }
.Lfunc_end2:
_tile_overlayer_lowered:
.L_overlay_start_2:
0x23a: {  	(tag) =	ssettag $0x2  }
0x23b: {  	s0 =	rddreg [dreg:$0x0];
	s2 =	stileid.u32  }
0x23c: {  	s1 =	rddreg [dreg:$0x1];
	p0 =	sne.s32 s2, $0x0  }
0x23d: {  	s3 =	rddreg [dreg:$0x2];
	[bflag:$0x3] =	sbarrier.arrive $0xFFFF;
	s2 =	simm.s32 @!p0 $0x1C03  }
0x23e: {  	[timem:s3], [sflag:s2] =	dma.local @!p0 [hbm:s0], s1  }
0x23f: {  	s0 =	simm.s32 @!p0 $0x3  }
0x240: {  	_ =	swait.ge @!p0 [sflag:s0], s1  }
0x241: {  	s1 =	ssub.s32 @!p0 $0x0, s1;
	[sflag:s0] =	ssyncset.done @!p0 $0x0  }
0x242: {  	[sflag:s0] =	ssyncadd.s32 @!p0 s1  }
0x243: {  	[bflag:$0x3] =	sbarrier.arrive $0xFFFF  }
0x244: {  	_ =	shalt  }

</sc_bundles>
